<compile_context>
chip_gen: v7x
topology: tpu7x:2x2x1
jax: 0.10.2.dev20260603
libtpu: 0.0.44.dev20260713+nightly
codegen_flags: <defaults>
</compile_context>

<pallas_src>
import functools

import jax
import jax.numpy as jnp
from jax import lax
from jax.experimental import pallas as pl
from jax.experimental.pallas import tpu as pltpu
from jax.experimental.pallas import tpu_sc as plsc

_N, _G, _E, _D = 10000, 32, 320000, 128
_DH = _D // 2
_NP = 12800
_R = 400
_B = 80
_NBT = _E // 16 // _B
_RPS = _NP // 16
_EB = _E // _B
_CH = 2000


def _ssilu(x):
    return (x * jax.nn.sigmoid(x)) * (1.0 / 0.6)


def _node_body(an_ref, n2g_ref, pos_ref, emb_ref, we_ref, be_ref, cell_ref,
               es_ref, ed_ref,
               h_ref, mab_ref, wa_ref, wb_ref, pk_ref):
    c9 = cell_ref[...]
    a, b, c, d, e, f, g, h, i = [c9[:, k:k + 1] for k in range(9)]
    c11 = e * i - f * h
    c12 = -(d * i - f * g)
    c13 = d * h - e * g
    det = a * c11 + b * c12 + c * c13
    inv9 = jnp.concatenate([
        c11, -(b * i - c * h), b * f - c * e,
        c12, a * i - c * g, -(a * f - c * d),
        c13, -(a * h - b * g), a * e - b * d,
    ], axis=1) / det

    an = an_ref[...]
    oh = (an == lax.broadcasted_iota(jnp.int32, (_R, 100), 1)).astype(jnp.float32)
    hh = jnp.dot(oh, emb_ref[...], preferred_element_type=jnp.float32)
    h_ref[...] = hh
    m = _ssilu(jnp.dot(hh, we_ref[...], preferred_element_type=jnp.float32)
               + be_ref[...])
    mab_ref[0, :, :] = m[:, :_DH]
    mab_ref[1, :, :] = m[:, _DH:]

    n2g = n2g_ref[...]
    ohg = (n2g == lax.broadcasted_iota(jnp.int32, (_R, _G), 1)).astype(jnp.float32)
    ci = jnp.dot(ohg, inv9, preferred_element_type=jnp.float32)
    pos = pos_ref[...]
    q = []
    for j in range(3):
        v = (pos[:, 0:1] * ci[:, j:j + 1]
             + pos[:, 1:2] * ci[:, 3 + j:4 + j]
             + pos[:, 2:3] * ci[:, 6 + j:7 + j])
        v = v - jnp.floor(v)
        q.append(jnp.minimum(jnp.floor(v * 65536.0), 65535.0).astype(jnp.int32))
    wa_ref[...] = q[0] + q[1] * 65536
    wb_ref[...] = q[2] + n2g * 65536

    pk_ref[...] = ed_ref[...] * 16384 + es_ref[...]


def _node_call(an, n2g, pos, emb, we, be, cell9, e2):
    grid = _N // _R
    return pl.pallas_call(
        _node_body,
        grid=(grid,),
        in_specs=[
            pl.BlockSpec((_R, 1), lambda i: (i, 0)),
            pl.BlockSpec((_R, 1), lambda i: (i, 0)),
            pl.BlockSpec((_R, 3), lambda i: (i, 0)),
            pl.BlockSpec((100, _D), lambda i: (0, 0)),
            pl.BlockSpec((_D, _D), lambda i: (0, 0)),
            pl.BlockSpec((1, _D), lambda i: (0, 0)),
            pl.BlockSpec((_G, 9), lambda i: (0, 0)),
            pl.BlockSpec((_EB // (_N // _R), _B), lambda i: (i, 0)),
            pl.BlockSpec((_EB // (_N // _R), _B), lambda i: (i + _N // _R, 0)),
        ],
        out_specs=[
            pl.BlockSpec((_R, _D), lambda i: (i, 0)),
            pl.BlockSpec((2, _R, _DH), lambda i: (0, i, 0)),
            pl.BlockSpec((_R, 1), lambda i: (i, 0)),
            pl.BlockSpec((_R, 1), lambda i: (i, 0)),
            pl.BlockSpec((_EB // (_N // _R), _B), lambda i: (i, 0)),
        ],
        out_shape=[
            jax.ShapeDtypeStruct((_N, _D), jnp.float32),
            jax.ShapeDtypeStruct((2, _N, _DH), jnp.float32),
            jax.ShapeDtypeStruct((_N, 1), jnp.int32),
            jax.ShapeDtypeStruct((_N, 1), jnp.int32),
            jax.ShapeDtypeStruct((_EB, _B), jnp.int32),
        ],
    )(an, n2g, pos, emb, we, be, cell9, e2, e2)


def _splat_i32(v):
    return jnp.full((16,), v, dtype=jnp.int32)


def _edge_body(pk_hbm, wa_hbm, wb_hbm, cell_hbm, m2_hbm, out_hbm,
               wa_v, wb_v, cell_v, pk_c, cpk, cgate, sidx0, sidx1,
               didx0, didx1, rows0, rows1, agg_sh,
               gsem0, gsem1, ssem0, ssem1):
    cid = lax.axis_index("c")
    sid = lax.axis_index("s")

    pltpu.sync_copy(wa_hbm, wa_v)
    pltpu.sync_copy(wb_hbm, wb_v)
    pltpu.sync_copy(cell_hbm, cell_v)
    pltpu.sync_copy(pk_hbm.at[pl.ds(sid * _NBT, _NBT)], pk_c)

    def _zf(r, carry):
        for q in range(_DH // 16):
            rows0[r, pl.ds(q * 16, 16)] = jnp.zeros((16,), jnp.float32)
        return carry
    lax.fori_loop(0, _B, _zf, 0)
    row0 = sid * _RPS

    def _zc(t, carry):
        pltpu.sync_copy(rows0, agg_sh.at[pl.ds(row0 + t * _B, _B)])
        return carry
    lax.fori_loop(0, _RPS // _B, _zc, 0)
    plsc.subcore_barrier()

    moff = cid * _N
    sidx = (sidx0, sidx1)
    didx = (didx0, didx1)
    rows = (rows0, rows1)
    gsem = (gsem0, gsem1)
    ssem = (ssem0, ssem1)
    zi16 = jnp.zeros((16,), jnp.int32)
    zf16 = jnp.zeros((16,), jnp.float32)
    lane = lax.iota(jnp.int32, 16)
    u16scale = jnp.full((16,), 1.0 / 65536.0, jnp.float32)

    def build_idx(b, p):
        off = pl.multiple_of(b * _B, 16)
        def _bi(k, carry):
            v = cpk[pl.ds(off + k * 16, 16)]
            sidx[p][pl.ds(k * 16, 16)] = (v & 16383) + moff
            didx[p][pl.ds(k * 16, 16)] = lax.shift_right_logical(v, 14)
            return carry
        lax.fori_loop(0, _B // 16, _bi, 0)

    def scale(b, p):
        boff = b * _B
        def _s(e4, carry):
            for u in range(4):
                ei = e4 * 4 + u
                gs = plsc.load_gather(cgate, [_splat_i32(boff + ei)])
                for q in range(_DH // 16):
                    rows[p][ei, pl.ds(q * 16, 16)] = rows[p][ei, pl.ds(q * 16, 16)] * gs
            return carry
        lax.fori_loop(0, _B // 4, _s, 0)

    def _chunk(c, carry):
        crow = c * (_CH // _B)
        def _row(r, wv):
            for k in range(_B // 16):
                v = pk_c[crow + r, pl.ds(k * 16, 16)]
                s16 = v & 16383
                d16 = lax.shift_right_logical(v, 14)
                wsa = plsc.load_gather(wa_v, [s16])
                wda = plsc.load_gather(wa_v, [d16])
                wsb = plsc.load_gather(wb_v, [s16])
                wdb = plsc.load_gather(wb_v, [d16])
                df = []
                for (ws, wd, hi) in ((wsa, wda, 0), (wsa, wda, 1), (wsb, wdb, 0)):
                    if hi == 0:
                        qs = (ws & 65535).astype(jnp.float32)
                        qd = (wd & 65535).astype(jnp.float32)
                    else:
                        qs = lax.shift_right_logical(ws, 16).astype(jnp.float32)
                        qd = lax.shift_right_logical(wd, 16).astype(jnp.float32)
                    x = (qd - qs) * u16scale
                    x = jnp.where(x > 0.5, x - 1.0,
                                  jnp.where(x < -0.5, x + 1.0, x))
                    df.append(x)
                g9 = lax.shift_right_logical(wsb, 16) * 9
                s2 = jnp.full((16,), 1e-12, jnp.float32)
                for j3 in range(3):
                    dv = jnp.zeros((16,), jnp.float32)
                    for comp in range(3):
                        ce = plsc.load_gather(cell_v, [g9 + _splat_i32(comp * 3 + j3)])
                        dv = dv + df[comp] * ce
                    s2 = s2 + dv * dv
                keep = s2 < 16.0
                g = jnp.exp(s2 * (-1.0 / 16.0))
                pos = wv + plsc.cumsum(keep.astype(jnp.int32)) - 1
                plsc.store_scatter(cpk, [pos], v, mask=keep)
                plsc.store_scatter(cgate, [pos], g, mask=keep)
                wv = wv + plsc.all_reduce_population_count(keep)
            return wv
        wv = lax.fori_loop(0, _CH // _B, _row, zi16)
        for kk in range(_B // 16):
            pad = wv + lane + kk * 16
            plsc.store_scatter(cpk, [pad], zi16)
            plsc.store_scatter(cgate, [pad], zf16)
        cnt = lax.reduce_max(wv, axes=(0,))
        nb = (cnt + (_B - 1)) // _B

        @pl.when(nb > 0)
        def _pro():
            build_idx(0, 0)
            pltpu.async_copy(m2_hbm.at[sidx[0]], rows[0], gsem[0])

        def _iter(t, carry2):
            for p in (0, 1):
                b = t * 2 + p
                q = 1 - p
                @pl.when(b < nb)
                def _do():
                    bn = jnp.minimum(b + 1, nb - 1)
                    @pl.when(b >= 1)
                    def _drain_s():
                        pltpu.make_async_copy(rows[q], agg_sh.at[didx[q]],
                                              ssem[q]).wait()
                    build_idx(bn, q)
                    pltpu.async_copy(m2_hbm.at[sidx[q]], rows[q], gsem[q])
                    pltpu.make_async_copy(m2_hbm.at[sidx[p]], rows[p],
                                          gsem[p]).wait()
                    scale(b, p)
                    pltpu.async_copy(rows[p], agg_sh.at[didx[p]], ssem[p],
                                     add=True)
            return carry2
        lax.fori_loop(0, (_CH // _B + 2) // 2, _iter, 0)

        @pl.when(nb > 0)
        def _epi():
            @pl.when(nb % 2 == 0)
            def _e0():
                pltpu.make_async_copy(m2_hbm.at[sidx[0]], rows[0], gsem[0]).wait()
                pltpu.make_async_copy(rows[1], agg_sh.at[didx[1]], ssem[1]).wait()
            @pl.when(nb % 2 == 1)
            def _e1():
                pltpu.make_async_copy(m2_hbm.at[sidx[1]], rows[1], gsem[1]).wait()
                pltpu.make_async_copy(rows[0], agg_sh.at[didx[0]], ssem[0]).wait()
        return carry
    lax.fori_loop(0, _NBT // (_CH // _B), _chunk, 0)

    plsc.subcore_barrier()
    out_row = cid * _NP + row0
    pltpu.sync_copy(agg_sh.at[pl.ds(row0, _RPS)], out_hbm.at[pl.ds(out_row, _RPS)])


def _edge_call(pk, wa, wb, cell9, m2):
    mesh = plsc.VectorSubcoreMesh(core_axis_name="c", subcore_axis_name="s")
    k = functools.partial(
        pl.kernel,
        out_type=jax.ShapeDtypeStruct((2 * _NP, _DH), jnp.float32),
        mesh=mesh,
        compiler_params=pltpu.CompilerParams(needs_layout_passes=False,
                                             use_tc_tiling_on_sc=False),
        scratch_types=[
            pltpu.VMEM((_N,), jnp.int32),
            pltpu.VMEM((_N,), jnp.int32),
            pltpu.VMEM((_G * 9,), jnp.float32),
            pltpu.VMEM((_NBT, _B), jnp.int32),
            pltpu.VMEM((_CH + _B,), jnp.int32),
            pltpu.VMEM((_CH + _B,), jnp.float32),
            pltpu.VMEM((_B,), jnp.int32),
            pltpu.VMEM((_B,), jnp.int32),
            pltpu.VMEM((_B,), jnp.int32),
            pltpu.VMEM((_B,), jnp.int32),
            pltpu.VMEM((_B, _DH), jnp.float32),
            pltpu.VMEM((_B, _DH), jnp.float32),
            pltpu.VMEM_SHARED((_NP, _DH), jnp.float32),
            pltpu.SemaphoreType.DMA,
            pltpu.SemaphoreType.DMA,
            pltpu.SemaphoreType.DMA,
            pltpu.SemaphoreType.DMA,
        ],
    )(_edge_body)
    return k(pk, wa, wb, cell9, m2)


def _head_body(h_ref, a0_ref, a1_ref, fx_ref, ma_ref, n2g_ref,
               w1_ref, b1_ref, w2_ref, b2_ref, y_ref,
               loss_ref, pred_ref, psum, csum):
    i = pl.program_id(0)

    @pl.when(i == 0)
    def _init():
        psum[...] = jnp.zeros_like(psum)
        csum[...] = jnp.zeros_like(csum)

    scale = (jnp.where(fx_ref[...] > 0, 0.0, 1.0)
             * jnp.where(ma_ref[...] > 0, 1.5, 1.0))
    agg = jnp.concatenate([a0_ref[...], a1_ref[...]], axis=1)
    h2 = (h_ref[...] + agg) * scale
    t = _ssilu(jnp.dot(h2, w1_ref[...], preferred_element_type=jnp.float32)
               + b1_ref[...])
    p = jax.nn.sigmoid(jnp.dot(t, w2_ref[...], preferred_element_type=jnp.float32)
                       + b2_ref[...])
    ohg = (n2g_ref[...] == lax.broadcasted_iota(jnp.int32, (_R, _G), 1)
           ).astype(jnp.float32)
    dn = (((0,), (0,)), ((), ()))
    psum[...] += lax.dot_general(ohg, p, dn, preferred_element_type=jnp.float32)
    csum[...] += lax.dot_general(ohg, jnp.ones((_R, 1), jnp.float32), dn,
                                 preferred_element_type=jnp.float32)

    @pl.when(i == (_N // _R) - 1)
    def _fin():
        pred = psum[...] / jnp.maximum(csum[...], 1.0)
        pred_ref[...] = pred
        pc = jnp.clip(pred, 1e-7, 1.0 - 1e-7)
        y = y_ref[...]
        ll = y * jnp.log(pc) + (1.0 - y) * jnp.log(1.0 - pc)
        loss_ref[...] = jnp.full((1, 1), -jnp.mean(ll), jnp.float32)


def _head_call(h, a0, a1, fx, ma, n2g, w1, b1, w2, b2, y):
    grid = _N // _R
    return pl.pallas_call(
        _head_body,
        grid=(grid,),
        in_specs=[
            pl.BlockSpec((_R, _D), lambda i: (i, 0)),
            pl.BlockSpec((_R, _DH), lambda i: (i, 0)),
            pl.BlockSpec((_R, _DH), lambda i: (i + _NP // _R, 0)),
            pl.BlockSpec((_R, 1), lambda i: (i, 0)),
            pl.BlockSpec((_R, 1), lambda i: (i, 0)),
            pl.BlockSpec((_R, 1), lambda i: (i, 0)),
            pl.BlockSpec((_D, _D // 2), lambda i: (0, 0)),
            pl.BlockSpec((1, _D // 2), lambda i: (0, 0)),
            pl.BlockSpec((_D // 2, 1), lambda i: (0, 0)),
            pl.BlockSpec((1, 1), lambda i: (0, 0)),
            pl.BlockSpec((_G, 1), lambda i: (0, 0)),
        ],
        out_specs=[
            pl.BlockSpec((1, 1), lambda i: (0, 0)),
            pl.BlockSpec((_G, 1), lambda i: (0, 0)),
        ],
        out_shape=[
            jax.ShapeDtypeStruct((1, 1), jnp.float32),
            jax.ShapeDtypeStruct((_G, 1), jnp.float32),
        ],
        scratch_shapes=[
            pltpu.VMEM((_G, 1), jnp.float32),
            pltpu.VMEM((_G, 1), jnp.float32),
        ],
    )(h, a0, a1, fx, ma, n2g, w1, b1, w2, b2, y)


def kernel(pos, cell, emb_table, W_edge, b_edge, W1, b1, W2, b2,
           atomic_numbers, node2graph, fixed, mask_ads, label, edge_index):
    an = atomic_numbers.astype(jnp.int32).reshape(_N, 1)
    n2g = node2graph.astype(jnp.int32)
    cell9 = cell.astype(jnp.float32).reshape(_G, 9)
    e2 = edge_index.astype(jnp.int32).reshape(2 * _EB, _B)
    h, mAB, wa, wb, pk = _node_call(an, n2g.reshape(_N, 1),
                                    pos.astype(jnp.float32), emb_table, W_edge,
                                    b_edge.reshape(1, _D), cell9, e2)
    m2 = mAB.reshape(2 * _N, _DH)
    agg2 = _edge_call(pk, wa.reshape(_N), wb.reshape(_N),
                      cell9.reshape(_G * 9), m2)
    loss, pred = _head_call(
        h, agg2, agg2,
        fixed.astype(jnp.int32).reshape(_N, 1),
        mask_ads.astype(jnp.int32).reshape(_N, 1),
        n2g.reshape(_N, 1),
        W1, b1.reshape(1, _D // 2), W2, b2.reshape(1, 1),
        label.astype(jnp.float32).reshape(_G, 1))
    return (loss.reshape(()), pred)

# --- scband reference (transcript-rebuilt; emitter-appended) ---
"""Pipeline reference for scband-binary-classification-model-27693949125343 (READ-ONLY COPY).

The authoritative reference and input builder live on the scoring server;
editing this copy changes nothing except your own understanding.
"""

import jax, jax.numpy as jnp
import numpy as np


def scaled_silu(x):
    return jax.nn.silu(x) * (1.0 / 0.6)


def setup_inputs(seed: int = 0) -> dict:
    key = jax.random.key(seed)
    ks = [jax.random.fold_in(key, i) for i in range(12)]
    N, G, E, D = 10000, 32, 320000, 128
    pos = jax.random.uniform(ks[0], (N, 3), dtype=jnp.float32) * 10.0
    atomic_numbers = jax.random.randint(ks[1], (N,), 0, 100)
    node2graph = jnp.sort(jax.random.randint(ks[2], (N,), 0, G))
    cell = jnp.eye(3, dtype=jnp.float32)[None, :, :] * 10.0 + 0.1 * jax.random.normal(ks[3], (G, 3, 3), dtype=jnp.float32)
    fixed = jax.random.randint(ks[4], (N,), 0, 2).astype(bool)
    mask_ads = jax.random.randint(ks[5], (N,), 0, 2).astype(bool)
    label = jax.random.randint(ks[6], (G,), 0, 2)
    edge_index = jax.random.randint(ks[7], (2, E), 0, N)
    emb_table = jax.random.normal(ks[8], (100, D), dtype=jnp.float32) * 0.1
    W_edge = jax.random.normal(ks[9], (D, D), dtype=jnp.float32) * (1.0 / np.sqrt(D))
    b_edge = jnp.zeros((D,), dtype=jnp.float32)
    W1 = jax.random.normal(ks[10], (D, D // 2), dtype=jnp.float32) * (1.0 / np.sqrt(D))
    b1 = jnp.zeros((D // 2,), dtype=jnp.float32)
    W2 = jax.random.normal(ks[11], (D // 2, 1), dtype=jnp.float32) * (1.0 / np.sqrt(D // 2))
    b2 = jnp.zeros((1,), dtype=jnp.float32)
    return dict(pos=pos, cell=cell, emb_table=emb_table, W_edge=W_edge, b_edge=b_edge,
                W1=W1, b1=b1, W2=W2, b2=b2, atomic_numbers=atomic_numbers,
                node2graph=node2graph, fixed=fixed, mask_ads=mask_ads, label=label,
                edge_index=edge_index)


def reference(pos, cell, emb_table, W_edge, b_edge, W1, b1, W2, b2,
              atomic_numbers, node2graph, fixed, mask_ads, label, edge_index):
    N = pos.shape[0]
    G = cell.shape[0]
    CUTOFF = 4.0
    # fractional coords with per-graph cell (batch_matmul + wrap into unit cell)
    cell_inv = jnp.linalg.inv(cell)
    ci = cell_inv[node2graph]
    c = cell[node2graph]
    pos_frac = jnp.einsum('ni,nij->nj', pos, ci) % 1.0
    pos_cart = jnp.einsum('ni,nij->nj', pos_frac, c)
    # PBC edges: minimum-image distance over candidate edge list
    src = edge_index[0]
    dst = edge_index[1]
    dfrac = pos_frac[dst] - pos_frac[src]
    dfrac = dfrac - jnp.round(dfrac)
    dist_vec = jnp.einsum('ei,eij->ej', dfrac, c[src])
    dist = jnp.sqrt(jnp.sum(dist_vec ** 2, axis=-1) + 1e-12)
    within = (dist < CUTOFF).astype(pos.dtype)
    # network: embedding + one distance-gated message-passing round
    h = emb_table[atomic_numbers]
    gate = (jnp.exp(-(dist ** 2) / (CUTOFF ** 2)) * within)[:, None]
    msg = scaled_silu(h[src] @ W_edge + b_edge) * gate
    agg = jax.ops.segment_sum(msg, dst, num_segments=N)
    h = h + agg
    h = h * jnp.where(fixed, 0.0, 1.0)[:, None]
    h = jnp.where(mask_ads[:, None], 1.5 * h, h)
    # node_out head: Linear -> ScaledSiLU -> Linear -> Sigmoid
    p_node = jax.nn.sigmoid(scaled_silu(h @ W1 + b1) @ W2 + b2)
    # scatter mean over graphs
    ones = jnp.ones((N, 1), dtype=pos.dtype)
    counts = jax.ops.segment_sum(ones, node2graph, num_segments=G)
    pred = jax.ops.segment_sum(p_node, node2graph, num_segments=G) / jnp.maximum(counts, 1.0)
    # BCE loss
    y = label.astype(pos.dtype)[:, None]
    p = jnp.clip(pred, 1e-7, 1.0 - 1e-7)
    loss = -jnp.mean(y * jnp.log(p) + (1.0 - y) * jnp.log(1.0 - p))
    return (loss, pred)

if __name__ == "__main__":
    import jax
    _d = setup_inputs()
    print(jax.jit(kernel)(*tuple(_d.values())))

</pallas_src>

<mosaic_0001>
#map = affine_map<(d0, d1) -> (0, 0)>
#map1 = affine_map<(d0, d1) -> (0)>
module attributes {stable_mosaic.version = 14 : i64} {
  func.func @_edge_body(%arg0: i32, %arg1: i32, %arg2: memref<4000x80xi32, #tpu.memory_space<hbm>>, %arg3: memref<10000xi32, #tpu.memory_space<hbm>>, %arg4: memref<10000xi32, #tpu.memory_space<hbm>>, %arg5: memref<288xf32, #tpu.memory_space<hbm>>, %arg6: memref<20000x64xf32, #tpu.memory_space<hbm>>, %arg7: memref<25600x64xf32, #tpu.memory_space<hbm>>, %arg8: memref<10000xi32, #tpu.memory_space<vmem>>, %arg9: memref<10000xi32, #tpu.memory_space<vmem>>, %arg10: memref<288xf32, #tpu.memory_space<vmem>>, %arg11: memref<250x80xi32, #tpu.memory_space<vmem>>, %arg12: memref<2080xi32, #tpu.memory_space<vmem>>, %arg13: memref<2080xf32, #tpu.memory_space<vmem>>, %arg14: memref<80xi32, #tpu.memory_space<vmem>>, %arg15: memref<80xi32, #tpu.memory_space<vmem>>, %arg16: memref<80xi32, #tpu.memory_space<vmem>>, %arg17: memref<80xi32, #tpu.memory_space<vmem>>, %arg18: memref<80x64xf32, #tpu.memory_space<vmem>>, %arg19: memref<80x64xf32, #tpu.memory_space<vmem>>, %arg20: memref<12800x64xf32, #tpu.memory_space<vmem_shared>>, %arg21: memref<!tpu.dma_semaphore, #tpu.memory_space<semaphore_mem>>, %arg22: memref<!tpu.dma_semaphore, #tpu.memory_space<semaphore_mem>>, %arg23: memref<!tpu.dma_semaphore, #tpu.memory_space<semaphore_mem>>, %arg24: memref<!tpu.dma_semaphore, #tpu.memory_space<semaphore_mem>>) attributes {dimension_semantics = [#tpu.dimension_semantics<core_parallel>, #tpu.dimension_semantics<subcore_parallel>], iteration_bounds = array<i64: 2, 16>, scalar_prefetch = 0 : i64, scratch_operands = 17 : i64, tpu.core_type = #tpu.core_type<sc_vector_subcore>, window_params = [{transform_indices = #map}, {transform_indices = #map1}, {transform_indices = #map1}, {transform_indices = #map1}, {transform_indices = #map}, {transform_indices = #map}]} {
    "tpu.region"() ({
      %run_scoped3A = tpu.sem_alloc : memref<!tpu.dma_semaphore, #tpu.memory_space<semaphore_mem>>
      tpu.enqueue_dma source(%arg3 : memref<10000xi32, #tpu.memory_space<hbm>>) target(%arg8 : memref<10000xi32, #tpu.memory_space<vmem>>) target_semaphore(%run_scoped3A : memref<!tpu.dma_semaphore, #tpu.memory_space<semaphore_mem>>)
      tpu.wait_dma2 semaphore(%run_scoped3A : memref<!tpu.dma_semaphore, #tpu.memory_space<semaphore_mem>>) src(%arg3 : memref<10000xi32, #tpu.memory_space<hbm>>) dst(%arg8 : memref<10000xi32, #tpu.memory_space<vmem>>)
      tpu.yield
    }) : () -> ()
    "tpu.region"() ({
      %run_scoped3A = tpu.sem_alloc : memref<!tpu.dma_semaphore, #tpu.memory_space<semaphore_mem>>
      tpu.enqueue_dma source(%arg4 : memref<10000xi32, #tpu.memory_space<hbm>>) target(%arg9 : memref<10000xi32, #tpu.memory_space<vmem>>) target_semaphore(%run_scoped3A : memref<!tpu.dma_semaphore, #tpu.memory_space<semaphore_mem>>)
      tpu.wait_dma2 semaphore(%run_scoped3A : memref<!tpu.dma_semaphore, #tpu.memory_space<semaphore_mem>>) src(%arg4 : memref<10000xi32, #tpu.memory_space<hbm>>) dst(%arg9 : memref<10000xi32, #tpu.memory_space<vmem>>)
      tpu.yield
    }) : () -> ()
    "tpu.region"() ({
      %run_scoped3A = tpu.sem_alloc : memref<!tpu.dma_semaphore, #tpu.memory_space<semaphore_mem>>
      tpu.enqueue_dma source(%arg5 : memref<288xf32, #tpu.memory_space<hbm>>) target(%arg10 : memref<288xf32, #tpu.memory_space<vmem>>) target_semaphore(%run_scoped3A : memref<!tpu.dma_semaphore, #tpu.memory_space<semaphore_mem>>)
      tpu.wait_dma2 semaphore(%run_scoped3A : memref<!tpu.dma_semaphore, #tpu.memory_space<semaphore_mem>>) src(%arg5 : memref<288xf32, #tpu.memory_space<hbm>>) dst(%arg10 : memref<288xf32, #tpu.memory_space<vmem>>)
      tpu.yield
    }) : () -> ()
    %mul3A = arith.constant 250 : i32
    %mul3A_0 = arith.muli %arg1, %mul3A : i32
    "tpu.region"() ({
      %run_scoped3A = tpu.sem_alloc : memref<!tpu.dma_semaphore, #tpu.memory_space<semaphore_mem>>
      %dma_start3A = arith.constant 0 : i32
      %dma_start3A_30 = tpu.memref_slice %arg2[%mul3A_0, %dma_start3A] : memref<4000x80xi32, #tpu.memory_space<hbm>> -> memref<250x80xi32, #tpu.memory_space<hbm>>
      %dma_start3A_31 = arith.constant 0 : i32
      %dma_start3A_32 = tpu.memref_slice %arg2[%mul3A_0, %dma_start3A_31] : memref<4000x80xi32, #tpu.memory_space<hbm>> -> memref<250x80xi32, #tpu.memory_space<hbm>>
      tpu.enqueue_dma source(%dma_start3A_32 : memref<250x80xi32, #tpu.memory_space<hbm>>) target(%arg11 : memref<250x80xi32, #tpu.memory_space<vmem>>) target_semaphore(%run_scoped3A : memref<!tpu.dma_semaphore, #tpu.memory_space<semaphore_mem>>)
      %dma_wait3A = arith.constant 0 : i32
      %dma_wait3A_33 = tpu.memref_slice %arg2[%mul3A_0, %dma_wait3A] : memref<4000x80xi32, #tpu.memory_space<hbm>> -> memref<250x80xi32, #tpu.memory_space<hbm>>
      %dma_wait3A_34 = arith.constant 0 : i32
      %dma_wait3A_35 = tpu.memref_slice %arg2[%mul3A_0, %dma_wait3A_34] : memref<4000x80xi32, #tpu.memory_space<hbm>> -> memref<250x80xi32, #tpu.memory_space<hbm>>
      tpu.wait_dma2 semaphore(%run_scoped3A : memref<!tpu.dma_semaphore, #tpu.memory_space<semaphore_mem>>) src(%dma_wait3A_35 : memref<250x80xi32, #tpu.memory_space<hbm>>) dst(%arg11 : memref<250x80xi32, #tpu.memory_space<vmem>>)
      tpu.yield
    }) : () -> ()
    %scan3A = arith.constant 0 : i32
    %scan3A_1 = arith.constant 0 : i32
    %scan3A_2 = arith.constant 80 : i32
    %scan3A_3 = arith.addi %scan3A_1, %scan3A_2 : i32
    %scan3A_4 = arith.constant 1 : i32
    scf.for %scan3A_30 = %scan3A_1 to %scan3A_3 step %scan3A_4  : i32 {
      %broadcast_in_dim3A_31 = arith.constant 0.000000e+00 : f32
      %broadcast_in_dim3A_32 = vector.broadcast %broadcast_in_dim3A_31 : f32 to vector<16xf32>
      %swap3A = arith.index_cast %scan3A_30 : i32 to index
      %swap3A_33 = arith.constant 0 : index
      %swap3A_34 = tpu.vector_load %arg18[%swap3A, %swap3A_33] {strides = array<i32>} : memref<80x64xf32, #tpu.memory_space<vmem>>, vector<16xf32>,
      tpu.vector_store %arg18[%swap3A, %swap3A_33], %broadcast_in_dim3A_32 {strides = array<i32>} : memref<80x64xf32, #tpu.memory_space<vmem>>, vector<16xf32>,
      %broadcast_in_dim3A_35 = arith.constant 0.000000e+00 : f32
      %broadcast_in_dim3A_36 = vector.broadcast %broadcast_in_dim3A_35 : f32 to vector<16xf32>
      %swap3A_37 = arith.index_cast %scan3A_30 : i32 to index
      %swap3A_38 = arith.constant 16 : index
      %swap3A_39 = tpu.vector_load %arg18[%swap3A_37, %swap3A_38] {strides = array<i32>} : memref<80x64xf32, #tpu.memory_space<vmem>>, vector<16xf32>,
      tpu.vector_store %arg18[%swap3A_37, %swap3A_38], %broadcast_in_dim3A_36 {strides = array<i32>} : memref<80x64xf32, #tpu.memory_space<vmem>>, vector<16xf32>,
      %broadcast_in_dim3A_40 = arith.constant 0.000000e+00 : f32
      %broadcast_in_dim3A_41 = vector.broadcast %broadcast_in_dim3A_40 : f32 to vector<16xf32>
      %swap3A_42 = arith.index_cast %scan3A_30 : i32 to index
      %swap3A_43 = arith.constant 32 : index
      %swap3A_44 = tpu.vector_load %arg18[%swap3A_42, %swap3A_43] {strides = array<i32>} : memref<80x64xf32, #tpu.memory_space<vmem>>, vector<16xf32>,
      tpu.vector_store %arg18[%swap3A_42, %swap3A_43], %broadcast_in_dim3A_41 {strides = array<i32>} : memref<80x64xf32, #tpu.memory_space<vmem>>, vector<16xf32>,
      %broadcast_in_dim3A_45 = arith.constant 0.000000e+00 : f32
      %broadcast_in_dim3A_46 = vector.broadcast %broadcast_in_dim3A_45 : f32 to vector<16xf32>
      %swap3A_47 = arith.index_cast %scan3A_30 : i32 to index
      %swap3A_48 = arith.constant 48 : index
      %swap3A_49 = tpu.vector_load %arg18[%swap3A_47, %swap3A_48] {strides = array<i32>} : memref<80x64xf32, #tpu.memory_space<vmem>>, vector<16xf32>,
      tpu.vector_store %arg18[%swap3A_47, %swap3A_48], %broadcast_in_dim3A_46 {strides = array<i32>} : memref<80x64xf32, #tpu.memory_space<vmem>>, vector<16xf32>,
    }
    %scan3A_5 = arith.constant 80 : i32
    %mul3A_6 = arith.constant 800 : i32
    %mul3A_7 = arith.muli %arg1, %mul3A_6 : i32
    %scan3A_8 = arith.constant 0 : i32
    %scan3A_9 = arith.constant 0 : i32
    %scan3A_10 = arith.constant 10 : i32
    %scan3A_11 = arith.addi %scan3A_9, %scan3A_10 : i32
    %scan3A_12 = arith.constant 1 : i32
    scf.for %scan3A_30 = %scan3A_9 to %scan3A_11 step %scan3A_12  : i32 {
      %mul3A_31 = arith.constant 80 : i32
      %mul3A_32 = arith.muli %scan3A_30, %mul3A_31 : i32
      %add3A_33 = arith.addi %mul3A_7, %mul3A_32 : i32
      "tpu.region"() ({
        %run_scoped3A = tpu.sem_alloc : memref<!tpu.dma_semaphore, #tpu.memory_space<semaphore_mem>>
        %dma_start3A = arith.constant 0 : i32
        %dma_start3A_34 = tpu.memref_slice %arg20[%add3A_33, %dma_start3A] : memref<12800x64xf32, #tpu.memory_space<vmem_shared>> -> memref<80x64xf32, #tpu.memory_space<vmem_shared>>
        %dma_start3A_35 = arith.constant 0 : i32
        %dma_start3A_36 = tpu.memref_slice %arg20[%add3A_33, %dma_start3A_35] : memref<12800x64xf32, #tpu.memory_space<vmem_shared>> -> memref<80x64xf32, #tpu.memory_space<vmem_shared>>
        tpu.enqueue_dma source(%arg18 : memref<80x64xf32, #tpu.memory_space<vmem>>) target(%dma_start3A_36 : memref<80x64xf32, #tpu.memory_space<vmem_shared>>) target_semaphore(%run_scoped3A : memref<!tpu.dma_semaphore, #tpu.memory_space<semaphore_mem>>)
        %dma_wait3A = arith.constant 0 : i32
        %dma_wait3A_37 = tpu.memref_slice %arg20[%add3A_33, %dma_wait3A] : memref<12800x64xf32, #tpu.memory_space<vmem_shared>> -> memref<80x64xf32, #tpu.memory_space<vmem_shared>>
        %dma_wait3A_38 = arith.constant 0 : i32
        %dma_wait3A_39 = tpu.memref_slice %arg20[%add3A_33, %dma_wait3A_38] : memref<12800x64xf32, #tpu.memory_space<vmem_shared>> -> memref<80x64xf32, #tpu.memory_space<vmem_shared>>
        tpu.wait_dma2 semaphore(%run_scoped3A : memref<!tpu.dma_semaphore, #tpu.memory_space<semaphore_mem>>) src(%arg18 : memref<80x64xf32, #tpu.memory_space<vmem>>) dst(%dma_wait3A_39 : memref<80x64xf32, #tpu.memory_space<vmem_shared>>)
        tpu.yield
      }) : () -> ()
    }
    %scan3A_13 = arith.constant 10 : i32
    %barrier3A = arith.constant 0 : index
    tpu.barrier barrier_id(%barrier3A)
    %mul3A_14 = arith.constant 10000 : i32
    %mul3A_15 = arith.muli %arg0, %mul3A_14 : i32
    %broadcast_in_dim3A = arith.constant 0 : i32
    %broadcast_in_dim3A_16 = vector.broadcast %broadcast_in_dim3A : i32 to vector<16xi32>
    %broadcast_in_dim3A_17 = arith.constant 0.000000e+00 : f32
    %broadcast_in_dim3A_18 = vector.broadcast %broadcast_in_dim3A_17 : f32 to vector<16xf32>
    %iota3A = tpu.iota {dimensions = array<i32: 0>} : vector<16xi32>
    %broadcast_in_dim3A_19 = arith.constant 1.52587891E-5 : f32
    %broadcast_in_dim3A_20 = vector.broadcast %broadcast_in_dim3A_19 : f32 to vector<16xf32>
    %scan3A_21 = arith.constant 0 : i32
    %scan3A_22 = arith.constant 0 : i32
    %scan3A_23 = arith.constant 10 : i32
    %scan3A_24 = arith.addi %scan3A_22, %scan3A_23 : i32
    %scan3A_25 = arith.constant 1 : i32
    scf.for %scan3A_30 = %scan3A_22 to %scan3A_24 step %scan3A_25  : i32 {
      %mul3A_31 = arith.constant 25 : i32
      %mul3A_32 = arith.muli %scan3A_30, %mul3A_31 : i32
      %scan3A_33 = arith.constant 0 : i32
      %scan3A_34 = arith.constant 25 : i32
      %scan3A_35 = arith.addi %scan3A_33, %scan3A_34 : i32
      %scan3A_36 = arith.constant 1 : i32
      %scan3A_37 = scf.for %scan3A_97 = %scan3A_33 to %scan3A_35 step %scan3A_36 iter_args(%scan3A_98 = %broadcast_in_dim3A_16) -> (vector<16xi32>)  : i32 {
        %add3A_99 = arith.addi %mul3A_32, %scan3A_97 : i32
        %get3A = arith.index_cast %add3A_99 : i32 to index
        %get3A_100 = arith.constant 0 : index
        %get3A_101 = tpu.vector_load %arg11[%get3A, %get3A_100] {strides = array<i32>} : memref<250x80xi32, #tpu.memory_space<vmem>>, vector<16xi32>,
        %and3A_102 = arith.constant 16383 : i32
        %and3A_103 = vector.broadcast %and3A_102 : i32 to vector<16xi32>
        %and3A_104 = arith.andi %get3A_101, %and3A_103 : vector<16xi32>
        %shift_right_logical3A = arith.constant 14 : i32
        %shift_right_logical3A_105 = vector.broadcast %shift_right_logical3A : i32 to vector<16xi32>
        %shift_right_logical3A_106 = arith.shrui %get3A_101, %shift_right_logical3A_105 : vector<16xi32>
        %gather3A = tpu.vector_load_idx %arg8[%and3A_104] : memref<10000xi32, #tpu.memory_space<vmem>>[vector<16xi32>], vector<16xi32>,
        %gather3A_107 = tpu.vector_load_idx %arg8[%shift_right_logical3A_106] : memref<10000xi32, #tpu.memory_space<vmem>>[vector<16xi32>], vector<16xi32>,
        %gather3A_108 = tpu.vector_load_idx %arg9[%and3A_104] : memref<10000xi32, #tpu.memory_space<vmem>>[vector<16xi32>], vector<16xi32>,
        %gather3A_109 = tpu.vector_load_idx %arg9[%shift_right_logical3A_106] : memref<10000xi32, #tpu.memory_space<vmem>>[vector<16xi32>], vector<16xi32>,
        %and3A_110 = arith.constant 65535 : i32
        %and3A_111 = vector.broadcast %and3A_110 : i32 to vector<16xi32>
        %and3A_112 = arith.andi %gather3A, %and3A_111 : vector<16xi32>
        %convert_element_type3A_113 = arith.sitofp %and3A_112 : vector<16xi32> to vector<16xf32>
        %and3A_114 = arith.constant 65535 : i32
        %and3A_115 = vector.broadcast %and3A_114 : i32 to vector<16xi32>
        %and3A_116 = arith.andi %gather3A_107, %and3A_115 : vector<16xi32>
        %convert_element_type3A_117 = arith.sitofp %and3A_116 : vector<16xi32> to vector<16xf32>
        %sub3A_118 = arith.subf %convert_element_type3A_117, %convert_element_type3A_113 : vector<16xf32>
        %mul3A_119 = arith.mulf %sub3A_118, %broadcast_in_dim3A_20 : vector<16xf32>
        %gt3A_120 = arith.constant 5.000000e-01 : f32
        %gt3A_121 = vector.broadcast %gt3A_120 : f32 to vector<16xf32>
        %gt3A_122 = arith.cmpf ogt, %mul3A_119, %gt3A_121 : vector<16xf32>
        %sub3A_123 = arith.constant 1.000000e+00 : f32
        %sub3A_124 = vector.broadcast %sub3A_123 : f32 to vector<16xf32>
        %sub3A_125 = arith.subf %mul3A_119, %sub3A_124 : vector<16xf32>
        %lt3A = arith.constant -5.000000e-01 : f32
        %lt3A_126 = vector.broadcast %lt3A : f32 to vector<16xf32>
        %lt3A_127 = arith.cmpf olt, %mul3A_119, %lt3A_126 : vector<16xf32>
        %add3A_128 = arith.constant 1.000000e+00 : f32
        %add3A_129 = vector.broadcast %add3A_128 : f32 to vector<16xf32>
        %add3A_130 = arith.addf %mul3A_119, %add3A_129 : vector<16xf32>
        %select_n3A_131 = arith.select %lt3A_127, %add3A_130, %mul3A_119 : vector<16xi1>, vector<16xf32>
        %select_n3A_132 = arith.select %gt3A_122, %sub3A_125, %select_n3A_131 : vector<16xi1>, vector<16xf32>
        %shift_right_logical3A_133 = arith.constant 16 : i32
        %shift_right_logical3A_134 = vector.broadcast %shift_right_logical3A_133 : i32 to vector<16xi32>
        %shift_right_logical3A_135 = arith.shrui %gather3A, %shift_right_logical3A_134 : vector<16xi32>
        %convert_element_type3A_136 = arith.sitofp %shift_right_logical3A_135 : vector<16xi32> to vector<16xf32>
        %shift_right_logical3A_137 = arith.constant 16 : i32
        %shift_right_logical3A_138 = vector.broadcast %shift_right_logical3A_137 : i32 to vector<16xi32>
        %shift_right_logical3A_139 = arith.shrui %gather3A_107, %shift_right_logical3A_138 : vector<16xi32>
        %convert_element_type3A_140 = arith.sitofp %shift_right_logical3A_139 : vector<16xi32> to vector<16xf32>
        %sub3A_141 = arith.subf %convert_element_type3A_140, %convert_element_type3A_136 : vector<16xf32>
        %mul3A_142 = arith.mulf %sub3A_141, %broadcast_in_dim3A_20 : vector<16xf32>
        %gt3A_143 = arith.constant 5.000000e-01 : f32
        %gt3A_144 = vector.broadcast %gt3A_143 : f32 to vector<16xf32>
        %gt3A_145 = arith.cmpf ogt, %mul3A_142, %gt3A_144 : vector<16xf32>
        %sub3A_146 = arith.constant 1.000000e+00 : f32
        %sub3A_147 = vector.broadcast %sub3A_146 : f32 to vector<16xf32>
        %sub3A_148 = arith.subf %mul3A_142, %sub3A_147 : vector<16xf32>
        %lt3A_149 = arith.constant -5.000000e-01 : f32
        %lt3A_150 = vector.broadcast %lt3A_149 : f32 to vector<16xf32>
        %lt3A_151 = arith.cmpf olt, %mul3A_142, %lt3A_150 : vector<16xf32>
        %add3A_152 = arith.constant 1.000000e+00 : f32
        %add3A_153 = vector.broadcast %add3A_152 : f32 to vector<16xf32>
        %add3A_154 = arith.addf %mul3A_142, %add3A_153 : vector<16xf32>
        %select_n3A_155 = arith.select %lt3A_151, %add3A_154, %mul3A_142 : vector<16xi1>, vector<16xf32>
        %select_n3A_156 = arith.select %gt3A_145, %sub3A_148, %select_n3A_155 : vector<16xi1>, vector<16xf32>
        %and3A_157 = arith.constant 65535 : i32
        %and3A_158 = vector.broadcast %and3A_157 : i32 to vector<16xi32>
        %and3A_159 = arith.andi %gather3A_108, %and3A_158 : vector<16xi32>
        %convert_element_type3A_160 = arith.sitofp %and3A_159 : vector<16xi32> to vector<16xf32>
        %and3A_161 = arith.constant 65535 : i32
        %and3A_162 = vector.broadcast %and3A_161 : i32 to vector<16xi32>
        %and3A_163 = arith.andi %gather3A_109, %and3A_162 : vector<16xi32>
        %convert_element_type3A_164 = arith.sitofp %and3A_163 : vector<16xi32> to vector<16xf32>
        %sub3A_165 = arith.subf %convert_element_type3A_164, %convert_element_type3A_160 : vector<16xf32>
        %mul3A_166 = arith.mulf %sub3A_165, %broadcast_in_dim3A_20 : vector<16xf32>
        %gt3A_167 = arith.constant 5.000000e-01 : f32
        %gt3A_168 = vector.broadcast %gt3A_167 : f32 to vector<16xf32>
        %gt3A_169 = arith.cmpf ogt, %mul3A_166, %gt3A_168 : vector<16xf32>
        %sub3A_170 = arith.constant 1.000000e+00 : f32
        %sub3A_171 = vector.broadcast %sub3A_170 : f32 to vector<16xf32>
        %sub3A_172 = arith.subf %mul3A_166, %sub3A_171 : vector<16xf32>
        %lt3A_173 = arith.constant -5.000000e-01 : f32
        %lt3A_174 = vector.broadcast %lt3A_173 : f32 to vector<16xf32>
        %lt3A_175 = arith.cmpf olt, %mul3A_166, %lt3A_174 : vector<16xf32>
        %add3A_176 = arith.constant 1.000000e+00 : f32
        %add3A_177 = vector.broadcast %add3A_176 : f32 to vector<16xf32>
        %add3A_178 = arith.addf %mul3A_166, %add3A_177 : vector<16xf32>
        %select_n3A_179 = arith.select %lt3A_175, %add3A_178, %mul3A_166 : vector<16xi1>, vector<16xf32>
        %select_n3A_180 = arith.select %gt3A_169, %sub3A_172, %select_n3A_179 : vector<16xi1>, vector<16xf32>
        %shift_right_logical3A_181 = arith.constant 16 : i32
        %shift_right_logical3A_182 = vector.broadcast %shift_right_logical3A_181 : i32 to vector<16xi32>
        %shift_right_logical3A_183 = arith.shrui %gather3A_108, %shift_right_logical3A_182 : vector<16xi32>
        %mul3A_184 = arith.constant 9 : i32
        %mul3A_185 = vector.broadcast %mul3A_184 : i32 to vector<16xi32>
        %mul3A_186 = arith.muli %shift_right_logical3A_183, %mul3A_185 : vector<16xi32>
        %broadcast_in_dim3A_187 = arith.constant 9.99999996E-13 : f32
        %broadcast_in_dim3A_188 = vector.broadcast %broadcast_in_dim3A_187 : f32 to vector<16xf32>
        %broadcast_in_dim3A_189 = arith.constant 0.000000e+00 : f32
        %broadcast_in_dim3A_190 = vector.broadcast %broadcast_in_dim3A_189 : f32 to vector<16xf32>
        %broadcast_in_dim3A_191 = arith.constant 0 : i32
        %broadcast_in_dim3A_192 = vector.broadcast %broadcast_in_dim3A_191 : i32 to vector<16xi32>
        %add3A_193 = arith.addi %mul3A_186, %broadcast_in_dim3A_192 : vector<16xi32>
        %gather3A_194 = tpu.vector_load_idx %arg10[%add3A_193] : memref<288xf32, #tpu.memory_space<vmem>>[vector<16xi32>], vector<16xf32>,
        %mul3A_195 = arith.mulf %select_n3A_132, %gather3A_194 : vector<16xf32>
        %add3A_196 = arith.addf %broadcast_in_dim3A_190, %mul3A_195 : vector<16xf32>
        %broadcast_in_dim3A_197 = arith.constant 3 : i32
        %broadcast_in_dim3A_198 = vector.broadcast %broadcast_in_dim3A_197 : i32 to vector<16xi32>
        %add3A_199 = arith.addi %mul3A_186, %broadcast_in_dim3A_198 : vector<16xi32>
        %gather3A_200 = tpu.vector_load_idx %arg10[%add3A_199] : memref<288xf32, #tpu.memory_space<vmem>>[vector<16xi32>], vector<16xf32>,
        %mul3A_201 = arith.mulf %select_n3A_156, %gather3A_200 : vector<16xf32>
        %add3A_202 = arith.addf %add3A_196, %mul3A_201 : vector<16xf32>
        %broadcast_in_dim3A_203 = arith.constant 6 : i32
        %broadcast_in_dim3A_204 = vector.broadcast %broadcast_in_dim3A_203 : i32 to vector<16xi32>
        %add3A_205 = arith.addi %mul3A_186, %broadcast_in_dim3A_204 : vector<16xi32>
        %gather3A_206 = tpu.vector_load_idx %arg10[%add3A_205] : memref<288xf32, #tpu.memory_space<vmem>>[vector<16xi32>], vector<16xf32>,
        %mul3A_207 = arith.mulf %select_n3A_180, %gather3A_206 : vector<16xf32>
        %add3A_208 = arith.addf %add3A_202, %mul3A_207 : vector<16xf32>
        %mul3A_209 = arith.mulf %add3A_208, %add3A_208 : vector<16xf32>
        %add3A_210 = arith.addf %broadcast_in_dim3A_188, %mul3A_209 : vector<16xf32>
        %broadcast_in_dim3A_211 = arith.constant 0.000000e+00 : f32
        %broadcast_in_dim3A_212 = vector.broadcast %broadcast_in_dim3A_211 : f32 to vector<16xf32>
        %broadcast_in_dim3A_213 = arith.constant 1 : i32
        %broadcast_in_dim3A_214 = vector.broadcast %broadcast_in_dim3A_213 : i32 to vector<16xi32>
        %add3A_215 = arith.addi %mul3A_186, %broadcast_in_dim3A_214 : vector<16xi32>
        %gather3A_216 = tpu.vector_load_idx %arg10[%add3A_215] : memref<288xf32, #tpu.memory_space<vmem>>[vector<16xi32>], vector<16xf32>,
        %mul3A_217 = arith.mulf %select_n3A_132, %gather3A_216 : vector<16xf32>
        %add3A_218 = arith.addf %broadcast_in_dim3A_212, %mul3A_217 : vector<16xf32>
        %broadcast_in_dim3A_219 = arith.constant 4 : i32
        %broadcast_in_dim3A_220 = vector.broadcast %broadcast_in_dim3A_219 : i32 to vector<16xi32>
        %add3A_221 = arith.addi %mul3A_186, %broadcast_in_dim3A_220 : vector<16xi32>
        %gather3A_222 = tpu.vector_load_idx %arg10[%add3A_221] : memref<288xf32, #tpu.memory_space<vmem>>[vector<16xi32>], vector<16xf32>,
        %mul3A_223 = arith.mulf %select_n3A_156, %gather3A_222 : vector<16xf32>
        %add3A_224 = arith.addf %add3A_218, %mul3A_223 : vector<16xf32>
        %broadcast_in_dim3A_225 = arith.constant 7 : i32
        %broadcast_in_dim3A_226 = vector.broadcast %broadcast_in_dim3A_225 : i32 to vector<16xi32>
        %add3A_227 = arith.addi %mul3A_186, %broadcast_in_dim3A_226 : vector<16xi32>
        %gather3A_228 = tpu.vector_load_idx %arg10[%add3A_227] : memref<288xf32, #tpu.memory_space<vmem>>[vector<16xi32>], vector<16xf32>,
        %mul3A_229 = arith.mulf %select_n3A_180, %gather3A_228 : vector<16xf32>
        %add3A_230 = arith.addf %add3A_224, %mul3A_229 : vector<16xf32>
        %mul3A_231 = arith.mulf %add3A_230, %add3A_230 : vector<16xf32>
        %add3A_232 = arith.addf %add3A_210, %mul3A_231 : vector<16xf32>
        %broadcast_in_dim3A_233 = arith.constant 0.000000e+00 : f32
        %broadcast_in_dim3A_234 = vector.broadcast %broadcast_in_dim3A_233 : f32 to vector<16xf32>
        %broadcast_in_dim3A_235 = arith.constant 2 : i32
        %broadcast_in_dim3A_236 = vector.broadcast %broadcast_in_dim3A_235 : i32 to vector<16xi32>
        %add3A_237 = arith.addi %mul3A_186, %broadcast_in_dim3A_236 : vector<16xi32>
        %gather3A_238 = tpu.vector_load_idx %arg10[%add3A_237] : memref<288xf32, #tpu.memory_space<vmem>>[vector<16xi32>], vector<16xf32>,
        %mul3A_239 = arith.mulf %select_n3A_132, %gather3A_238 : vector<16xf32>
        %add3A_240 = arith.addf %broadcast_in_dim3A_234, %mul3A_239 : vector<16xf32>
        %broadcast_in_dim3A_241 = arith.constant 5 : i32
        %broadcast_in_dim3A_242 = vector.broadcast %broadcast_in_dim3A_241 : i32 to vector<16xi32>
        %add3A_243 = arith.addi %mul3A_186, %broadcast_in_dim3A_242 : vector<16xi32>
        %gather3A_244 = tpu.vector_load_idx %arg10[%add3A_243] : memref<288xf32, #tpu.memory_space<vmem>>[vector<16xi32>], vector<16xf32>,
        %mul3A_245 = arith.mulf %select_n3A_156, %gather3A_244 : vector<16xf32>
        %add3A_246 = arith.addf %add3A_240, %mul3A_245 : vector<16xf32>
        %broadcast_in_dim3A_247 = arith.constant 8 : i32
        %broadcast_in_dim3A_248 = vector.broadcast %broadcast_in_dim3A_247 : i32 to vector<16xi32>
        %add3A_249 = arith.addi %mul3A_186, %broadcast_in_dim3A_248 : vector<16xi32>
        %gather3A_250 = tpu.vector_load_idx %arg10[%add3A_249] : memref<288xf32, #tpu.memory_space<vmem>>[vector<16xi32>], vector<16xf32>,
        %mul3A_251 = arith.mulf %select_n3A_180, %gather3A_250 : vector<16xf32>
        %add3A_252 = arith.addf %add3A_246, %mul3A_251 : vector<16xf32>
        %mul3A_253 = arith.mulf %add3A_252, %add3A_252 : vector<16xf32>
        %add3A_254 = arith.addf %add3A_232, %mul3A_253 : vector<16xf32>
        %lt3A_255 = arith.constant 1.600000e+01 : f32
        %lt3A_256 = vector.broadcast %lt3A_255 : f32 to vector<16xf32>
        %lt3A_257 = arith.cmpf olt, %add3A_254, %lt3A_256 : vector<16xf32>
        %mul3A_258 = arith.constant -6.250000e-02 : f32
        %mul3A_259 = vector.broadcast %mul3A_258 : f32 to vector<16xf32>
        %mul3A_260 = arith.mulf %add3A_254, %mul3A_259 : vector<16xf32>
        %exp3A = math.exp %mul3A_260 : vector<16xf32>
        %convert_element_type3A_261 = arith.extui %lt3A_257 : vector<16xi1> to vector<16xi32>
        %broadcast_in_dim3A_262 = arith.constant true
        %broadcast_in_dim3A_263 = vector.broadcast %broadcast_in_dim3A_262 : i1 to vector<16xi1>
        %masked_cumsum3A = tpu.scan <sum>, %convert_element_type3A_261 masked %broadcast_in_dim3A_263 : vector<16xi32>, vector<16xi1> -> vector<16xi32>
        %add3A_264 = arith.addi %scan3A_98, %masked_cumsum3A : vector<16xi32>
        %sub3A_265 = arith.constant 1 : i32
        %sub3A_266 = vector.broadcast %sub3A_265 : i32 to vector<16xi32>
        %sub3A_267 = arith.subi %add3A_264, %sub3A_266 : vector<16xi32>
        tpu.vector_store_idx %arg12[%sub3A_267], %get3A_101 masked %lt3A_257 : memref<2080xi32, #tpu.memory_space<vmem>>[vector<16xi32>], vector<16xi32>, vector<16xi1>
        tpu.vector_store_idx %arg13[%sub3A_267], %exp3A masked %lt3A_257 : memref<2080xf32, #tpu.memory_space<vmem>>[vector<16xi32>], vector<16xf32>, vector<16xi1>
        %all_reduce_population_count3A = tpu.all_reduce %lt3A_257 {dim = 0 : i64, kind = #tpu.reduction_kind<sum>} : vector<16xi1> -> vector<16xi32>
        %add3A_268 = arith.addi %scan3A_98, %all_reduce_population_count3A : vector<16xi32>
        %add3A_269 = arith.addi %mul3A_32, %scan3A_97 : i32
        %get3A_270 = arith.index_cast %add3A_269 : i32 to index
        %get3A_271 = arith.constant 16 : index
        %get3A_272 = tpu.vector_load %arg11[%get3A_270, %get3A_271] {strides = array<i32>} : memref<250x80xi32, #tpu.memory_space<vmem>>, vector<16xi32>,
        %and3A_273 = arith.constant 16383 : i32
        %and3A_274 = vector.broadcast %and3A_273 : i32 to vector<16xi32>
        %and3A_275 = arith.andi %get3A_272, %and3A_274 : vector<16xi32>
        %shift_right_logical3A_276 = arith.constant 14 : i32
        %shift_right_logical3A_277 = vector.broadcast %shift_right_logical3A_276 : i32 to vector<16xi32>
        %shift_right_logical3A_278 = arith.shrui %get3A_272, %shift_right_logical3A_277 : vector<16xi32>
        %gather3A_279 = tpu.vector_load_idx %arg8[%and3A_275] : memref<10000xi32, #tpu.memory_space<vmem>>[vector<16xi32>], vector<16xi32>,
        %gather3A_280 = tpu.vector_load_idx %arg8[%shift_right_logical3A_278] : memref<10000xi32, #tpu.memory_space<vmem>>[vector<16xi32>], vector<16xi32>,
        %gather3A_281 = tpu.vector_load_idx %arg9[%and3A_275] : memref<10000xi32, #tpu.memory_space<vmem>>[vector<16xi32>], vector<16xi32>,
        %gather3A_282 = tpu.vector_load_idx %arg9[%shift_right_logical3A_278] : memref<10000xi32, #tpu.memory_space<vmem>>[vector<16xi32>], vector<16xi32>,
        %and3A_283 = arith.constant 65535 : i32
        %and3A_284 = vector.broadcast %and3A_283 : i32 to vector<16xi32>
        %and3A_285 = arith.andi %gather3A_279, %and3A_284 : vector<16xi32>
        %convert_element_type3A_286 = arith.sitofp %and3A_285 : vector<16xi32> to vector<16xf32>
        %and3A_287 = arith.constant 65535 : i32
        %and3A_288 = vector.broadcast %and3A_287 : i32 to vector<16xi32>
        %and3A_289 = arith.andi %gather3A_280, %and3A_288 : vector<16xi32>
        %convert_element_type3A_290 = arith.sitofp %and3A_289 : vector<16xi32> to vector<16xf32>
        %sub3A_291 = arith.subf %convert_element_type3A_290, %convert_element_type3A_286 : vector<16xf32>
        %mul3A_292 = arith.mulf %sub3A_291, %broadcast_in_dim3A_20 : vector<16xf32>
        %gt3A_293 = arith.constant 5.000000e-01 : f32
        %gt3A_294 = vector.broadcast %gt3A_293 : f32 to vector<16xf32>
        %gt3A_295 = arith.cmpf ogt, %mul3A_292, %gt3A_294 : vector<16xf32>
        %sub3A_296 = arith.constant 1.000000e+00 : f32
        %sub3A_297 = vector.broadcast %sub3A_296 : f32 to vector<16xf32>
        %sub3A_298 = arith.subf %mul3A_292, %sub3A_297 : vector<16xf32>
        %lt3A_299 = arith.constant -5.000000e-01 : f32
        %lt3A_300 = vector.broadcast %lt3A_299 : f32 to vector<16xf32>
        %lt3A_301 = arith.cmpf olt, %mul3A_292, %lt3A_300 : vector<16xf32>
        %add3A_302 = arith.constant 1.000000e+00 : f32
        %add3A_303 = vector.broadcast %add3A_302 : f32 to vector<16xf32>
        %add3A_304 = arith.addf %mul3A_292, %add3A_303 : vector<16xf32>
        %select_n3A_305 = arith.select %lt3A_301, %add3A_304, %mul3A_292 : vector<16xi1>, vector<16xf32>
        %select_n3A_306 = arith.select %gt3A_295, %sub3A_298, %select_n3A_305 : vector<16xi1>, vector<16xf32>
        %shift_right_logical3A_307 = arith.constant 16 : i32
        %shift_right_logical3A_308 = vector.broadcast %shift_right_logical3A_307 : i32 to vector<16xi32>
        %shift_right_logical3A_309 = arith.shrui %gather3A_279, %shift_right_logical3A_308 : vector<16xi32>
        %convert_element_type3A_310 = arith.sitofp %shift_right_logical3A_309 : vector<16xi32> to vector<16xf32>
        %shift_right_logical3A_311 = arith.constant 16 : i32
        %shift_right_logical3A_312 = vector.broadcast %shift_right_logical3A_311 : i32 to vector<16xi32>
        %shift_right_logical3A_313 = arith.shrui %gather3A_280, %shift_right_logical3A_312 : vector<16xi32>
        %convert_element_type3A_314 = arith.sitofp %shift_right_logical3A_313 : vector<16xi32> to vector<16xf32>
        %sub3A_315 = arith.subf %convert_element_type3A_314, %convert_element_type3A_310 : vector<16xf32>
        %mul3A_316 = arith.mulf %sub3A_315, %broadcast_in_dim3A_20 : vector<16xf32>
        %gt3A_317 = arith.constant 5.000000e-01 : f32
        %gt3A_318 = vector.broadcast %gt3A_317 : f32 to vector<16xf32>
        %gt3A_319 = arith.cmpf ogt, %mul3A_316, %gt3A_318 : vector<16xf32>
        %sub3A_320 = arith.constant 1.000000e+00 : f32
        %sub3A_321 = vector.broadcast %sub3A_320 : f32 to vector<16xf32>
        %sub3A_322 = arith.subf %mul3A_316, %sub3A_321 : vector<16xf32>
        %lt3A_323 = arith.constant -5.000000e-01 : f32
        %lt3A_324 = vector.broadcast %lt3A_323 : f32 to vector<16xf32>
        %lt3A_325 = arith.cmpf olt, %mul3A_316, %lt3A_324 : vector<16xf32>
        %add3A_326 = arith.constant 1.000000e+00 : f32
        %add3A_327 = vector.broadcast %add3A_326 : f32 to vector<16xf32>
        %add3A_328 = arith.addf %mul3A_316, %add3A_327 : vector<16xf32>
        %select_n3A_329 = arith.select %lt3A_325, %add3A_328, %mul3A_316 : vector<16xi1>, vector<16xf32>
        %select_n3A_330 = arith.select %gt3A_319, %sub3A_322, %select_n3A_329 : vector<16xi1>, vector<16xf32>
        %and3A_331 = arith.constant 65535 : i32
        %and3A_332 = vector.broadcast %and3A_331 : i32 to vector<16xi32>
        %and3A_333 = arith.andi %gather3A_281, %and3A_332 : vector<16xi32>
        %convert_element_type3A_334 = arith.sitofp %and3A_333 : vector<16xi32> to vector<16xf32>
        %and3A_335 = arith.constant 65535 : i32
        %and3A_336 = vector.broadcast %and3A_335 : i32 to vector<16xi32>
        %and3A_337 = arith.andi %gather3A_282, %and3A_336 : vector<16xi32>
        %convert_element_type3A_338 = arith.sitofp %and3A_337 : vector<16xi32> to vector<16xf32>
        %sub3A_339 = arith.subf %convert_element_type3A_338, %convert_element_type3A_334 : vector<16xf32>
        %mul3A_340 = arith.mulf %sub3A_339, %broadcast_in_dim3A_20 : vector<16xf32>
        %gt3A_341 = arith.constant 5.000000e-01 : f32
        %gt3A_342 = vector.broadcast %gt3A_341 : f32 to vector<16xf32>
        %gt3A_343 = arith.cmpf ogt, %mul3A_340, %gt3A_342 : vector<16xf32>
        %sub3A_344 = arith.constant 1.000000e+00 : f32
        %sub3A_345 = vector.broadcast %sub3A_344 : f32 to vector<16xf32>
        %sub3A_346 = arith.subf %mul3A_340, %sub3A_345 : vector<16xf32>
        %lt3A_347 = arith.constant -5.000000e-01 : f32
        %lt3A_348 = vector.broadcast %lt3A_347 : f32 to vector<16xf32>
        %lt3A_349 = arith.cmpf olt, %mul3A_340, %lt3A_348 : vector<16xf32>
        %add3A_350 = arith.constant 1.000000e+00 : f32
        %add3A_351 = vector.broadcast %add3A_350 : f32 to vector<16xf32>
        %add3A_352 = arith.addf %mul3A_340, %add3A_351 : vector<16xf32>
        %select_n3A_353 = arith.select %lt3A_349, %add3A_352, %mul3A_340 : vector<16xi1>, vector<16xf32>
        %select_n3A_354 = arith.select %gt3A_343, %sub3A_346, %select_n3A_353 : vector<16xi1>, vector<16xf32>
        %shift_right_logical3A_355 = arith.constant 16 : i32
        %shift_right_logical3A_356 = vector.broadcast %shift_right_logical3A_355 : i32 to vector<16xi32>
        %shift_right_logical3A_357 = arith.shrui %gather3A_281, %shift_right_logical3A_356 : vector<16xi32>
        %mul3A_358 = arith.constant 9 : i32
        %mul3A_359 = vector.broadcast %mul3A_358 : i32 to vector<16xi32>
        %mul3A_360 = arith.muli %shift_right_logical3A_357, %mul3A_359 : vector<16xi32>
        %broadcast_in_dim3A_361 = arith.constant 9.99999996E-13 : f32
        %broadcast_in_dim3A_362 = vector.broadcast %broadcast_in_dim3A_361 : f32 to vector<16xf32>
        %broadcast_in_dim3A_363 = arith.constant 0.000000e+00 : f32
        %broadcast_in_dim3A_364 = vector.broadcast %broadcast_in_dim3A_363 : f32 to vector<16xf32>
        %broadcast_in_dim3A_365 = arith.constant 0 : i32
        %broadcast_in_dim3A_366 = vector.broadcast %broadcast_in_dim3A_365 : i32 to vector<16xi32>
        %add3A_367 = arith.addi %mul3A_360, %broadcast_in_dim3A_366 : vector<16xi32>
        %gather3A_368 = tpu.vector_load_idx %arg10[%add3A_367] : memref<288xf32, #tpu.memory_space<vmem>>[vector<16xi32>], vector<16xf32>,
        %mul3A_369 = arith.mulf %select_n3A_306, %gather3A_368 : vector<16xf32>
        %add3A_370 = arith.addf %broadcast_in_dim3A_364, %mul3A_369 : vector<16xf32>
        %broadcast_in_dim3A_371 = arith.constant 3 : i32
        %broadcast_in_dim3A_372 = vector.broadcast %broadcast_in_dim3A_371 : i32 to vector<16xi32>
        %add3A_373 = arith.addi %mul3A_360, %broadcast_in_dim3A_372 : vector<16xi32>
        %gather3A_374 = tpu.vector_load_idx %arg10[%add3A_373] : memref<288xf32, #tpu.memory_space<vmem>>[vector<16xi32>], vector<16xf32>,
        %mul3A_375 = arith.mulf %select_n3A_330, %gather3A_374 : vector<16xf32>
        %add3A_376 = arith.addf %add3A_370, %mul3A_375 : vector<16xf32>
        %broadcast_in_dim3A_377 = arith.constant 6 : i32
        %broadcast_in_dim3A_378 = vector.broadcast %broadcast_in_dim3A_377 : i32 to vector<16xi32>
        %add3A_379 = arith.addi %mul3A_360, %broadcast_in_dim3A_378 : vector<16xi32>
        %gather3A_380 = tpu.vector_load_idx %arg10[%add3A_379] : memref<288xf32, #tpu.memory_space<vmem>>[vector<16xi32>], vector<16xf32>,
        %mul3A_381 = arith.mulf %select_n3A_354, %gather3A_380 : vector<16xf32>
        %add3A_382 = arith.addf %add3A_376, %mul3A_381 : vector<16xf32>
        %mul3A_383 = arith.mulf %add3A_382, %add3A_382 : vector<16xf32>
        %add3A_384 = arith.addf %broadcast_in_dim3A_362, %mul3A_383 : vector<16xf32>
        %broadcast_in_dim3A_385 = arith.constant 0.000000e+00 : f32
        %broadcast_in_dim3A_386 = vector.broadcast %broadcast_in_dim3A_385 : f32 to vector<16xf32>
        %broadcast_in_dim3A_387 = arith.constant 1 : i32
        %broadcast_in_dim3A_388 = vector.broadcast %broadcast_in_dim3A_387 : i32 to vector<16xi32>
        %add3A_389 = arith.addi %mul3A_360, %broadcast_in_dim3A_388 : vector<16xi32>
        %gather3A_390 = tpu.vector_load_idx %arg10[%add3A_389] : memref<288xf32, #tpu.memory_space<vmem>>[vector<16xi32>], vector<16xf32>,
        %mul3A_391 = arith.mulf %select_n3A_306, %gather3A_390 : vector<16xf32>
        %add3A_392 = arith.addf %broadcast_in_dim3A_386, %mul3A_391 : vector<16xf32>
        %broadcast_in_dim3A_393 = arith.constant 4 : i32
        %broadcast_in_dim3A_394 = vector.broadcast %broadcast_in_dim3A_393 : i32 to vector<16xi32>
        %add3A_395 = arith.addi %mul3A_360, %broadcast_in_dim3A_394 : vector<16xi32>
        %gather3A_396 = tpu.vector_load_idx %arg10[%add3A_395] : memref<288xf32, #tpu.memory_space<vmem>>[vector<16xi32>], vector<16xf32>,
        %mul3A_397 = arith.mulf %select_n3A_330, %gather3A_396 : vector<16xf32>
        %add3A_398 = arith.addf %add3A_392, %mul3A_397 : vector<16xf32>
        %broadcast_in_dim3A_399 = arith.constant 7 : i32
        %broadcast_in_dim3A_400 = vector.broadcast %broadcast_in_dim3A_399 : i32 to vector<16xi32>
        %add3A_401 = arith.addi %mul3A_360, %broadcast_in_dim3A_400 : vector<16xi32>
        %gather3A_402 = tpu.vector_load_idx %arg10[%add3A_401] : memref<288xf32, #tpu.memory_space<vmem>>[vector<16xi32>], vector<16xf32>,
        %mul3A_403 = arith.mulf %select_n3A_354, %gather3A_402 : vector<16xf32>
        %add3A_404 = arith.addf %add3A_398, %mul3A_403 : vector<16xf32>
        %mul3A_405 = arith.mulf %add3A_404, %add3A_404 : vector<16xf32>
        %add3A_406 = arith.addf %add3A_384, %mul3A_405 : vector<16xf32>
        %broadcast_in_dim3A_407 = arith.constant 0.000000e+00 : f32
        %broadcast_in_dim3A_408 = vector.broadcast %broadcast_in_dim3A_407 : f32 to vector<16xf32>
        %broadcast_in_dim3A_409 = arith.constant 2 : i32
        %broadcast_in_dim3A_410 = vector.broadcast %broadcast_in_dim3A_409 : i32 to vector<16xi32>
        %add3A_411 = arith.addi %mul3A_360, %broadcast_in_dim3A_410 : vector<16xi32>
        %gather3A_412 = tpu.vector_load_idx %arg10[%add3A_411] : memref<288xf32, #tpu.memory_space<vmem>>[vector<16xi32>], vector<16xf32>,
        %mul3A_413 = arith.mulf %select_n3A_306, %gather3A_412 : vector<16xf32>
        %add3A_414 = arith.addf %broadcast_in_dim3A_408, %mul3A_413 : vector<16xf32>
        %broadcast_in_dim3A_415 = arith.constant 5 : i32
        %broadcast_in_dim3A_416 = vector.broadcast %broadcast_in_dim3A_415 : i32 to vector<16xi32>
        %add3A_417 = arith.addi %mul3A_360, %broadcast_in_dim3A_416 : vector<16xi32>
        %gather3A_418 = tpu.vector_load_idx %arg10[%add3A_417] : memref<288xf32, #tpu.memory_space<vmem>>[vector<16xi32>], vector<16xf32>,
        %mul3A_419 = arith.mulf %select_n3A_330, %gather3A_418 : vector<16xf32>
        %add3A_420 = arith.addf %add3A_414, %mul3A_419 : vector<16xf32>
        %broadcast_in_dim3A_421 = arith.constant 8 : i32
        %broadcast_in_dim3A_422 = vector.broadcast %broadcast_in_dim3A_421 : i32 to vector<16xi32>
        %add3A_423 = arith.addi %mul3A_360, %broadcast_in_dim3A_422 : vector<16xi32>
        %gather3A_424 = tpu.vector_load_idx %arg10[%add3A_423] : memref<288xf32, #tpu.memory_space<vmem>>[vector<16xi32>], vector<16xf32>,
        %mul3A_425 = arith.mulf %select_n3A_354, %gather3A_424 : vector<16xf32>
        %add3A_426 = arith.addf %add3A_420, %mul3A_425 : vector<16xf32>
        %mul3A_427 = arith.mulf %add3A_426, %add3A_426 : vector<16xf32>
        %add3A_428 = arith.addf %add3A_406, %mul3A_427 : vector<16xf32>
        %lt3A_429 = arith.constant 1.600000e+01 : f32
        %lt3A_430 = vector.broadcast %lt3A_429 : f32 to vector<16xf32>
        %lt3A_431 = arith.cmpf olt, %add3A_428, %lt3A_430 : vector<16xf32>
        %mul3A_432 = arith.constant -6.250000e-02 : f32
        %mul3A_433 = vector.broadcast %mul3A_432 : f32 to vector<16xf32>
        %mul3A_434 = arith.mulf %add3A_428, %mul3A_433 : vector<16xf32>
        %exp3A_435 = math.exp %mul3A_434 : vector<16xf32>
        %convert_element_type3A_436 = arith.extui %lt3A_431 : vector<16xi1> to vector<16xi32>
        %broadcast_in_dim3A_437 = arith.constant true
        %broadcast_in_dim3A_438 = vector.broadcast %broadcast_in_dim3A_437 : i1 to vector<16xi1>
        %masked_cumsum3A_439 = tpu.scan <sum>, %convert_element_type3A_436 masked %broadcast_in_dim3A_438 : vector<16xi32>, vector<16xi1> -> vector<16xi32>
        %add3A_440 = arith.addi %add3A_268, %masked_cumsum3A_439 : vector<16xi32>
        %sub3A_441 = arith.constant 1 : i32
        %sub3A_442 = vector.broadcast %sub3A_441 : i32 to vector<16xi32>
        %sub3A_443 = arith.subi %add3A_440, %sub3A_442 : vector<16xi32>
        tpu.vector_store_idx %arg12[%sub3A_443], %get3A_272 masked %lt3A_431 : memref<2080xi32, #tpu.memory_space<vmem>>[vector<16xi32>], vector<16xi32>, vector<16xi1>
        tpu.vector_store_idx %arg13[%sub3A_443], %exp3A_435 masked %lt3A_431 : memref<2080xf32, #tpu.memory_space<vmem>>[vector<16xi32>], vector<16xf32>, vector<16xi1>
        %all_reduce_population_count3A_444 = tpu.all_reduce %lt3A_431 {dim = 0 : i64, kind = #tpu.reduction_kind<sum>} : vector<16xi1> -> vector<16xi32>
        %add3A_445 = arith.addi %add3A_268, %all_reduce_population_count3A_444 : vector<16xi32>
        %add3A_446 = arith.addi %mul3A_32, %scan3A_97 : i32
        %get3A_447 = arith.index_cast %add3A_446 : i32 to index
        %get3A_448 = arith.constant 32 : index
        %get3A_449 = tpu.vector_load %arg11[%get3A_447, %get3A_448] {strides = array<i32>} : memref<250x80xi32, #tpu.memory_space<vmem>>, vector<16xi32>,
        %and3A_450 = arith.constant 16383 : i32
        %and3A_451 = vector.broadcast %and3A_450 : i32 to vector<16xi32>
        %and3A_452 = arith.andi %get3A_449, %and3A_451 : vector<16xi32>
        %shift_right_logical3A_453 = arith.constant 14 : i32
        %shift_right_logical3A_454 = vector.broadcast %shift_right_logical3A_453 : i32 to vector<16xi32>
        %shift_right_logical3A_455 = arith.shrui %get3A_449, %shift_right_logical3A_454 : vector<16xi32>
        %gather3A_456 = tpu.vector_load_idx %arg8[%and3A_452] : memref<10000xi32, #tpu.memory_space<vmem>>[vector<16xi32>], vector<16xi32>,
        %gather3A_457 = tpu.vector_load_idx %arg8[%shift_right_logical3A_455] : memref<10000xi32, #tpu.memory_space<vmem>>[vector<16xi32>], vector<16xi32>,
        %gather3A_458 = tpu.vector_load_idx %arg9[%and3A_452] : memref<10000xi32, #tpu.memory_space<vmem>>[vector<16xi32>], vector<16xi32>,
        %gather3A_459 = tpu.vector_load_idx %arg9[%shift_right_logical3A_455] : memref<10000xi32, #tpu.memory_space<vmem>>[vector<16xi32>], vector<16xi32>,
        %and3A_460 = arith.constant 65535 : i32
        %and3A_461 = vector.broadcast %and3A_460 : i32 to vector<16xi32>
        %and3A_462 = arith.andi %gather3A_456, %and3A_461 : vector<16xi32>
        %convert_element_type3A_463 = arith.sitofp %and3A_462 : vector<16xi32> to vector<16xf32>
        %and3A_464 = arith.constant 65535 : i32
        %and3A_465 = vector.broadcast %and3A_464 : i32 to vector<16xi32>
        %and3A_466 = arith.andi %gather3A_457, %and3A_465 : vector<16xi32>
        %convert_element_type3A_467 = arith.sitofp %and3A_466 : vector<16xi32> to vector<16xf32>
        %sub3A_468 = arith.subf %convert_element_type3A_467, %convert_element_type3A_463 : vector<16xf32>
        %mul3A_469 = arith.mulf %sub3A_468, %broadcast_in_dim3A_20 : vector<16xf32>
        %gt3A_470 = arith.constant 5.000000e-01 : f32
        %gt3A_471 = vector.broadcast %gt3A_470 : f32 to vector<16xf32>
        %gt3A_472 = arith.cmpf ogt, %mul3A_469, %gt3A_471 : vector<16xf32>
        %sub3A_473 = arith.constant 1.000000e+00 : f32
        %sub3A_474 = vector.broadcast %sub3A_473 : f32 to vector<16xf32>
        %sub3A_475 = arith.subf %mul3A_469, %sub3A_474 : vector<16xf32>
        %lt3A_476 = arith.constant -5.000000e-01 : f32
        %lt3A_477 = vector.broadcast %lt3A_476 : f32 to vector<16xf32>
        %lt3A_478 = arith.cmpf olt, %mul3A_469, %lt3A_477 : vector<16xf32>
        %add3A_479 = arith.constant 1.000000e+00 : f32
        %add3A_480 = vector.broadcast %add3A_479 : f32 to vector<16xf32>
        %add3A_481 = arith.addf %mul3A_469, %add3A_480 : vector<16xf32>
        %select_n3A_482 = arith.select %lt3A_478, %add3A_481, %mul3A_469 : vector<16xi1>, vector<16xf32>
        %select_n3A_483 = arith.select %gt3A_472, %sub3A_475, %select_n3A_482 : vector<16xi1>, vector<16xf32>
        %shift_right_logical3A_484 = arith.constant 16 : i32
        %shift_right_logical3A_485 = vector.broadcast %shift_right_logical3A_484 : i32 to vector<16xi32>
        %shift_right_logical3A_486 = arith.shrui %gather3A_456, %shift_right_logical3A_485 : vector<16xi32>
        %convert_element_type3A_487 = arith.sitofp %shift_right_logical3A_486 : vector<16xi32> to vector<16xf32>
        %shift_right_logical3A_488 = arith.constant 16 : i32
        %shift_right_logical3A_489 = vector.broadcast %shift_right_logical3A_488 : i32 to vector<16xi32>
        %shift_right_logical3A_490 = arith.shrui %gather3A_457, %shift_right_logical3A_489 : vector<16xi32>
        %convert_element_type3A_491 = arith.sitofp %shift_right_logical3A_490 : vector<16xi32> to vector<16xf32>
        %sub3A_492 = arith.subf %convert_element_type3A_491, %convert_element_type3A_487 : vector<16xf32>
        %mul3A_493 = arith.mulf %sub3A_492, %broadcast_in_dim3A_20 : vector<16xf32>
        %gt3A_494 = arith.constant 5.000000e-01 : f32
        %gt3A_495 = vector.broadcast %gt3A_494 : f32 to vector<16xf32>
        %gt3A_496 = arith.cmpf ogt, %mul3A_493, %gt3A_495 : vector<16xf32>
        %sub3A_497 = arith.constant 1.000000e+00 : f32
        %sub3A_498 = vector.broadcast %sub3A_497 : f32 to vector<16xf32>
        %sub3A_499 = arith.subf %mul3A_493, %sub3A_498 : vector<16xf32>
        %lt3A_500 = arith.constant -5.000000e-01 : f32
        %lt3A_501 = vector.broadcast %lt3A_500 : f32 to vector<16xf32>
        %lt3A_502 = arith.cmpf olt, %mul3A_493, %lt3A_501 : vector<16xf32>
        %add3A_503 = arith.constant 1.000000e+00 : f32
        %add3A_504 = vector.broadcast %add3A_503 : f32 to vector<16xf32>
        %add3A_505 = arith.addf %mul3A_493, %add3A_504 : vector<16xf32>
        %select_n3A_506 = arith.select %lt3A_502, %add3A_505, %mul3A_493 : vector<16xi1>, vector<16xf32>
        %select_n3A_507 = arith.select %gt3A_496, %sub3A_499, %select_n3A_506 : vector<16xi1>, vector<16xf32>
        %and3A_508 = arith.constant 65535 : i32
        %and3A_509 = vector.broadcast %and3A_508 : i32 to vector<16xi32>
        %and3A_510 = arith.andi %gather3A_458, %and3A_509 : vector<16xi32>
        %convert_element_type3A_511 = arith.sitofp %and3A_510 : vector<16xi32> to vector<16xf32>
        %and3A_512 = arith.constant 65535 : i32
        %and3A_513 = vector.broadcast %and3A_512 : i32 to vector<16xi32>
        %and3A_514 = arith.andi %gather3A_459, %and3A_513 : vector<16xi32>
        %convert_element_type3A_515 = arith.sitofp %and3A_514 : vector<16xi32> to vector<16xf32>
        %sub3A_516 = arith.subf %convert_element_type3A_515, %convert_element_type3A_511 : vector<16xf32>
        %mul3A_517 = arith.mulf %sub3A_516, %broadcast_in_dim3A_20 : vector<16xf32>
        %gt3A_518 = arith.constant 5.000000e-01 : f32
        %gt3A_519 = vector.broadcast %gt3A_518 : f32 to vector<16xf32>
        %gt3A_520 = arith.cmpf ogt, %mul3A_517, %gt3A_519 : vector<16xf32>
        %sub3A_521 = arith.constant 1.000000e+00 : f32
        %sub3A_522 = vector.broadcast %sub3A_521 : f32 to vector<16xf32>
        %sub3A_523 = arith.subf %mul3A_517, %sub3A_522 : vector<16xf32>
        %lt3A_524 = arith.constant -5.000000e-01 : f32
        %lt3A_525 = vector.broadcast %lt3A_524 : f32 to vector<16xf32>
        %lt3A_526 = arith.cmpf olt, %mul3A_517, %lt3A_525 : vector<16xf32>
        %add3A_527 = arith.constant 1.000000e+00 : f32
        %add3A_528 = vector.broadcast %add3A_527 : f32 to vector<16xf32>
        %add3A_529 = arith.addf %mul3A_517, %add3A_528 : vector<16xf32>
        %select_n3A_530 = arith.select %lt3A_526, %add3A_529, %mul3A_517 : vector<16xi1>, vector<16xf32>
        %select_n3A_531 = arith.select %gt3A_520, %sub3A_523, %select_n3A_530 : vector<16xi1>, vector<16xf32>
        %shift_right_logical3A_532 = arith.constant 16 : i32
        %shift_right_logical3A_533 = vector.broadcast %shift_right_logical3A_532 : i32 to vector<16xi32>
        %shift_right_logical3A_534 = arith.shrui %gather3A_458, %shift_right_logical3A_533 : vector<16xi32>
        %mul3A_535 = arith.constant 9 : i32
        %mul3A_536 = vector.broadcast %mul3A_535 : i32 to vector<16xi32>
        %mul3A_537 = arith.muli %shift_right_logical3A_534, %mul3A_536 : vector<16xi32>
        %broadcast_in_dim3A_538 = arith.constant 9.99999996E-13 : f32
        %broadcast_in_dim3A_539 = vector.broadcast %broadcast_in_dim3A_538 : f32 to vector<16xf32>
        %broadcast_in_dim3A_540 = arith.constant 0.000000e+00 : f32
        %broadcast_in_dim3A_541 = vector.broadcast %broadcast_in_dim3A_540 : f32 to vector<16xf32>
        %broadcast_in_dim3A_542 = arith.constant 0 : i32
        %broadcast_in_dim3A_543 = vector.broadcast %broadcast_in_dim3A_542 : i32 to vector<16xi32>
        %add3A_544 = arith.addi %mul3A_537, %broadcast_in_dim3A_543 : vector<16xi32>
        %gather3A_545 = tpu.vector_load_idx %arg10[%add3A_544] : memref<288xf32, #tpu.memory_space<vmem>>[vector<16xi32>], vector<16xf32>,
        %mul3A_546 = arith.mulf %select_n3A_483, %gather3A_545 : vector<16xf32>
        %add3A_547 = arith.addf %broadcast_in_dim3A_541, %mul3A_546 : vector<16xf32>
        %broadcast_in_dim3A_548 = arith.constant 3 : i32
        %broadcast_in_dim3A_549 = vector.broadcast %broadcast_in_dim3A_548 : i32 to vector<16xi32>
        %add3A_550 = arith.addi %mul3A_537, %broadcast_in_dim3A_549 : vector<16xi32>
        %gather3A_551 = tpu.vector_load_idx %arg10[%add3A_550] : memref<288xf32, #tpu.memory_space<vmem>>[vector<16xi32>], vector<16xf32>,
        %mul3A_552 = arith.mulf %select_n3A_507, %gather3A_551 : vector<16xf32>
        %add3A_553 = arith.addf %add3A_547, %mul3A_552 : vector<16xf32>
        %broadcast_in_dim3A_554 = arith.constant 6 : i32
        %broadcast_in_dim3A_555 = vector.broadcast %broadcast_in_dim3A_554 : i32 to vector<16xi32>
        %add3A_556 = arith.addi %mul3A_537, %broadcast_in_dim3A_555 : vector<16xi32>
        %gather3A_557 = tpu.vector_load_idx %arg10[%add3A_556] : memref<288xf32, #tpu.memory_space<vmem>>[vector<16xi32>], vector<16xf32>,
        %mul3A_558 = arith.mulf %select_n3A_531, %gather3A_557 : vector<16xf32>
        %add3A_559 = arith.addf %add3A_553, %mul3A_558 : vector<16xf32>
        %mul3A_560 = arith.mulf %add3A_559, %add3A_559 : vector<16xf32>
        %add3A_561 = arith.addf %broadcast_in_dim3A_539, %mul3A_560 : vector<16xf32>
        %broadcast_in_dim3A_562 = arith.constant 0.000000e+00 : f32
        %broadcast_in_dim3A_563 = vector.broadcast %broadcast_in_dim3A_562 : f32 to vector<16xf32>
        %broadcast_in_dim3A_564 = arith.constant 1 : i32
        %broadcast_in_dim3A_565 = vector.broadcast %broadcast_in_dim3A_564 : i32 to vector<16xi32>
        %add3A_566 = arith.addi %mul3A_537, %broadcast_in_dim3A_565 : vector<16xi32>
        %gather3A_567 = tpu.vector_load_idx %arg10[%add3A_566] : memref<288xf32, #tpu.memory_space<vmem>>[vector<16xi32>], vector<16xf32>,
        %mul3A_568 = arith.mulf %select_n3A_483, %gather3A_567 : vector<16xf32>
        %add3A_569 = arith.addf %broadcast_in_dim3A_563, %mul3A_568 : vector<16xf32>
        %broadcast_in_dim3A_570 = arith.constant 4 : i32
        %broadcast_in_dim3A_571 = vector.broadcast %broadcast_in_dim3A_570 : i32 to vector<16xi32>
        %add3A_572 = arith.addi %mul3A_537, %broadcast_in_dim3A_571 : vector<16xi32>
        %gather3A_573 = tpu.vector_load_idx %arg10[%add3A_572] : memref<288xf32, #tpu.memory_space<vmem>>[vector<16xi32>], vector<16xf32>,
        %mul3A_574 = arith.mulf %select_n3A_507, %gather3A_573 : vector<16xf32>
        %add3A_575 = arith.addf %add3A_569, %mul3A_574 : vector<16xf32>
        %broadcast_in_dim3A_576 = arith.constant 7 : i32
        %broadcast_in_dim3A_577 = vector.broadcast %broadcast_in_dim3A_576 : i32 to vector<16xi32>
        %add3A_578 = arith.addi %mul3A_537, %broadcast_in_dim3A_577 : vector<16xi32>
        %gather3A_579 = tpu.vector_load_idx %arg10[%add3A_578] : memref<288xf32, #tpu.memory_space<vmem>>[vector<16xi32>], vector<16xf32>,
        %mul3A_580 = arith.mulf %select_n3A_531, %gather3A_579 : vector<16xf32>
        %add3A_581 = arith.addf %add3A_575, %mul3A_580 : vector<16xf32>
        %mul3A_582 = arith.mulf %add3A_581, %add3A_581 : vector<16xf32>
        %add3A_583 = arith.addf %add3A_561, %mul3A_582 : vector<16xf32>
        %broadcast_in_dim3A_584 = arith.constant 0.000000e+00 : f32
        %broadcast_in_dim3A_585 = vector.broadcast %broadcast_in_dim3A_584 : f32 to vector<16xf32>
        %broadcast_in_dim3A_586 = arith.constant 2 : i32
        %broadcast_in_dim3A_587 = vector.broadcast %broadcast_in_dim3A_586 : i32 to vector<16xi32>
        %add3A_588 = arith.addi %mul3A_537, %broadcast_in_dim3A_587 : vector<16xi32>
        %gather3A_589 = tpu.vector_load_idx %arg10[%add3A_588] : memref<288xf32, #tpu.memory_space<vmem>>[vector<16xi32>], vector<16xf32>,
        %mul3A_590 = arith.mulf %select_n3A_483, %gather3A_589 : vector<16xf32>
        %add3A_591 = arith.addf %broadcast_in_dim3A_585, %mul3A_590 : vector<16xf32>
        %broadcast_in_dim3A_592 = arith.constant 5 : i32
        %broadcast_in_dim3A_593 = vector.broadcast %broadcast_in_dim3A_592 : i32 to vector<16xi32>
        %add3A_594 = arith.addi %mul3A_537, %broadcast_in_dim3A_593 : vector<16xi32>
        %gather3A_595 = tpu.vector_load_idx %arg10[%add3A_594] : memref<288xf32, #tpu.memory_space<vmem>>[vector<16xi32>], vector<16xf32>,
        %mul3A_596 = arith.mulf %select_n3A_507, %gather3A_595 : vector<16xf32>
        %add3A_597 = arith.addf %add3A_591, %mul3A_596 : vector<16xf32>
        %broadcast_in_dim3A_598 = arith.constant 8 : i32
        %broadcast_in_dim3A_599 = vector.broadcast %broadcast_in_dim3A_598 : i32 to vector<16xi32>
        %add3A_600 = arith.addi %mul3A_537, %broadcast_in_dim3A_599 : vector<16xi32>
        %gather3A_601 = tpu.vector_load_idx %arg10[%add3A_600] : memref<288xf32, #tpu.memory_space<vmem>>[vector<16xi32>], vector<16xf32>,
        %mul3A_602 = arith.mulf %select_n3A_531, %gather3A_601 : vector<16xf32>
        %add3A_603 = arith.addf %add3A_597, %mul3A_602 : vector<16xf32>
        %mul3A_604 = arith.mulf %add3A_603, %add3A_603 : vector<16xf32>
        %add3A_605 = arith.addf %add3A_583, %mul3A_604 : vector<16xf32>
        %lt3A_606 = arith.constant 1.600000e+01 : f32
        %lt3A_607 = vector.broadcast %lt3A_606 : f32 to vector<16xf32>
        %lt3A_608 = arith.cmpf olt, %add3A_605, %lt3A_607 : vector<16xf32>
        %mul3A_609 = arith.constant -6.250000e-02 : f32
        %mul3A_610 = vector.broadcast %mul3A_609 : f32 to vector<16xf32>
        %mul3A_611 = arith.mulf %add3A_605, %mul3A_610 : vector<16xf32>
        %exp3A_612 = math.exp %mul3A_611 : vector<16xf32>
        %convert_element_type3A_613 = arith.extui %lt3A_608 : vector<16xi1> to vector<16xi32>
        %broadcast_in_dim3A_614 = arith.constant true
        %broadcast_in_dim3A_615 = vector.broadcast %broadcast_in_dim3A_614 : i1 to vector<16xi1>
        %masked_cumsum3A_616 = tpu.scan <sum>, %convert_element_type3A_613 masked %broadcast_in_dim3A_615 : vector<16xi32>, vector<16xi1> -> vector<16xi32>
        %add3A_617 = arith.addi %add3A_445, %masked_cumsum3A_616 : vector<16xi32>
        %sub3A_618 = arith.constant 1 : i32
        %sub3A_619 = vector.broadcast %sub3A_618 : i32 to vector<16xi32>
        %sub3A_620 = arith.subi %add3A_617, %sub3A_619 : vector<16xi32>
        tpu.vector_store_idx %arg12[%sub3A_620], %get3A_449 masked %lt3A_608 : memref<2080xi32, #tpu.memory_space<vmem>>[vector<16xi32>], vector<16xi32>, vector<16xi1>
        tpu.vector_store_idx %arg13[%sub3A_620], %exp3A_612 masked %lt3A_608 : memref<2080xf32, #tpu.memory_space<vmem>>[vector<16xi32>], vector<16xf32>, vector<16xi1>
        %all_reduce_population_count3A_621 = tpu.all_reduce %lt3A_608 {dim = 0 : i64, kind = #tpu.reduction_kind<sum>} : vector<16xi1> -> vector<16xi32>
        %add3A_622 = arith.addi %add3A_445, %all_reduce_population_count3A_621 : vector<16xi32>
        %add3A_623 = arith.addi %mul3A_32, %scan3A_97 : i32
        %get3A_624 = arith.index_cast %add3A_623 : i32 to index
        %get3A_625 = arith.constant 48 : index
        %get3A_626 = tpu.vector_load %arg11[%get3A_624, %get3A_625] {strides = array<i32>} : memref<250x80xi32, #tpu.memory_space<vmem>>, vector<16xi32>,
        %and3A_627 = arith.constant 16383 : i32
        %and3A_628 = vector.broadcast %and3A_627 : i32 to vector<16xi32>
        %and3A_629 = arith.andi %get3A_626, %and3A_628 : vector<16xi32>
        %shift_right_logical3A_630 = arith.constant 14 : i32
        %shift_right_logical3A_631 = vector.broadcast %shift_right_logical3A_630 : i32 to vector<16xi32>
        %shift_right_logical3A_632 = arith.shrui %get3A_626, %shift_right_logical3A_631 : vector<16xi32>
        %gather3A_633 = tpu.vector_load_idx %arg8[%and3A_629] : memref<10000xi32, #tpu.memory_space<vmem>>[vector<16xi32>], vector<16xi32>,
        %gather3A_634 = tpu.vector_load_idx %arg8[%shift_right_logical3A_632] : memref<10000xi32, #tpu.memory_space<vmem>>[vector<16xi32>], vector<16xi32>,
        %gather3A_635 = tpu.vector_load_idx %arg9[%and3A_629] : memref<10000xi32, #tpu.memory_space<vmem>>[vector<16xi32>], vector<16xi32>,
        %gather3A_636 = tpu.vector_load_idx %arg9[%shift_right_logical3A_632] : memref<10000xi32, #tpu.memory_space<vmem>>[vector<16xi32>], vector<16xi32>,
        %and3A_637 = arith.constant 65535 : i32
        %and3A_638 = vector.broadcast %and3A_637 : i32 to vector<16xi32>
        %and3A_639 = arith.andi %gather3A_633, %and3A_638 : vector<16xi32>
        %convert_element_type3A_640 = arith.sitofp %and3A_639 : vector<16xi32> to vector<16xf32>
        %and3A_641 = arith.constant 65535 : i32
        %and3A_642 = vector.broadcast %and3A_641 : i32 to vector<16xi32>
        %and3A_643 = arith.andi %gather3A_634, %and3A_642 : vector<16xi32>
        %convert_element_type3A_644 = arith.sitofp %and3A_643 : vector<16xi32> to vector<16xf32>
        %sub3A_645 = arith.subf %convert_element_type3A_644, %convert_element_type3A_640 : vector<16xf32>
        %mul3A_646 = arith.mulf %sub3A_645, %broadcast_in_dim3A_20 : vector<16xf32>
        %gt3A_647 = arith.constant 5.000000e-01 : f32
        %gt3A_648 = vector.broadcast %gt3A_647 : f32 to vector<16xf32>
        %gt3A_649 = arith.cmpf ogt, %mul3A_646, %gt3A_648 : vector<16xf32>
        %sub3A_650 = arith.constant 1.000000e+00 : f32
        %sub3A_651 = vector.broadcast %sub3A_650 : f32 to vector<16xf32>
        %sub3A_652 = arith.subf %mul3A_646, %sub3A_651 : vector<16xf32>
        %lt3A_653 = arith.constant -5.000000e-01 : f32
        %lt3A_654 = vector.broadcast %lt3A_653 : f32 to vector<16xf32>
        %lt3A_655 = arith.cmpf olt, %mul3A_646, %lt3A_654 : vector<16xf32>
        %add3A_656 = arith.constant 1.000000e+00 : f32
        %add3A_657 = vector.broadcast %add3A_656 : f32 to vector<16xf32>
        %add3A_658 = arith.addf %mul3A_646, %add3A_657 : vector<16xf32>
        %select_n3A_659 = arith.select %lt3A_655, %add3A_658, %mul3A_646 : vector<16xi1>, vector<16xf32>
        %select_n3A_660 = arith.select %gt3A_649, %sub3A_652, %select_n3A_659 : vector<16xi1>, vector<16xf32>
        %shift_right_logical3A_661 = arith.constant 16 : i32
        %shift_right_logical3A_662 = vector.broadcast %shift_right_logical3A_661 : i32 to vector<16xi32>
        %shift_right_logical3A_663 = arith.shrui %gather3A_633, %shift_right_logical3A_662 : vector<16xi32>
        %convert_element_type3A_664 = arith.sitofp %shift_right_logical3A_663 : vector<16xi32> to vector<16xf32>
        %shift_right_logical3A_665 = arith.constant 16 : i32
        %shift_right_logical3A_666 = vector.broadcast %shift_right_logical3A_665 : i32 to vector<16xi32>
        %shift_right_logical3A_667 = arith.shrui %gather3A_634, %shift_right_logical3A_666 : vector<16xi32>
        %convert_element_type3A_668 = arith.sitofp %shift_right_logical3A_667 : vector<16xi32> to vector<16xf32>
        %sub3A_669 = arith.subf %convert_element_type3A_668, %convert_element_type3A_664 : vector<16xf32>
        %mul3A_670 = arith.mulf %sub3A_669, %broadcast_in_dim3A_20 : vector<16xf32>
        %gt3A_671 = arith.constant 5.000000e-01 : f32
        %gt3A_672 = vector.broadcast %gt3A_671 : f32 to vector<16xf32>
        %gt3A_673 = arith.cmpf ogt, %mul3A_670, %gt3A_672 : vector<16xf32>
        %sub3A_674 = arith.constant 1.000000e+00 : f32
        %sub3A_675 = vector.broadcast %sub3A_674 : f32 to vector<16xf32>
        %sub3A_676 = arith.subf %mul3A_670, %sub3A_675 : vector<16xf32>
        %lt3A_677 = arith.constant -5.000000e-01 : f32
        %lt3A_678 = vector.broadcast %lt3A_677 : f32 to vector<16xf32>
        %lt3A_679 = arith.cmpf olt, %mul3A_670, %lt3A_678 : vector<16xf32>
        %add3A_680 = arith.constant 1.000000e+00 : f32
        %add3A_681 = vector.broadcast %add3A_680 : f32 to vector<16xf32>
        %add3A_682 = arith.addf %mul3A_670, %add3A_681 : vector<16xf32>
        %select_n3A_683 = arith.select %lt3A_679, %add3A_682, %mul3A_670 : vector<16xi1>, vector<16xf32>
        %select_n3A_684 = arith.select %gt3A_673, %sub3A_676, %select_n3A_683 : vector<16xi1>, vector<16xf32>
        %and3A_685 = arith.constant 65535 : i32
        %and3A_686 = vector.broadcast %and3A_685 : i32 to vector<16xi32>
        %and3A_687 = arith.andi %gather3A_635, %and3A_686 : vector<16xi32>
        %convert_element_type3A_688 = arith.sitofp %and3A_687 : vector<16xi32> to vector<16xf32>
        %and3A_689 = arith.constant 65535 : i32
        %and3A_690 = vector.broadcast %and3A_689 : i32 to vector<16xi32>
        %and3A_691 = arith.andi %gather3A_636, %and3A_690 : vector<16xi32>
        %convert_element_type3A_692 = arith.sitofp %and3A_691 : vector<16xi32> to vector<16xf32>
        %sub3A_693 = arith.subf %convert_element_type3A_692, %convert_element_type3A_688 : vector<16xf32>
        %mul3A_694 = arith.mulf %sub3A_693, %broadcast_in_dim3A_20 : vector<16xf32>
        %gt3A_695 = arith.constant 5.000000e-01 : f32
        %gt3A_696 = vector.broadcast %gt3A_695 : f32 to vector<16xf32>
        %gt3A_697 = arith.cmpf ogt, %mul3A_694, %gt3A_696 : vector<16xf32>
        %sub3A_698 = arith.constant 1.000000e+00 : f32
        %sub3A_699 = vector.broadcast %sub3A_698 : f32 to vector<16xf32>
        %sub3A_700 = arith.subf %mul3A_694, %sub3A_699 : vector<16xf32>
        %lt3A_701 = arith.constant -5.000000e-01 : f32
        %lt3A_702 = vector.broadcast %lt3A_701 : f32 to vector<16xf32>
        %lt3A_703 = arith.cmpf olt, %mul3A_694, %lt3A_702 : vector<16xf32>
        %add3A_704 = arith.constant 1.000000e+00 : f32
        %add3A_705 = vector.broadcast %add3A_704 : f32 to vector<16xf32>
        %add3A_706 = arith.addf %mul3A_694, %add3A_705 : vector<16xf32>
        %select_n3A_707 = arith.select %lt3A_703, %add3A_706, %mul3A_694 : vector<16xi1>, vector<16xf32>
        %select_n3A_708 = arith.select %gt3A_697, %sub3A_700, %select_n3A_707 : vector<16xi1>, vector<16xf32>
        %shift_right_logical3A_709 = arith.constant 16 : i32
        %shift_right_logical3A_710 = vector.broadcast %shift_right_logical3A_709 : i32 to vector<16xi32>
        %shift_right_logical3A_711 = arith.shrui %gather3A_635, %shift_right_logical3A_710 : vector<16xi32>
        %mul3A_712 = arith.constant 9 : i32
        %mul3A_713 = vector.broadcast %mul3A_712 : i32 to vector<16xi32>
        %mul3A_714 = arith.muli %shift_right_logical3A_711, %mul3A_713 : vector<16xi32>
        %broadcast_in_dim3A_715 = arith.constant 9.99999996E-13 : f32
        %broadcast_in_dim3A_716 = vector.broadcast %broadcast_in_dim3A_715 : f32 to vector<16xf32>
        %broadcast_in_dim3A_717 = arith.constant 0.000000e+00 : f32
        %broadcast_in_dim3A_718 = vector.broadcast %broadcast_in_dim3A_717 : f32 to vector<16xf32>
        %broadcast_in_dim3A_719 = arith.constant 0 : i32
        %broadcast_in_dim3A_720 = vector.broadcast %broadcast_in_dim3A_719 : i32 to vector<16xi32>
        %add3A_721 = arith.addi %mul3A_714, %broadcast_in_dim3A_720 : vector<16xi32>
        %gather3A_722 = tpu.vector_load_idx %arg10[%add3A_721] : memref<288xf32, #tpu.memory_space<vmem>>[vector<16xi32>], vector<16xf32>,
        %mul3A_723 = arith.mulf %select_n3A_660, %gather3A_722 : vector<16xf32>
        %add3A_724 = arith.addf %broadcast_in_dim3A_718, %mul3A_723 : vector<16xf32>
        %broadcast_in_dim3A_725 = arith.constant 3 : i32
        %broadcast_in_dim3A_726 = vector.broadcast %broadcast_in_dim3A_725 : i32 to vector<16xi32>
        %add3A_727 = arith.addi %mul3A_714, %broadcast_in_dim3A_726 : vector<16xi32>
        %gather3A_728 = tpu.vector_load_idx %arg10[%add3A_727] : memref<288xf32, #tpu.memory_space<vmem>>[vector<16xi32>], vector<16xf32>,
        %mul3A_729 = arith.mulf %select_n3A_684, %gather3A_728 : vector<16xf32>
        %add3A_730 = arith.addf %add3A_724, %mul3A_729 : vector<16xf32>
        %broadcast_in_dim3A_731 = arith.constant 6 : i32
        %broadcast_in_dim3A_732 = vector.broadcast %broadcast_in_dim3A_731 : i32 to vector<16xi32>
        %add3A_733 = arith.addi %mul3A_714, %broadcast_in_dim3A_732 : vector<16xi32>
        %gather3A_734 = tpu.vector_load_idx %arg10[%add3A_733] : memref<288xf32, #tpu.memory_space<vmem>>[vector<16xi32>], vector<16xf32>,
        %mul3A_735 = arith.mulf %select_n3A_708, %gather3A_734 : vector<16xf32>
        %add3A_736 = arith.addf %add3A_730, %mul3A_735 : vector<16xf32>
        %mul3A_737 = arith.mulf %add3A_736, %add3A_736 : vector<16xf32>
        %add3A_738 = arith.addf %broadcast_in_dim3A_716, %mul3A_737 : vector<16xf32>
        %broadcast_in_dim3A_739 = arith.constant 0.000000e+00 : f32
        %broadcast_in_dim3A_740 = vector.broadcast %broadcast_in_dim3A_739 : f32 to vector<16xf32>
        %broadcast_in_dim3A_741 = arith.constant 1 : i32
        %broadcast_in_dim3A_742 = vector.broadcast %broadcast_in_dim3A_741 : i32 to vector<16xi32>
        %add3A_743 = arith.addi %mul3A_714, %broadcast_in_dim3A_742 : vector<16xi32>
        %gather3A_744 = tpu.vector_load_idx %arg10[%add3A_743] : memref<288xf32, #tpu.memory_space<vmem>>[vector<16xi32>], vector<16xf32>,
        %mul3A_745 = arith.mulf %select_n3A_660, %gather3A_744 : vector<16xf32>
        %add3A_746 = arith.addf %broadcast_in_dim3A_740, %mul3A_745 : vector<16xf32>
        %broadcast_in_dim3A_747 = arith.constant 4 : i32
        %broadcast_in_dim3A_748 = vector.broadcast %broadcast_in_dim3A_747 : i32 to vector<16xi32>
        %add3A_749 = arith.addi %mul3A_714, %broadcast_in_dim3A_748 : vector<16xi32>
        %gather3A_750 = tpu.vector_load_idx %arg10[%add3A_749] : memref<288xf32, #tpu.memory_space<vmem>>[vector<16xi32>], vector<16xf32>,
        %mul3A_751 = arith.mulf %select_n3A_684, %gather3A_750 : vector<16xf32>
        %add3A_752 = arith.addf %add3A_746, %mul3A_751 : vector<16xf32>
        %broadcast_in_dim3A_753 = arith.constant 7 : i32
        %broadcast_in_dim3A_754 = vector.broadcast %broadcast_in_dim3A_753 : i32 to vector<16xi32>
        %add3A_755 = arith.addi %mul3A_714, %broadcast_in_dim3A_754 : vector<16xi32>
        %gather3A_756 = tpu.vector_load_idx %arg10[%add3A_755] : memref<288xf32, #tpu.memory_space<vmem>>[vector<16xi32>], vector<16xf32>,
        %mul3A_757 = arith.mulf %select_n3A_708, %gather3A_756 : vector<16xf32>
        %add3A_758 = arith.addf %add3A_752, %mul3A_757 : vector<16xf32>
        %mul3A_759 = arith.mulf %add3A_758, %add3A_758 : vector<16xf32>
        %add3A_760 = arith.addf %add3A_738, %mul3A_759 : vector<16xf32>
        %broadcast_in_dim3A_761 = arith.constant 0.000000e+00 : f32
        %broadcast_in_dim3A_762 = vector.broadcast %broadcast_in_dim3A_761 : f32 to vector<16xf32>
        %broadcast_in_dim3A_763 = arith.constant 2 : i32
        %broadcast_in_dim3A_764 = vector.broadcast %broadcast_in_dim3A_763 : i32 to vector<16xi32>
        %add3A_765 = arith.addi %mul3A_714, %broadcast_in_dim3A_764 : vector<16xi32>
        %gather3A_766 = tpu.vector_load_idx %arg10[%add3A_765] : memref<288xf32, #tpu.memory_space<vmem>>[vector<16xi32>], vector<16xf32>,
        %mul3A_767 = arith.mulf %select_n3A_660, %gather3A_766 : vector<16xf32>
        %add3A_768 = arith.addf %broadcast_in_dim3A_762, %mul3A_767 : vector<16xf32>
        %broadcast_in_dim3A_769 = arith.constant 5 : i32
        %broadcast_in_dim3A_770 = vector.broadcast %broadcast_in_dim3A_769 : i32 to vector<16xi32>
        %add3A_771 = arith.addi %mul3A_714, %broadcast_in_dim3A_770 : vector<16xi32>
        %gather3A_772 = tpu.vector_load_idx %arg10[%add3A_771] : memref<288xf32, #tpu.memory_space<vmem>>[vector<16xi32>], vector<16xf32>,
        %mul3A_773 = arith.mulf %select_n3A_684, %gather3A_772 : vector<16xf32>
        %add3A_774 = arith.addf %add3A_768, %mul3A_773 : vector<16xf32>
        %broadcast_in_dim3A_775 = arith.constant 8 : i32
        %broadcast_in_dim3A_776 = vector.broadcast %broadcast_in_dim3A_775 : i32 to vector<16xi32>
        %add3A_777 = arith.addi %mul3A_714, %broadcast_in_dim3A_776 : vector<16xi32>
        %gather3A_778 = tpu.vector_load_idx %arg10[%add3A_777] : memref<288xf32, #tpu.memory_space<vmem>>[vector<16xi32>], vector<16xf32>,
        %mul3A_779 = arith.mulf %select_n3A_708, %gather3A_778 : vector<16xf32>
        %add3A_780 = arith.addf %add3A_774, %mul3A_779 : vector<16xf32>
        %mul3A_781 = arith.mulf %add3A_780, %add3A_780 : vector<16xf32>
        %add3A_782 = arith.addf %add3A_760, %mul3A_781 : vector<16xf32>
        %lt3A_783 = arith.constant 1.600000e+01 : f32
        %lt3A_784 = vector.broadcast %lt3A_783 : f32 to vector<16xf32>
        %lt3A_785 = arith.cmpf olt, %add3A_782, %lt3A_784 : vector<16xf32>
        %mul3A_786 = arith.constant -6.250000e-02 : f32
        %mul3A_787 = vector.broadcast %mul3A_786 : f32 to vector<16xf32>
        %mul3A_788 = arith.mulf %add3A_782, %mul3A_787 : vector<16xf32>
        %exp3A_789 = math.exp %mul3A_788 : vector<16xf32>
        %convert_element_type3A_790 = arith.extui %lt3A_785 : vector<16xi1> to vector<16xi32>
        %broadcast_in_dim3A_791 = arith.constant true
        %broadcast_in_dim3A_792 = vector.broadcast %broadcast_in_dim3A_791 : i1 to vector<16xi1>
        %masked_cumsum3A_793 = tpu.scan <sum>, %convert_element_type3A_790 masked %broadcast_in_dim3A_792 : vector<16xi32>, vector<16xi1> -> vector<16xi32>
        %add3A_794 = arith.addi %add3A_622, %masked_cumsum3A_793 : vector<16xi32>
        %sub3A_795 = arith.constant 1 : i32
        %sub3A_796 = vector.broadcast %sub3A_795 : i32 to vector<16xi32>
        %sub3A_797 = arith.subi %add3A_794, %sub3A_796 : vector<16xi32>
        tpu.vector_store_idx %arg12[%sub3A_797], %get3A_626 masked %lt3A_785 : memref<2080xi32, #tpu.memory_space<vmem>>[vector<16xi32>], vector<16xi32>, vector<16xi1>
        tpu.vector_store_idx %arg13[%sub3A_797], %exp3A_789 masked %lt3A_785 : memref<2080xf32, #tpu.memory_space<vmem>>[vector<16xi32>], vector<16xf32>, vector<16xi1>
        %all_reduce_population_count3A_798 = tpu.all_reduce %lt3A_785 {dim = 0 : i64, kind = #tpu.reduction_kind<sum>} : vector<16xi1> -> vector<16xi32>
        %add3A_799 = arith.addi %add3A_622, %all_reduce_population_count3A_798 : vector<16xi32>
        %add3A_800 = arith.addi %mul3A_32, %scan3A_97 : i32
        %get3A_801 = arith.index_cast %add3A_800 : i32 to index
        %get3A_802 = arith.constant 64 : index
        %get3A_803 = tpu.vector_load %arg11[%get3A_801, %get3A_802] {strides = array<i32>} : memref<250x80xi32, #tpu.memory_space<vmem>>, vector<16xi32>,
        %and3A_804 = arith.constant 16383 : i32
        %and3A_805 = vector.broadcast %and3A_804 : i32 to vector<16xi32>
        %and3A_806 = arith.andi %get3A_803, %and3A_805 : vector<16xi32>
        %shift_right_logical3A_807 = arith.constant 14 : i32
        %shift_right_logical3A_808 = vector.broadcast %shift_right_logical3A_807 : i32 to vector<16xi32>
        %shift_right_logical3A_809 = arith.shrui %get3A_803, %shift_right_logical3A_808 : vector<16xi32>
        %gather3A_810 = tpu.vector_load_idx %arg8[%and3A_806] : memref<10000xi32, #tpu.memory_space<vmem>>[vector<16xi32>], vector<16xi32>,
        %gather3A_811 = tpu.vector_load_idx %arg8[%shift_right_logical3A_809] : memref<10000xi32, #tpu.memory_space<vmem>>[vector<16xi32>], vector<16xi32>,
        %gather3A_812 = tpu.vector_load_idx %arg9[%and3A_806] : memref<10000xi32, #tpu.memory_space<vmem>>[vector<16xi32>], vector<16xi32>,
        %gather3A_813 = tpu.vector_load_idx %arg9[%shift_right_logical3A_809] : memref<10000xi32, #tpu.memory_space<vmem>>[vector<16xi32>], vector<16xi32>,
        %and3A_814 = arith.constant 65535 : i32
        %and3A_815 = vector.broadcast %and3A_814 : i32 to vector<16xi32>
        %and3A_816 = arith.andi %gather3A_810, %and3A_815 : vector<16xi32>
        %convert_element_type3A_817 = arith.sitofp %and3A_816 : vector<16xi32> to vector<16xf32>
        %and3A_818 = arith.constant 65535 : i32
        %and3A_819 = vector.broadcast %and3A_818 : i32 to vector<16xi32>
        %and3A_820 = arith.andi %gather3A_811, %and3A_819 : vector<16xi32>
        %convert_element_type3A_821 = arith.sitofp %and3A_820 : vector<16xi32> to vector<16xf32>
        %sub3A_822 = arith.subf %convert_element_type3A_821, %convert_element_type3A_817 : vector<16xf32>
        %mul3A_823 = arith.mulf %sub3A_822, %broadcast_in_dim3A_20 : vector<16xf32>
        %gt3A_824 = arith.constant 5.000000e-01 : f32
        %gt3A_825 = vector.broadcast %gt3A_824 : f32 to vector<16xf32>
        %gt3A_826 = arith.cmpf ogt, %mul3A_823, %gt3A_825 : vector<16xf32>
        %sub3A_827 = arith.constant 1.000000e+00 : f32
        %sub3A_828 = vector.broadcast %sub3A_827 : f32 to vector<16xf32>
        %sub3A_829 = arith.subf %mul3A_823, %sub3A_828 : vector<16xf32>
        %lt3A_830 = arith.constant -5.000000e-01 : f32
        %lt3A_831 = vector.broadcast %lt3A_830 : f32 to vector<16xf32>
        %lt3A_832 = arith.cmpf olt, %mul3A_823, %lt3A_831 : vector<16xf32>
        %add3A_833 = arith.constant 1.000000e+00 : f32
        %add3A_834 = vector.broadcast %add3A_833 : f32 to vector<16xf32>
        %add3A_835 = arith.addf %mul3A_823, %add3A_834 : vector<16xf32>
        %select_n3A_836 = arith.select %lt3A_832, %add3A_835, %mul3A_823 : vector<16xi1>, vector<16xf32>
        %select_n3A_837 = arith.select %gt3A_826, %sub3A_829, %select_n3A_836 : vector<16xi1>, vector<16xf32>
        %shift_right_logical3A_838 = arith.constant 16 : i32
        %shift_right_logical3A_839 = vector.broadcast %shift_right_logical3A_838 : i32 to vector<16xi32>
        %shift_right_logical3A_840 = arith.shrui %gather3A_810, %shift_right_logical3A_839 : vector<16xi32>
        %convert_element_type3A_841 = arith.sitofp %shift_right_logical3A_840 : vector<16xi32> to vector<16xf32>
        %shift_right_logical3A_842 = arith.constant 16 : i32
        %shift_right_logical3A_843 = vector.broadcast %shift_right_logical3A_842 : i32 to vector<16xi32>
        %shift_right_logical3A_844 = arith.shrui %gather3A_811, %shift_right_logical3A_843 : vector<16xi32>
        %convert_element_type3A_845 = arith.sitofp %shift_right_logical3A_844 : vector<16xi32> to vector<16xf32>
        %sub3A_846 = arith.subf %convert_element_type3A_845, %convert_element_type3A_841 : vector<16xf32>
        %mul3A_847 = arith.mulf %sub3A_846, %broadcast_in_dim3A_20 : vector<16xf32>
        %gt3A_848 = arith.constant 5.000000e-01 : f32
        %gt3A_849 = vector.broadcast %gt3A_848 : f32 to vector<16xf32>
        %gt3A_850 = arith.cmpf ogt, %mul3A_847, %gt3A_849 : vector<16xf32>
        %sub3A_851 = arith.constant 1.000000e+00 : f32
        %sub3A_852 = vector.broadcast %sub3A_851 : f32 to vector<16xf32>
        %sub3A_853 = arith.subf %mul3A_847, %sub3A_852 : vector<16xf32>
        %lt3A_854 = arith.constant -5.000000e-01 : f32
        %lt3A_855 = vector.broadcast %lt3A_854 : f32 to vector<16xf32>
        %lt3A_856 = arith.cmpf olt, %mul3A_847, %lt3A_855 : vector<16xf32>
        %add3A_857 = arith.constant 1.000000e+00 : f32
        %add3A_858 = vector.broadcast %add3A_857 : f32 to vector<16xf32>
        %add3A_859 = arith.addf %mul3A_847, %add3A_858 : vector<16xf32>
        %select_n3A_860 = arith.select %lt3A_856, %add3A_859, %mul3A_847 : vector<16xi1>, vector<16xf32>
        %select_n3A_861 = arith.select %gt3A_850, %sub3A_853, %select_n3A_860 : vector<16xi1>, vector<16xf32>
        %and3A_862 = arith.constant 65535 : i32
        %and3A_863 = vector.broadcast %and3A_862 : i32 to vector<16xi32>
        %and3A_864 = arith.andi %gather3A_812, %and3A_863 : vector<16xi32>
        %convert_element_type3A_865 = arith.sitofp %and3A_864 : vector<16xi32> to vector<16xf32>
        %and3A_866 = arith.constant 65535 : i32
        %and3A_867 = vector.broadcast %and3A_866 : i32 to vector<16xi32>
        %and3A_868 = arith.andi %gather3A_813, %and3A_867 : vector<16xi32>
        %convert_element_type3A_869 = arith.sitofp %and3A_868 : vector<16xi32> to vector<16xf32>
        %sub3A_870 = arith.subf %convert_element_type3A_869, %convert_element_type3A_865 : vector<16xf32>
        %mul3A_871 = arith.mulf %sub3A_870, %broadcast_in_dim3A_20 : vector<16xf32>
        %gt3A_872 = arith.constant 5.000000e-01 : f32
        %gt3A_873 = vector.broadcast %gt3A_872 : f32 to vector<16xf32>
        %gt3A_874 = arith.cmpf ogt, %mul3A_871, %gt3A_873 : vector<16xf32>
        %sub3A_875 = arith.constant 1.000000e+00 : f32
        %sub3A_876 = vector.broadcast %sub3A_875 : f32 to vector<16xf32>
        %sub3A_877 = arith.subf %mul3A_871, %sub3A_876 : vector<16xf32>
        %lt3A_878 = arith.constant -5.000000e-01 : f32
        %lt3A_879 = vector.broadcast %lt3A_878 : f32 to vector<16xf32>
        %lt3A_880 = arith.cmpf olt, %mul3A_871, %lt3A_879 : vector<16xf32>
        %add3A_881 = arith.constant 1.000000e+00 : f32
        %add3A_882 = vector.broadcast %add3A_881 : f32 to vector<16xf32>
        %add3A_883 = arith.addf %mul3A_871, %add3A_882 : vector<16xf32>
        %select_n3A_884 = arith.select %lt3A_880, %add3A_883, %mul3A_871 : vector<16xi1>, vector<16xf32>
        %select_n3A_885 = arith.select %gt3A_874, %sub3A_877, %select_n3A_884 : vector<16xi1>, vector<16xf32>
        %shift_right_logical3A_886 = arith.constant 16 : i32
        %shift_right_logical3A_887 = vector.broadcast %shift_right_logical3A_886 : i32 to vector<16xi32>
        %shift_right_logical3A_888 = arith.shrui %gather3A_812, %shift_right_logical3A_887 : vector<16xi32>
        %mul3A_889 = arith.constant 9 : i32
        %mul3A_890 = vector.broadcast %mul3A_889 : i32 to vector<16xi32>
        %mul3A_891 = arith.muli %shift_right_logical3A_888, %mul3A_890 : vector<16xi32>
        %broadcast_in_dim3A_892 = arith.constant 9.99999996E-13 : f32
        %broadcast_in_dim3A_893 = vector.broadcast %broadcast_in_dim3A_892 : f32 to vector<16xf32>
        %broadcast_in_dim3A_894 = arith.constant 0.000000e+00 : f32
        %broadcast_in_dim3A_895 = vector.broadcast %broadcast_in_dim3A_894 : f32 to vector<16xf32>
        %broadcast_in_dim3A_896 = arith.constant 0 : i32
        %broadcast_in_dim3A_897 = vector.broadcast %broadcast_in_dim3A_896 : i32 to vector<16xi32>
        %add3A_898 = arith.addi %mul3A_891, %broadcast_in_dim3A_897 : vector<16xi32>
        %gather3A_899 = tpu.vector_load_idx %arg10[%add3A_898] : memref<288xf32, #tpu.memory_space<vmem>>[vector<16xi32>], vector<16xf32>,
        %mul3A_900 = arith.mulf %select_n3A_837, %gather3A_899 : vector<16xf32>
        %add3A_901 = arith.addf %broadcast_in_dim3A_895, %mul3A_900 : vector<16xf32>
        %broadcast_in_dim3A_902 = arith.constant 3 : i32
        %broadcast_in_dim3A_903 = vector.broadcast %broadcast_in_dim3A_902 : i32 to vector<16xi32>
        %add3A_904 = arith.addi %mul3A_891, %broadcast_in_dim3A_903 : vector<16xi32>
        %gather3A_905 = tpu.vector_load_idx %arg10[%add3A_904] : memref<288xf32, #tpu.memory_space<vmem>>[vector<16xi32>], vector<16xf32>,
        %mul3A_906 = arith.mulf %select_n3A_861, %gather3A_905 : vector<16xf32>
        %add3A_907 = arith.addf %add3A_901, %mul3A_906 : vector<16xf32>
        %broadcast_in_dim3A_908 = arith.constant 6 : i32
        %broadcast_in_dim3A_909 = vector.broadcast %broadcast_in_dim3A_908 : i32 to vector<16xi32>
        %add3A_910 = arith.addi %mul3A_891, %broadcast_in_dim3A_909 : vector<16xi32>
        %gather3A_911 = tpu.vector_load_idx %arg10[%add3A_910] : memref<288xf32, #tpu.memory_space<vmem>>[vector<16xi32>], vector<16xf32>,
        %mul3A_912 = arith.mulf %select_n3A_885, %gather3A_911 : vector<16xf32>
        %add3A_913 = arith.addf %add3A_907, %mul3A_912 : vector<16xf32>
        %mul3A_914 = arith.mulf %add3A_913, %add3A_913 : vector<16xf32>
        %add3A_915 = arith.addf %broadcast_in_dim3A_893, %mul3A_914 : vector<16xf32>
        %broadcast_in_dim3A_916 = arith.constant 0.000000e+00 : f32
        %broadcast_in_dim3A_917 = vector.broadcast %broadcast_in_dim3A_916 : f32 to vector<16xf32>
        %broadcast_in_dim3A_918 = arith.constant 1 : i32
        %broadcast_in_dim3A_919 = vector.broadcast %broadcast_in_dim3A_918 : i32 to vector<16xi32>
        %add3A_920 = arith.addi %mul3A_891, %broadcast_in_dim3A_919 : vector<16xi32>
        %gather3A_921 = tpu.vector_load_idx %arg10[%add3A_920] : memref<288xf32, #tpu.memory_space<vmem>>[vector<16xi32>], vector<16xf32>,
        %mul3A_922 = arith.mulf %select_n3A_837, %gather3A_921 : vector<16xf32>
        %add3A_923 = arith.addf %broadcast_in_dim3A_917, %mul3A_922 : vector<16xf32>
        %broadcast_in_dim3A_924 = arith.constant 4 : i32
        %broadcast_in_dim3A_925 = vector.broadcast %broadcast_in_dim3A_924 : i32 to vector<16xi32>
        %add3A_926 = arith.addi %mul3A_891, %broadcast_in_dim3A_925 : vector<16xi32>
        %gather3A_927 = tpu.vector_load_idx %arg10[%add3A_926] : memref<288xf32, #tpu.memory_space<vmem>>[vector<16xi32>], vector<16xf32>,
        %mul3A_928 = arith.mulf %select_n3A_861, %gather3A_927 : vector<16xf32>
        %add3A_929 = arith.addf %add3A_923, %mul3A_928 : vector<16xf32>
        %broadcast_in_dim3A_930 = arith.constant 7 : i32
        %broadcast_in_dim3A_931 = vector.broadcast %broadcast_in_dim3A_930 : i32 to vector<16xi32>
        %add3A_932 = arith.addi %mul3A_891, %broadcast_in_dim3A_931 : vector<16xi32>
        %gather3A_933 = tpu.vector_load_idx %arg10[%add3A_932] : memref<288xf32, #tpu.memory_space<vmem>>[vector<16xi32>], vector<16xf32>,
        %mul3A_934 = arith.mulf %select_n3A_885, %gather3A_933 : vector<16xf32>
        %add3A_935 = arith.addf %add3A_929, %mul3A_934 : vector<16xf32>
        %mul3A_936 = arith.mulf %add3A_935, %add3A_935 : vector<16xf32>
        %add3A_937 = arith.addf %add3A_915, %mul3A_936 : vector<16xf32>
        %broadcast_in_dim3A_938 = arith.constant 0.000000e+00 : f32
        %broadcast_in_dim3A_939 = vector.broadcast %broadcast_in_dim3A_938 : f32 to vector<16xf32>
        %broadcast_in_dim3A_940 = arith.constant 2 : i32
        %broadcast_in_dim3A_941 = vector.broadcast %broadcast_in_dim3A_940 : i32 to vector<16xi32>
        %add3A_942 = arith.addi %mul3A_891, %broadcast_in_dim3A_941 : vector<16xi32>
        %gather3A_943 = tpu.vector_load_idx %arg10[%add3A_942] : memref<288xf32, #tpu.memory_space<vmem>>[vector<16xi32>], vector<16xf32>,
        %mul3A_944 = arith.mulf %select_n3A_837, %gather3A_943 : vector<16xf32>
        %add3A_945 = arith.addf %broadcast_in_dim3A_939, %mul3A_944 : vector<16xf32>
        %broadcast_in_dim3A_946 = arith.constant 5 : i32
        %broadcast_in_dim3A_947 = vector.broadcast %broadcast_in_dim3A_946 : i32 to vector<16xi32>
        %add3A_948 = arith.addi %mul3A_891, %broadcast_in_dim3A_947 : vector<16xi32>
        %gather3A_949 = tpu.vector_load_idx %arg10[%add3A_948] : memref<288xf32, #tpu.memory_space<vmem>>[vector<16xi32>], vector<16xf32>,
        %mul3A_950 = arith.mulf %select_n3A_861, %gather3A_949 : vector<16xf32>
        %add3A_951 = arith.addf %add3A_945, %mul3A_950 : vector<16xf32>
        %broadcast_in_dim3A_952 = arith.constant 8 : i32
        %broadcast_in_dim3A_953 = vector.broadcast %broadcast_in_dim3A_952 : i32 to vector<16xi32>
        %add3A_954 = arith.addi %mul3A_891, %broadcast_in_dim3A_953 : vector<16xi32>
        %gather3A_955 = tpu.vector_load_idx %arg10[%add3A_954] : memref<288xf32, #tpu.memory_space<vmem>>[vector<16xi32>], vector<16xf32>,
        %mul3A_956 = arith.mulf %select_n3A_885, %gather3A_955 : vector<16xf32>
        %add3A_957 = arith.addf %add3A_951, %mul3A_956 : vector<16xf32>
        %mul3A_958 = arith.mulf %add3A_957, %add3A_957 : vector<16xf32>
        %add3A_959 = arith.addf %add3A_937, %mul3A_958 : vector<16xf32>
        %lt3A_960 = arith.constant 1.600000e+01 : f32
        %lt3A_961 = vector.broadcast %lt3A_960 : f32 to vector<16xf32>
        %lt3A_962 = arith.cmpf olt, %add3A_959, %lt3A_961 : vector<16xf32>
        %mul3A_963 = arith.constant -6.250000e-02 : f32
        %mul3A_964 = vector.broadcast %mul3A_963 : f32 to vector<16xf32>
        %mul3A_965 = arith.mulf %add3A_959, %mul3A_964 : vector<16xf32>
        %exp3A_966 = math.exp %mul3A_965 : vector<16xf32>
        %convert_element_type3A_967 = arith.extui %lt3A_962 : vector<16xi1> to vector<16xi32>
        %broadcast_in_dim3A_968 = arith.constant true
        %broadcast_in_dim3A_969 = vector.broadcast %broadcast_in_dim3A_968 : i1 to vector<16xi1>
        %masked_cumsum3A_970 = tpu.scan <sum>, %convert_element_type3A_967 masked %broadcast_in_dim3A_969 : vector<16xi32>, vector<16xi1> -> vector<16xi32>
        %add3A_971 = arith.addi %add3A_799, %masked_cumsum3A_970 : vector<16xi32>
        %sub3A_972 = arith.constant 1 : i32
        %sub3A_973 = vector.broadcast %sub3A_972 : i32 to vector<16xi32>
        %sub3A_974 = arith.subi %add3A_971, %sub3A_973 : vector<16xi32>
        tpu.vector_store_idx %arg12[%sub3A_974], %get3A_803 masked %lt3A_962 : memref<2080xi32, #tpu.memory_space<vmem>>[vector<16xi32>], vector<16xi32>, vector<16xi1>
        tpu.vector_store_idx %arg13[%sub3A_974], %exp3A_966 masked %lt3A_962 : memref<2080xf32, #tpu.memory_space<vmem>>[vector<16xi32>], vector<16xf32>, vector<16xi1>
        %all_reduce_population_count3A_975 = tpu.all_reduce %lt3A_962 {dim = 0 : i64, kind = #tpu.reduction_kind<sum>} : vector<16xi1> -> vector<16xi32>
        %add3A_976 = arith.addi %add3A_799, %all_reduce_population_count3A_975 : vector<16xi32>
        scf.yield %add3A_976 : vector<16xi32>
      }
      %scan3A_38 = arith.constant 25 : i32
      %add3A_39 = arith.addi %scan3A_37, %iota3A : vector<16xi32>
      %add3A_40 = arith.constant 0 : i32
      %add3A_41 = vector.broadcast %add3A_40 : i32 to vector<16xi32>
      %add3A_42 = arith.addi %add3A_39, %add3A_41 : vector<16xi32>
      tpu.vector_store_idx %arg12[%add3A_42], %broadcast_in_dim3A_16 : memref<2080xi32, #tpu.memory_space<vmem>>[vector<16xi32>], vector<16xi32>,
      tpu.vector_store_idx %arg13[%add3A_42], %broadcast_in_dim3A_18 : memref<2080xf32, #tpu.memory_space<vmem>>[vector<16xi32>], vector<16xf32>,
      %add3A_43 = arith.addi %scan3A_37, %iota3A : vector<16xi32>
      %add3A_44 = arith.constant 16 : i32
      %add3A_45 = vector.broadcast %add3A_44 : i32 to vector<16xi32>
      %add3A_46 = arith.addi %add3A_43, %add3A_45 : vector<16xi32>
      tpu.vector_store_idx %arg12[%add3A_46], %broadcast_in_dim3A_16 : memref<2080xi32, #tpu.memory_space<vmem>>[vector<16xi32>], vector<16xi32>,
      tpu.vector_store_idx %arg13[%add3A_46], %broadcast_in_dim3A_18 : memref<2080xf32, #tpu.memory_space<vmem>>[vector<16xi32>], vector<16xf32>,
      %add3A_47 = arith.addi %scan3A_37, %iota3A : vector<16xi32>
      %add3A_48 = arith.constant 32 : i32
      %add3A_49 = vector.broadcast %add3A_48 : i32 to vector<16xi32>
      %add3A_50 = arith.addi %add3A_47, %add3A_49 : vector<16xi32>
      tpu.vector_store_idx %arg12[%add3A_50], %broadcast_in_dim3A_16 : memref<2080xi32, #tpu.memory_space<vmem>>[vector<16xi32>], vector<16xi32>,
      tpu.vector_store_idx %arg13[%add3A_50], %broadcast_in_dim3A_18 : memref<2080xf32, #tpu.memory_space<vmem>>[vector<16xi32>], vector<16xf32>,
      %add3A_51 = arith.addi %scan3A_37, %iota3A : vector<16xi32>
      %add3A_52 = arith.constant 48 : i32
      %add3A_53 = vector.broadcast %add3A_52 : i32 to vector<16xi32>
      %add3A_54 = arith.addi %add3A_51, %add3A_53 : vector<16xi32>
      tpu.vector_store_idx %arg12[%add3A_54], %broadcast_in_dim3A_16 : memref<2080xi32, #tpu.memory_space<vmem>>[vector<16xi32>], vector<16xi32>,
      tpu.vector_store_idx %arg13[%add3A_54], %broadcast_in_dim3A_18 : memref<2080xf32, #tpu.memory_space<vmem>>[vector<16xi32>], vector<16xf32>,
      %add3A_55 = arith.addi %scan3A_37, %iota3A : vector<16xi32>
      %add3A_56 = arith.constant 64 : i32
      %add3A_57 = vector.broadcast %add3A_56 : i32 to vector<16xi32>
      %add3A_58 = arith.addi %add3A_55, %add3A_57 : vector<16xi32>
      tpu.vector_store_idx %arg12[%add3A_58], %broadcast_in_dim3A_16 : memref<2080xi32, #tpu.memory_space<vmem>>[vector<16xi32>], vector<16xi32>,
      tpu.vector_store_idx %arg13[%add3A_58], %broadcast_in_dim3A_18 : memref<2080xf32, #tpu.memory_space<vmem>>[vector<16xi32>], vector<16xf32>,
      %reduce_max3A = arith.constant true
      %reduce_max3A_59 = vector.broadcast %reduce_max3A : i1 to vector<16xi1>
      %reduce_max3A_60 = arith.constant -2147483648 : i32
      %reduce_max3A_61 = vector.broadcast %reduce_max3A_60 : i32 to vector<16xi32>
      %reduce_max3A_62 = arith.xori %scan3A_37, %reduce_max3A_61 : vector<16xi32>
      %reduce_max3A_63 = tpu.scan <max>, %reduce_max3A_62 masked %reduce_max3A_59 : vector<16xi32>, vector<16xi1> -> vector<16xi32>
      %reduce_max3A_64 = arith.xori %reduce_max3A_63, %reduce_max3A_61 : vector<16xi32>
      %reduce_max3A_65 = vector.extract %reduce_max3A_64[15] : i32 from vector<16xi32>
      %add3A_66 = arith.constant 79 : i32
      %add3A_67 = arith.addi %reduce_max3A_65, %add3A_66 : i32
      %jit3A = arith.constant 80 : i32
      %div3A = arith.divsi %add3A_67, %jit3A : i32
      %sign3A = arith.constant 0 : i32
      %sign3A_68 = arith.cmpi sgt, %add3A_67, %sign3A : i32
      %sign3A_69 = arith.extui %sign3A_68 : i1 to i32
      %sign3A_70 = arith.constant 0 : i32
      %sign3A_71 = arith.cmpi slt, %add3A_67, %sign3A_70 : i32
      %sign3A_72 = arith.extui %sign3A_71 : i1 to i32
      %sign3A_73 = arith.subi %sign3A_69, %sign3A_72 : i32
      %sign3A_74 = arith.constant 0 : i32
      %sign3A_75 = arith.cmpi sgt, %jit3A, %sign3A_74 : i32
      %sign3A_76 = arith.extui %sign3A_75 : i1 to i32
      %sign3A_77 = arith.constant 0 : i32
      %sign3A_78 = arith.cmpi slt, %jit3A, %sign3A_77 : i32
      %sign3A_79 = arith.extui %sign3A_78 : i1 to i32
      %sign3A_80 = arith.subi %sign3A_76, %sign3A_79 : i32
      %ne3A = arith.cmpi ne, %sign3A_73, %sign3A_80 : i32
      %rem3A = arith.remsi %add3A_67, %jit3A : i32
      %ne3A_81 = arith.constant 0 : i32
      %ne3A_82 = arith.cmpi ne, %rem3A, %ne3A_81 : i32
      %and3A = arith.andi %ne3A, %ne3A_82 : i1
      %sub3A = arith.constant 1 : i32
      %sub3A_83 = arith.subi %div3A, %sub3A : i32
      %select_n3A = arith.select %and3A, %sub3A_83, %div3A : i32
      %gt3A = arith.constant 0 : i32
      %gt3A_84 = arith.cmpi sgt, %select_n3A, %gt3A : i32
      %convert_element_type3A = arith.extui %gt3A_84 : i1 to i32
      %cond3A = arith.constant 0 : i32
      %cond3A_85 = arith.cmpi ne, %convert_element_type3A, %cond3A : i32
      scf.if %cond3A_85 {
        %multiple_of3A = arith.constant 0 : i32
        %multiple_of3A_97 = tpu.assume_multiple %multiple_of3A, 16 : i32
        %scan3A_98 = arith.constant 0 : i32
        %scan3A_99 = arith.constant 0 : i32
        %scan3A_100 = arith.constant 5 : i32
        %scan3A_101 = arith.addi %scan3A_99, %scan3A_100 : i32
        %scan3A_102 = arith.constant 1 : i32
        scf.for %scan3A_106 = %scan3A_99 to %scan3A_101 step %scan3A_102  : i32 {
          %mul3A_107 = arith.constant 16 : i32
          %mul3A_108 = arith.muli %scan3A_106, %mul3A_107 : i32
          %add3A_109 = arith.addi %multiple_of3A_97, %mul3A_108 : i32
          %get3A = arith.index_cast %add3A_109 : i32 to index
          %get3A_110 = tpu.vector_load %arg12[%get3A] {strides = array<i32>} : memref<2080xi32, #tpu.memory_space<vmem>>, vector<16xi32>,
          %and3A_111 = arith.constant 16383 : i32
          %and3A_112 = vector.broadcast %and3A_111 : i32 to vector<16xi32>
          %and3A_113 = arith.andi %get3A_110, %and3A_112 : vector<16xi32>
          %add3A_114 = vector.broadcast %mul3A_15 : i32 to vector<16xi32>
          %add3A_115 = arith.addi %and3A_113, %add3A_114 : vector<16xi32>
          %mul3A_116 = arith.constant 16 : i32
          %mul3A_117 = arith.muli %scan3A_106, %mul3A_116 : i32
          %swap3A = arith.index_cast %mul3A_117 : i32 to index
          %swap3A_118 = tpu.vector_load %arg14[%swap3A] {strides = array<i32>} : memref<80xi32, #tpu.memory_space<vmem>>, vector<16xi32>,
          tpu.vector_store %arg14[%swap3A], %add3A_115 {strides = array<i32>} : memref<80xi32, #tpu.memory_space<vmem>>, vector<16xi32>,
          %shift_right_logical3A = arith.constant 14 : i32
          %shift_right_logical3A_119 = vector.broadcast %shift_right_logical3A : i32 to vector<16xi32>
          %shift_right_logical3A_120 = arith.shrui %get3A_110, %shift_right_logical3A_119 : vector<16xi32>
          %mul3A_121 = arith.constant 16 : i32
          %mul3A_122 = arith.muli %scan3A_106, %mul3A_121 : i32
          %swap3A_123 = arith.index_cast %mul3A_122 : i32 to index
          %swap3A_124 = tpu.vector_load %arg16[%swap3A_123] {strides = array<i32>} : memref<80xi32, #tpu.memory_space<vmem>>, vector<16xi32>,
          tpu.vector_store %arg16[%swap3A_123], %shift_right_logical3A_120 {strides = array<i32>} : memref<80xi32, #tpu.memory_space<vmem>>, vector<16xi32>,
        }
        %scan3A_103 = arith.constant 5 : i32
        %dma_start3A = arith.constant 0 : i32
        %dma_start3A_104 = arith.constant 0 : i32
        %dma_start3A_105 = tpu.memref_slice %arg6[%dma_start3A, %dma_start3A_104] : memref<20000x64xf32, #tpu.memory_space<hbm>> -> memref<20000x64xf32, #tpu.memory_space<hbm>>
        tpu.enqueue_indirect_dma source(%dma_start3A_105 : memref<20000x64xf32, #tpu.memory_space<hbm>>) target(%arg18 : memref<80x64xf32, #tpu.memory_space<vmem>>) offsets(%arg14 : memref<80xi32, #tpu.memory_space<vmem>>) semaphore(%arg21 : memref<!tpu.dma_semaphore, #tpu.memory_space<semaphore_mem>>)
      } else {
      }
      %scan3A_86 = arith.constant 0 : i32
      %scan3A_87 = arith.constant 0 : i32
      %scan3A_88 = arith.constant 13 : i32
      %scan3A_89 = arith.addi %scan3A_87, %scan3A_88 : i32
      %scan3A_90 = arith.constant 1 : i32
      scf.for %scan3A_97 = %scan3A_87 to %scan3A_89 step %scan3A_90  : i32 {
        %mul3A_98 = arith.constant 2 : i32
        %mul3A_99 = arith.muli %scan3A_97, %mul3A_98 : i32
        %add3A_100 = arith.constant 0 : i32
        %add3A_101 = arith.addi %mul3A_99, %add3A_100 : i32
        %lt3A = arith.cmpi slt, %add3A_101, %select_n3A : i32
        %convert_element_type3A_102 = arith.extui %lt3A : i1 to i32
        %cond3A_103 = arith.constant 0 : i32
        %cond3A_104 = arith.cmpi ne, %convert_element_type3A_102, %cond3A_103 : i32
        scf.if %cond3A_104 {
          %add3A_113 = arith.constant 1 : i32
          %add3A_114 = arith.addi %add3A_101, %add3A_113 : i32
          %sub3A_115 = arith.constant 1 : i32
          %sub3A_116 = arith.subi %select_n3A, %sub3A_115 : i32
          %min3A = arith.minsi %add3A_114, %sub3A_116 : i32
          %ge3A = arith.constant 1 : i32
          %ge3A_117 = arith.cmpi sge, %add3A_101, %ge3A : i32
          %convert_element_type3A_118 = arith.extui %ge3A_117 : i1 to i32
          %cond3A_119 = arith.constant 0 : i32
          %cond3A_120 = arith.cmpi ne, %convert_element_type3A_118, %cond3A_119 : i32
          scf.if %cond3A_120 {
            %dma_wait3A_144 = arith.constant 0 : i32
            %dma_wait3A_145 = arith.constant 0 : i32
            %dma_wait3A_146 = tpu.memref_slice %arg20[%dma_wait3A_144, %dma_wait3A_145] : memref<12800x64xf32, #tpu.memory_space<vmem_shared>> -> memref<12800x64xf32, #tpu.memory_space<vmem_shared>>
            tpu.wait_indirect_dma semaphore(%arg24 : memref<!tpu.dma_semaphore, #tpu.memory_space<semaphore_mem>>) src(%arg19 : memref<80x64xf32, #tpu.memory_space<vmem>>) dst(%dma_wait3A_146 : memref<12800x64xf32, #tpu.memory_space<vmem_shared>>)
          } else {
          }
          %mul3A_121 = arith.constant 80 : i32
          %mul3A_122 = arith.muli %min3A, %mul3A_121 : i32
          %multiple_of3A = tpu.assume_multiple %mul3A_122, 16 : i32
          %scan3A_123 = arith.constant 0 : i32
          %scan3A_124 = arith.constant 0 : i32
          %scan3A_125 = arith.constant 5 : i32
          %scan3A_126 = arith.addi %scan3A_124, %scan3A_125 : i32
          %scan3A_127 = arith.constant 1 : i32
          scf.for %scan3A_144 = %scan3A_124 to %scan3A_126 step %scan3A_127  : i32 {
            %mul3A_145 = arith.constant 16 : i32
            %mul3A_146 = arith.muli %scan3A_144, %mul3A_145 : i32
            %add3A_147 = arith.addi %multiple_of3A, %mul3A_146 : i32
            %get3A = arith.index_cast %add3A_147 : i32 to index
            %get3A_148 = tpu.vector_load %arg12[%get3A] {strides = array<i32>} : memref<2080xi32, #tpu.memory_space<vmem>>, vector<16xi32>,
            %and3A_149 = arith.constant 16383 : i32
            %and3A_150 = vector.broadcast %and3A_149 : i32 to vector<16xi32>
            %and3A_151 = arith.andi %get3A_148, %and3A_150 : vector<16xi32>
            %add3A_152 = vector.broadcast %mul3A_15 : i32 to vector<16xi32>
            %add3A_153 = arith.addi %and3A_151, %add3A_152 : vector<16xi32>
            %mul3A_154 = arith.constant 16 : i32
            %mul3A_155 = arith.muli %scan3A_144, %mul3A_154 : i32
            %swap3A = arith.index_cast %mul3A_155 : i32 to index
            %swap3A_156 = tpu.vector_load %arg15[%swap3A] {strides = array<i32>} : memref<80xi32, #tpu.memory_space<vmem>>, vector<16xi32>,
            tpu.vector_store %arg15[%swap3A], %add3A_153 {strides = array<i32>} : memref<80xi32, #tpu.memory_space<vmem>>, vector<16xi32>,
            %shift_right_logical3A = arith.constant 14 : i32
            %shift_right_logical3A_157 = vector.broadcast %shift_right_logical3A : i32 to vector<16xi32>
            %shift_right_logical3A_158 = arith.shrui %get3A_148, %shift_right_logical3A_157 : vector<16xi32>
            %mul3A_159 = arith.constant 16 : i32
            %mul3A_160 = arith.muli %scan3A_144, %mul3A_159 : i32
            %swap3A_161 = arith.index_cast %mul3A_160 : i32 to index
            %swap3A_162 = tpu.vector_load %arg17[%swap3A_161] {strides = array<i32>} : memref<80xi32, #tpu.memory_space<vmem>>, vector<16xi32>,
            tpu.vector_store %arg17[%swap3A_161], %shift_right_logical3A_158 {strides = array<i32>} : memref<80xi32, #tpu.memory_space<vmem>>, vector<16xi32>,
          }
          %scan3A_128 = arith.constant 5 : i32
          %dma_start3A = arith.constant 0 : i32
          %dma_start3A_129 = arith.constant 0 : i32
          %dma_start3A_130 = tpu.memref_slice %arg6[%dma_start3A, %dma_start3A_129] : memref<20000x64xf32, #tpu.memory_space<hbm>> -> memref<20000x64xf32, #tpu.memory_space<hbm>>
          tpu.enqueue_indirect_dma source(%dma_start3A_130 : memref<20000x64xf32, #tpu.memory_space<hbm>>) target(%arg19 : memref<80x64xf32, #tpu.memory_space<vmem>>) offsets(%arg15 : memref<80xi32, #tpu.memory_space<vmem>>) semaphore(%arg22 : memref<!tpu.dma_semaphore, #tpu.memory_space<semaphore_mem>>)
          %dma_wait3A = arith.constant 0 : i32
          %dma_wait3A_131 = arith.constant 0 : i32
          %dma_wait3A_132 = tpu.memref_slice %arg6[%dma_wait3A, %dma_wait3A_131] : memref<20000x64xf32, #tpu.memory_space<hbm>> -> memref<20000x64xf32, #tpu.memory_space<hbm>>
          tpu.wait_indirect_dma semaphore(%arg21 : memref<!tpu.dma_semaphore, #tpu.memory_space<semaphore_mem>>) src(%dma_wait3A_132 : memref<20000x64xf32, #tpu.memory_space<hbm>>) dst(%arg18 : memref<80x64xf32, #tpu.memory_space<vmem>>)
          %mul3A_133 = arith.constant 80 : i32
          %mul3A_134 = arith.muli %add3A_101, %mul3A_133 : i32
          %scan3A_135 = arith.constant 0 : i32
          %scan3A_136 = arith.constant 0 : i32
          %scan3A_137 = arith.constant 20 : i32
          %scan3A_138 = arith.addi %scan3A_136, %scan3A_137 : i32
          %scan3A_139 = arith.constant 1 : i32
          scf.for %scan3A_144 = %scan3A_136 to %scan3A_138 step %scan3A_139  : i32 {
            %mul3A_145 = arith.constant 4 : i32
            %mul3A_146 = arith.muli %scan3A_144, %mul3A_145 : i32
            %add3A_147 = arith.constant 0 : i32
            %add3A_148 = arith.addi %mul3A_146, %add3A_147 : i32
            %add3A_149 = arith.addi %mul3A_134, %add3A_148 : i32
            %broadcast_in_dim3A_150 = vector.broadcast %add3A_149 : i32 to vector<16xi32>
            %gather3A = tpu.vector_load_idx %arg13[%broadcast_in_dim3A_150] : memref<2080xf32, #tpu.memory_space<vmem>>[vector<16xi32>], vector<16xf32>,
            %get3A = arith.index_cast %add3A_148 : i32 to index
            %get3A_151 = arith.constant 0 : index
            %get3A_152 = tpu.vector_load %arg18[%get3A, %get3A_151] {strides = array<i32>} : memref<80x64xf32, #tpu.memory_space<vmem>>, vector<16xf32>,
            %mul3A_153 = arith.mulf %get3A_152, %gather3A : vector<16xf32>
            %swap3A = arith.index_cast %add3A_148 : i32 to index
            %swap3A_154 = arith.constant 0 : index
            %swap3A_155 = tpu.vector_load %arg18[%swap3A, %swap3A_154] {strides = array<i32>} : memref<80x64xf32, #tpu.memory_space<vmem>>, vector<16xf32>,
            tpu.vector_store %arg18[%swap3A, %swap3A_154], %mul3A_153 {strides = array<i32>} : memref<80x64xf32, #tpu.memory_space<vmem>>, vector<16xf32>,
            %get3A_156 = arith.index_cast %add3A_148 : i32 to index
            %get3A_157 = arith.constant 16 : index
            %get3A_158 = tpu.vector_load %arg18[%get3A_156, %get3A_157] {strides = array<i32>} : memref<80x64xf32, #tpu.memory_space<vmem>>, vector<16xf32>,
            %mul3A_159 = arith.mulf %get3A_158, %gather3A : vector<16xf32>
            %swap3A_160 = arith.index_cast %add3A_148 : i32 to index
            %swap3A_161 = arith.constant 16 : index
            %swap3A_162 = tpu.vector_load %arg18[%swap3A_160, %swap3A_161] {strides = array<i32>} : memref<80x64xf32, #tpu.memory_space<vmem>>, vector<16xf32>,
            tpu.vector_store %arg18[%swap3A_160, %swap3A_161], %mul3A_159 {strides = array<i32>} : memref<80x64xf32, #tpu.memory_space<vmem>>, vector<16xf32>,
            %get3A_163 = arith.index_cast %add3A_148 : i32 to index
            %get3A_164 = arith.constant 32 : index
            %get3A_165 = tpu.vector_load %arg18[%get3A_163, %get3A_164] {strides = array<i32>} : memref<80x64xf32, #tpu.memory_space<vmem>>, vector<16xf32>,
            %mul3A_166 = arith.mulf %get3A_165, %gather3A : vector<16xf32>
            %swap3A_167 = arith.index_cast %add3A_148 : i32 to index
            %swap3A_168 = arith.constant 32 : index
            %swap3A_169 = tpu.vector_load %arg18[%swap3A_167, %swap3A_168] {strides = array<i32>} : memref<80x64xf32, #tpu.memory_space<vmem>>, vector<16xf32>,
            tpu.vector_store %arg18[%swap3A_167, %swap3A_168], %mul3A_166 {strides = array<i32>} : memref<80x64xf32, #tpu.memory_space<vmem>>, vector<16xf32>,
            %get3A_170 = arith.index_cast %add3A_148 : i32 to index
            %get3A_171 = arith.constant 48 : index
            %get3A_172 = tpu.vector_load %arg18[%get3A_170, %get3A_171] {strides = array<i32>} : memref<80x64xf32, #tpu.memory_space<vmem>>, vector<16xf32>,
            %mul3A_173 = arith.mulf %get3A_172, %gather3A : vector<16xf32>
            %swap3A_174 = arith.index_cast %add3A_148 : i32 to index
            %swap3A_175 = arith.constant 48 : index
            %swap3A_176 = tpu.vector_load %arg18[%swap3A_174, %swap3A_175] {strides = array<i32>} : memref<80x64xf32, #tpu.memory_space<vmem>>, vector<16xf32>,
            tpu.vector_store %arg18[%swap3A_174, %swap3A_175], %mul3A_173 {strides = array<i32>} : memref<80x64xf32, #tpu.memory_space<vmem>>, vector<16xf32>,
            %mul3A_177 = arith.constant 4 : i32
            %mul3A_178 = arith.muli %scan3A_144, %mul3A_177 : i32
            %add3A_179 = arith.constant 1 : i32
            %add3A_180 = arith.addi %mul3A_178, %add3A_179 : i32
            %add3A_181 = arith.addi %mul3A_134, %add3A_180 : i32
            %broadcast_in_dim3A_182 = vector.broadcast %add3A_181 : i32 to vector<16xi32>
            %gather3A_183 = tpu.vector_load_idx %arg13[%broadcast_in_dim3A_182] : memref<2080xf32, #tpu.memory_space<vmem>>[vector<16xi32>], vector<16xf32>,
            %get3A_184 = arith.index_cast %add3A_180 : i32 to index
            %get3A_185 = arith.constant 0 : index
            %get3A_186 = tpu.vector_load %arg18[%get3A_184, %get3A_185] {strides = array<i32>} : memref<80x64xf32, #tpu.memory_space<vmem>>, vector<16xf32>,
            %mul3A_187 = arith.mulf %get3A_186, %gather3A_183 : vector<16xf32>
            %swap3A_188 = arith.index_cast %add3A_180 : i32 to index
            %swap3A_189 = arith.constant 0 : index
            %swap3A_190 = tpu.vector_load %arg18[%swap3A_188, %swap3A_189] {strides = array<i32>} : memref<80x64xf32, #tpu.memory_space<vmem>>, vector<16xf32>,
            tpu.vector_store %arg18[%swap3A_188, %swap3A_189], %mul3A_187 {strides = array<i32>} : memref<80x64xf32, #tpu.memory_space<vmem>>, vector<16xf32>,
            %get3A_191 = arith.index_cast %add3A_180 : i32 to index
            %get3A_192 = arith.constant 16 : index
            %get3A_193 = tpu.vector_load %arg18[%get3A_191, %get3A_192] {strides = array<i32>} : memref<80x64xf32, #tpu.memory_space<vmem>>, vector<16xf32>,
            %mul3A_194 = arith.mulf %get3A_193, %gather3A_183 : vector<16xf32>
            %swap3A_195 = arith.index_cast %add3A_180 : i32 to index
            %swap3A_196 = arith.constant 16 : index
            %swap3A_197 = tpu.vector_load %arg18[%swap3A_195, %swap3A_196] {strides = array<i32>} : memref<80x64xf32, #tpu.memory_space<vmem>>, vector<16xf32>,
            tpu.vector_store %arg18[%swap3A_195, %swap3A_196], %mul3A_194 {strides = array<i32>} : memref<80x64xf32, #tpu.memory_space<vmem>>, vector<16xf32>,
            %get3A_198 = arith.index_cast %add3A_180 : i32 to index
            %get3A_199 = arith.constant 32 : index
            %get3A_200 = tpu.vector_load %arg18[%get3A_198, %get3A_199] {strides = array<i32>} : memref<80x64xf32, #tpu.memory_space<vmem>>, vector<16xf32>,
            %mul3A_201 = arith.mulf %get3A_200, %gather3A_183 : vector<16xf32>
            %swap3A_202 = arith.index_cast %add3A_180 : i32 to index
            %swap3A_203 = arith.constant 32 : index
            %swap3A_204 = tpu.vector_load %arg18[%swap3A_202, %swap3A_203] {strides = array<i32>} : memref<80x64xf32, #tpu.memory_space<vmem>>, vector<16xf32>,
            tpu.vector_store %arg18[%swap3A_202, %swap3A_203], %mul3A_201 {strides = array<i32>} : memref<80x64xf32, #tpu.memory_space<vmem>>, vector<16xf32>,
            %get3A_205 = arith.index_cast %add3A_180 : i32 to index
            %get3A_206 = arith.constant 48 : index
            %get3A_207 = tpu.vector_load %arg18[%get3A_205, %get3A_206] {strides = array<i32>} : memref<80x64xf32, #tpu.memory_space<vmem>>, vector<16xf32>,
            %mul3A_208 = arith.mulf %get3A_207, %gather3A_183 : vector<16xf32>
            %swap3A_209 = arith.index_cast %add3A_180 : i32 to index
            %swap3A_210 = arith.constant 48 : index
            %swap3A_211 = tpu.vector_load %arg18[%swap3A_209, %swap3A_210] {strides = array<i32>} : memref<80x64xf32, #tpu.memory_space<vmem>>, vector<16xf32>,
            tpu.vector_store %arg18[%swap3A_209, %swap3A_210], %mul3A_208 {strides = array<i32>} : memref<80x64xf32, #tpu.memory_space<vmem>>, vector<16xf32>,
            %mul3A_212 = arith.constant 4 : i32
            %mul3A_213 = arith.muli %scan3A_144, %mul3A_212 : i32
            %add3A_214 = arith.constant 2 : i32
            %add3A_215 = arith.addi %mul3A_213, %add3A_214 : i32
            %add3A_216 = arith.addi %mul3A_134, %add3A_215 : i32
            %broadcast_in_dim3A_217 = vector.broadcast %add3A_216 : i32 to vector<16xi32>
            %gather3A_218 = tpu.vector_load_idx %arg13[%broadcast_in_dim3A_217] : memref<2080xf32, #tpu.memory_space<vmem>>[vector<16xi32>], vector<16xf32>,
            %get3A_219 = arith.index_cast %add3A_215 : i32 to index
            %get3A_220 = arith.constant 0 : index
            %get3A_221 = tpu.vector_load %arg18[%get3A_219, %get3A_220] {strides = array<i32>} : memref<80x64xf32, #tpu.memory_space<vmem>>, vector<16xf32>,
            %mul3A_222 = arith.mulf %get3A_221, %gather3A_218 : vector<16xf32>
            %swap3A_223 = arith.index_cast %add3A_215 : i32 to index
            %swap3A_224 = arith.constant 0 : index
            %swap3A_225 = tpu.vector_load %arg18[%swap3A_223, %swap3A_224] {strides = array<i32>} : memref<80x64xf32, #tpu.memory_space<vmem>>, vector<16xf32>,
            tpu.vector_store %arg18[%swap3A_223, %swap3A_224], %mul3A_222 {strides = array<i32>} : memref<80x64xf32, #tpu.memory_space<vmem>>, vector<16xf32>,
            %get3A_226 = arith.index_cast %add3A_215 : i32 to index
            %get3A_227 = arith.constant 16 : index
            %get3A_228 = tpu.vector_load %arg18[%get3A_226, %get3A_227] {strides = array<i32>} : memref<80x64xf32, #tpu.memory_space<vmem>>, vector<16xf32>,
            %mul3A_229 = arith.mulf %get3A_228, %gather3A_218 : vector<16xf32>
            %swap3A_230 = arith.index_cast %add3A_215 : i32 to index
            %swap3A_231 = arith.constant 16 : index
            %swap3A_232 = tpu.vector_load %arg18[%swap3A_230, %swap3A_231] {strides = array<i32>} : memref<80x64xf32, #tpu.memory_space<vmem>>, vector<16xf32>,
            tpu.vector_store %arg18[%swap3A_230, %swap3A_231], %mul3A_229 {strides = array<i32>} : memref<80x64xf32, #tpu.memory_space<vmem>>, vector<16xf32>,
            %get3A_233 = arith.index_cast %add3A_215 : i32 to index
            %get3A_234 = arith.constant 32 : index
            %get3A_235 = tpu.vector_load %arg18[%get3A_233, %get3A_234] {strides = array<i32>} : memref<80x64xf32, #tpu.memory_space<vmem>>, vector<16xf32>,
            %mul3A_236 = arith.mulf %get3A_235, %gather3A_218 : vector<16xf32>
            %swap3A_237 = arith.index_cast %add3A_215 : i32 to index
            %swap3A_238 = arith.constant 32 : index
            %swap3A_239 = tpu.vector_load %arg18[%swap3A_237, %swap3A_238] {strides = array<i32>} : memref<80x64xf32, #tpu.memory_space<vmem>>, vector<16xf32>,
            tpu.vector_store %arg18[%swap3A_237, %swap3A_238], %mul3A_236 {strides = array<i32>} : memref<80x64xf32, #tpu.memory_space<vmem>>, vector<16xf32>,
            %get3A_240 = arith.index_cast %add3A_215 : i32 to index
            %get3A_241 = arith.constant 48 : index
            %get3A_242 = tpu.vector_load %arg18[%get3A_240, %get3A_241] {strides = array<i32>} : memref<80x64xf32, #tpu.memory_space<vmem>>, vector<16xf32>,
            %mul3A_243 = arith.mulf %get3A_242, %gather3A_218 : vector<16xf32>
            %swap3A_244 = arith.index_cast %add3A_215 : i32 to index
            %swap3A_245 = arith.constant 48 : index
            %swap3A_246 = tpu.vector_load %arg18[%swap3A_244, %swap3A_245] {strides = array<i32>} : memref<80x64xf32, #tpu.memory_space<vmem>>, vector<16xf32>,
            tpu.vector_store %arg18[%swap3A_244, %swap3A_245], %mul3A_243 {strides = array<i32>} : memref<80x64xf32, #tpu.memory_space<vmem>>, vector<16xf32>,
            %mul3A_247 = arith.constant 4 : i32
            %mul3A_248 = arith.muli %scan3A_144, %mul3A_247 : i32
            %add3A_249 = arith.constant 3 : i32
            %add3A_250 = arith.addi %mul3A_248, %add3A_249 : i32
            %add3A_251 = arith.addi %mul3A_134, %add3A_250 : i32
            %broadcast_in_dim3A_252 = vector.broadcast %add3A_251 : i32 to vector<16xi32>
            %gather3A_253 = tpu.vector_load_idx %arg13[%broadcast_in_dim3A_252] : memref<2080xf32, #tpu.memory_space<vmem>>[vector<16xi32>], vector<16xf32>,
            %get3A_254 = arith.index_cast %add3A_250 : i32 to index
            %get3A_255 = arith.constant 0 : index
            %get3A_256 = tpu.vector_load %arg18[%get3A_254, %get3A_255] {strides = array<i32>} : memref<80x64xf32, #tpu.memory_space<vmem>>, vector<16xf32>,
            %mul3A_257 = arith.mulf %get3A_256, %gather3A_253 : vector<16xf32>
            %swap3A_258 = arith.index_cast %add3A_250 : i32 to index
            %swap3A_259 = arith.constant 0 : index
            %swap3A_260 = tpu.vector_load %arg18[%swap3A_258, %swap3A_259] {strides = array<i32>} : memref<80x64xf32, #tpu.memory_space<vmem>>, vector<16xf32>,
            tpu.vector_store %arg18[%swap3A_258, %swap3A_259], %mul3A_257 {strides = array<i32>} : memref<80x64xf32, #tpu.memory_space<vmem>>, vector<16xf32>,
            %get3A_261 = arith.index_cast %add3A_250 : i32 to index
            %get3A_262 = arith.constant 16 : index
            %get3A_263 = tpu.vector_load %arg18[%get3A_261, %get3A_262] {strides = array<i32>} : memref<80x64xf32, #tpu.memory_space<vmem>>, vector<16xf32>,
            %mul3A_264 = arith.mulf %get3A_263, %gather3A_253 : vector<16xf32>
            %swap3A_265 = arith.index_cast %add3A_250 : i32 to index
            %swap3A_266 = arith.constant 16 : index
            %swap3A_267 = tpu.vector_load %arg18[%swap3A_265, %swap3A_266] {strides = array<i32>} : memref<80x64xf32, #tpu.memory_space<vmem>>, vector<16xf32>,
            tpu.vector_store %arg18[%swap3A_265, %swap3A_266], %mul3A_264 {strides = array<i32>} : memref<80x64xf32, #tpu.memory_space<vmem>>, vector<16xf32>,
            %get3A_268 = arith.index_cast %add3A_250 : i32 to index
            %get3A_269 = arith.constant 32 : index
            %get3A_270 = tpu.vector_load %arg18[%get3A_268, %get3A_269] {strides = array<i32>} : memref<80x64xf32, #tpu.memory_space<vmem>>, vector<16xf32>,
            %mul3A_271 = arith.mulf %get3A_270, %gather3A_253 : vector<16xf32>
            %swap3A_272 = arith.index_cast %add3A_250 : i32 to index
            %swap3A_273 = arith.constant 32 : index
            %swap3A_274 = tpu.vector_load %arg18[%swap3A_272, %swap3A_273] {strides = array<i32>} : memref<80x64xf32, #tpu.memory_space<vmem>>, vector<16xf32>,
            tpu.vector_store %arg18[%swap3A_272, %swap3A_273], %mul3A_271 {strides = array<i32>} : memref<80x64xf32, #tpu.memory_space<vmem>>, vector<16xf32>,
            %get3A_275 = arith.index_cast %add3A_250 : i32 to index
            %get3A_276 = arith.constant 48 : index
            %get3A_277 = tpu.vector_load %arg18[%get3A_275, %get3A_276] {strides = array<i32>} : memref<80x64xf32, #tpu.memory_space<vmem>>, vector<16xf32>,
            %mul3A_278 = arith.mulf %get3A_277, %gather3A_253 : vector<16xf32>
            %swap3A_279 = arith.index_cast %add3A_250 : i32 to index
            %swap3A_280 = arith.constant 48 : index
            %swap3A_281 = tpu.vector_load %arg18[%swap3A_279, %swap3A_280] {strides = array<i32>} : memref<80x64xf32, #tpu.memory_space<vmem>>, vector<16xf32>,
            tpu.vector_store %arg18[%swap3A_279, %swap3A_280], %mul3A_278 {strides = array<i32>} : memref<80x64xf32, #tpu.memory_space<vmem>>, vector<16xf32>,
          }
          %scan3A_140 = arith.constant 20 : i32
          %dma_start3A_141 = arith.constant 0 : i32
          %dma_start3A_142 = arith.constant 0 : i32
          %dma_start3A_143 = tpu.memref_slice %arg20[%dma_start3A_141, %dma_start3A_142] : memref<12800x64xf32, #tpu.memory_space<vmem_shared>> -> memref<12800x64xf32, #tpu.memory_space<vmem_shared>>
          tpu.enqueue_indirect_dma source(%arg18 : memref<80x64xf32, #tpu.memory_space<vmem>>) target(%dma_start3A_143 : memref<12800x64xf32, #tpu.memory_space<vmem_shared>>) offsets(%arg16 : memref<80xi32, #tpu.memory_space<vmem>>) semaphore(%arg23 : memref<!tpu.dma_semaphore, #tpu.memory_space<semaphore_mem>>) {add = true}
        } else {
        }
        %mul3A_105 = arith.constant 2 : i32
        %mul3A_106 = arith.muli %scan3A_97, %mul3A_105 : i32
        %add3A_107 = arith.constant 1 : i32
        %add3A_108 = arith.addi %mul3A_106, %add3A_107 : i32
        %lt3A_109 = arith.cmpi slt, %add3A_108, %select_n3A : i32
        %convert_element_type3A_110 = arith.extui %lt3A_109 : i1 to i32
        %cond3A_111 = arith.constant 0 : i32
        %cond3A_112 = arith.cmpi ne, %convert_element_type3A_110, %cond3A_111 : i32
        scf.if %cond3A_112 {
          %add3A_113 = arith.constant 1 : i32
          %add3A_114 = arith.addi %add3A_108, %add3A_113 : i32
          %sub3A_115 = arith.constant 1 : i32
          %sub3A_116 = arith.subi %select_n3A, %sub3A_115 : i32
          %min3A = arith.minsi %add3A_114, %sub3A_116 : i32
          %ge3A = arith.constant 1 : i32
          %ge3A_117 = arith.cmpi sge, %add3A_108, %ge3A : i32
          %convert_element_type3A_118 = arith.extui %ge3A_117 : i1 to i32
          %cond3A_119 = arith.constant 0 : i32
          %cond3A_120 = arith.cmpi ne, %convert_element_type3A_118, %cond3A_119 : i32
          scf.if %cond3A_120 {
            %dma_wait3A_144 = arith.constant 0 : i32
            %dma_wait3A_145 = arith.constant 0 : i32
            %dma_wait3A_146 = tpu.memref_slice %arg20[%dma_wait3A_144, %dma_wait3A_145] : memref<12800x64xf32, #tpu.memory_space<vmem_shared>> -> memref<12800x64xf32, #tpu.memory_space<vmem_shared>>
            tpu.wait_indirect_dma semaphore(%arg23 : memref<!tpu.dma_semaphore, #tpu.memory_space<semaphore_mem>>) src(%arg18 : memref<80x64xf32, #tpu.memory_space<vmem>>) dst(%dma_wait3A_146 : memref<12800x64xf32, #tpu.memory_space<vmem_shared>>)
          } else {
          }
          %mul3A_121 = arith.constant 80 : i32
          %mul3A_122 = arith.muli %min3A, %mul3A_121 : i32
          %multiple_of3A = tpu.assume_multiple %mul3A_122, 16 : i32
          %scan3A_123 = arith.constant 0 : i32
          %scan3A_124 = arith.constant 0 : i32
          %scan3A_125 = arith.constant 5 : i32
          %scan3A_126 = arith.addi %scan3A_124, %scan3A_125 : i32
          %scan3A_127 = arith.constant 1 : i32
          scf.for %scan3A_144 = %scan3A_124 to %scan3A_126 step %scan3A_127  : i32 {
            %mul3A_145 = arith.constant 16 : i32
            %mul3A_146 = arith.muli %scan3A_144, %mul3A_145 : i32
            %add3A_147 = arith.addi %multiple_of3A, %mul3A_146 : i32
            %get3A = arith.index_cast %add3A_147 : i32 to index
            %get3A_148 = tpu.vector_load %arg12[%get3A] {strides = array<i32>} : memref<2080xi32, #tpu.memory_space<vmem>>, vector<16xi32>,
            %and3A_149 = arith.constant 16383 : i32
            %and3A_150 = vector.broadcast %and3A_149 : i32 to vector<16xi32>
            %and3A_151 = arith.andi %get3A_148, %and3A_150 : vector<16xi32>
            %add3A_152 = vector.broadcast %mul3A_15 : i32 to vector<16xi32>
            %add3A_153 = arith.addi %and3A_151, %add3A_152 : vector<16xi32>
            %mul3A_154 = arith.constant 16 : i32
            %mul3A_155 = arith.muli %scan3A_144, %mul3A_154 : i32
            %swap3A = arith.index_cast %mul3A_155 : i32 to index
            %swap3A_156 = tpu.vector_load %arg14[%swap3A] {strides = array<i32>} : memref<80xi32, #tpu.memory_space<vmem>>, vector<16xi32>,
            tpu.vector_store %arg14[%swap3A], %add3A_153 {strides = array<i32>} : memref<80xi32, #tpu.memory_space<vmem>>, vector<16xi32>,
            %shift_right_logical3A = arith.constant 14 : i32
            %shift_right_logical3A_157 = vector.broadcast %shift_right_logical3A : i32 to vector<16xi32>
            %shift_right_logical3A_158 = arith.shrui %get3A_148, %shift_right_logical3A_157 : vector<16xi32>
            %mul3A_159 = arith.constant 16 : i32
            %mul3A_160 = arith.muli %scan3A_144, %mul3A_159 : i32
            %swap3A_161 = arith.index_cast %mul3A_160 : i32 to index
            %swap3A_162 = tpu.vector_load %arg16[%swap3A_161] {strides = array<i32>} : memref<80xi32, #tpu.memory_space<vmem>>, vector<16xi32>,
            tpu.vector_store %arg16[%swap3A_161], %shift_right_logical3A_158 {strides = array<i32>} : memref<80xi32, #tpu.memory_space<vmem>>, vector<16xi32>,
          }
          %scan3A_128 = arith.constant 5 : i32
          %dma_start3A = arith.constant 0 : i32
          %dma_start3A_129 = arith.constant 0 : i32
          %dma_start3A_130 = tpu.memref_slice %arg6[%dma_start3A, %dma_start3A_129] : memref<20000x64xf32, #tpu.memory_space<hbm>> -> memref<20000x64xf32, #tpu.memory_space<hbm>>
          tpu.enqueue_indirect_dma source(%dma_start3A_130 : memref<20000x64xf32, #tpu.memory_space<hbm>>) target(%arg18 : memref<80x64xf32, #tpu.memory_space<vmem>>) offsets(%arg14 : memref<80xi32, #tpu.memory_space<vmem>>) semaphore(%arg21 : memref<!tpu.dma_semaphore, #tpu.memory_space<semaphore_mem>>)
          %dma_wait3A = arith.constant 0 : i32
          %dma_wait3A_131 = arith.constant 0 : i32
          %dma_wait3A_132 = tpu.memref_slice %arg6[%dma_wait3A, %dma_wait3A_131] : memref<20000x64xf32, #tpu.memory_space<hbm>> -> memref<20000x64xf32, #tpu.memory_space<hbm>>
          tpu.wait_indirect_dma semaphore(%arg22 : memref<!tpu.dma_semaphore, #tpu.memory_space<semaphore_mem>>) src(%dma_wait3A_132 : memref<20000x64xf32, #tpu.memory_space<hbm>>) dst(%arg19 : memref<80x64xf32, #tpu.memory_space<vmem>>)
          %mul3A_133 = arith.constant 80 : i32
          %mul3A_134 = arith.muli %add3A_108, %mul3A_133 : i32
          %scan3A_135 = arith.constant 0 : i32
          %scan3A_136 = arith.constant 0 : i32
          %scan3A_137 = arith.constant 20 : i32
          %scan3A_138 = arith.addi %scan3A_136, %scan3A_137 : i32
          %scan3A_139 = arith.constant 1 : i32
          scf.for %scan3A_144 = %scan3A_136 to %scan3A_138 step %scan3A_139  : i32 {
            %mul3A_145 = arith.constant 4 : i32
            %mul3A_146 = arith.muli %scan3A_144, %mul3A_145 : i32
            %add3A_147 = arith.constant 0 : i32
            %add3A_148 = arith.addi %mul3A_146, %add3A_147 : i32
            %add3A_149 = arith.addi %mul3A_134, %add3A_148 : i32
            %broadcast_in_dim3A_150 = vector.broadcast %add3A_149 : i32 to vector<16xi32>
            %gather3A = tpu.vector_load_idx %arg13[%broadcast_in_dim3A_150] : memref<2080xf32, #tpu.memory_space<vmem>>[vector<16xi32>], vector<16xf32>,
            %get3A = arith.index_cast %add3A_148 : i32 to index
            %get3A_151 = arith.constant 0 : index
            %get3A_152 = tpu.vector_load %arg19[%get3A, %get3A_151] {strides = array<i32>} : memref<80x64xf32, #tpu.memory_space<vmem>>, vector<16xf32>,
            %mul3A_153 = arith.mulf %get3A_152, %gather3A : vector<16xf32>
            %swap3A = arith.index_cast %add3A_148 : i32 to index
            %swap3A_154 = arith.constant 0 : index
            %swap3A_155 = tpu.vector_load %arg19[%swap3A, %swap3A_154] {strides = array<i32>} : memref<80x64xf32, #tpu.memory_space<vmem>>, vector<16xf32>,
            tpu.vector_store %arg19[%swap3A, %swap3A_154], %mul3A_153 {strides = array<i32>} : memref<80x64xf32, #tpu.memory_space<vmem>>, vector<16xf32>,
            %get3A_156 = arith.index_cast %add3A_148 : i32 to index
            %get3A_157 = arith.constant 16 : index
            %get3A_158 = tpu.vector_load %arg19[%get3A_156, %get3A_157] {strides = array<i32>} : memref<80x64xf32, #tpu.memory_space<vmem>>, vector<16xf32>,
            %mul3A_159 = arith.mulf %get3A_158, %gather3A : vector<16xf32>
            %swap3A_160 = arith.index_cast %add3A_148 : i32 to index
            %swap3A_161 = arith.constant 16 : index
            %swap3A_162 = tpu.vector_load %arg19[%swap3A_160, %swap3A_161] {strides = array<i32>} : memref<80x64xf32, #tpu.memory_space<vmem>>, vector<16xf32>,
            tpu.vector_store %arg19[%swap3A_160, %swap3A_161], %mul3A_159 {strides = array<i32>} : memref<80x64xf32, #tpu.memory_space<vmem>>, vector<16xf32>,
            %get3A_163 = arith.index_cast %add3A_148 : i32 to index
            %get3A_164 = arith.constant 32 : index
            %get3A_165 = tpu.vector_load %arg19[%get3A_163, %get3A_164] {strides = array<i32>} : memref<80x64xf32, #tpu.memory_space<vmem>>, vector<16xf32>,
            %mul3A_166 = arith.mulf %get3A_165, %gather3A : vector<16xf32>
            %swap3A_167 = arith.index_cast %add3A_148 : i32 to index
            %swap3A_168 = arith.constant 32 : index
            %swap3A_169 = tpu.vector_load %arg19[%swap3A_167, %swap3A_168] {strides = array<i32>} : memref<80x64xf32, #tpu.memory_space<vmem>>, vector<16xf32>,
            tpu.vector_store %arg19[%swap3A_167, %swap3A_168], %mul3A_166 {strides = array<i32>} : memref<80x64xf32, #tpu.memory_space<vmem>>, vector<16xf32>,
            %get3A_170 = arith.index_cast %add3A_148 : i32 to index
            %get3A_171 = arith.constant 48 : index
            %get3A_172 = tpu.vector_load %arg19[%get3A_170, %get3A_171] {strides = array<i32>} : memref<80x64xf32, #tpu.memory_space<vmem>>, vector<16xf32>,
            %mul3A_173 = arith.mulf %get3A_172, %gather3A : vector<16xf32>
            %swap3A_174 = arith.index_cast %add3A_148 : i32 to index
            %swap3A_175 = arith.constant 48 : index
            %swap3A_176 = tpu.vector_load %arg19[%swap3A_174, %swap3A_175] {strides = array<i32>} : memref<80x64xf32, #tpu.memory_space<vmem>>, vector<16xf32>,
            tpu.vector_store %arg19[%swap3A_174, %swap3A_175], %mul3A_173 {strides = array<i32>} : memref<80x64xf32, #tpu.memory_space<vmem>>, vector<16xf32>,
            %mul3A_177 = arith.constant 4 : i32
            %mul3A_178 = arith.muli %scan3A_144, %mul3A_177 : i32
            %add3A_179 = arith.constant 1 : i32
            %add3A_180 = arith.addi %mul3A_178, %add3A_179 : i32
            %add3A_181 = arith.addi %mul3A_134, %add3A_180 : i32
            %broadcast_in_dim3A_182 = vector.broadcast %add3A_181 : i32 to vector<16xi32>
            %gather3A_183 = tpu.vector_load_idx %arg13[%broadcast_in_dim3A_182] : memref<2080xf32, #tpu.memory_space<vmem>>[vector<16xi32>], vector<16xf32>,
            %get3A_184 = arith.index_cast %add3A_180 : i32 to index
            %get3A_185 = arith.constant 0 : index
            %get3A_186 = tpu.vector_load %arg19[%get3A_184, %get3A_185] {strides = array<i32>} : memref<80x64xf32, #tpu.memory_space<vmem>>, vector<16xf32>,
            %mul3A_187 = arith.mulf %get3A_186, %gather3A_183 : vector<16xf32>
            %swap3A_188 = arith.index_cast %add3A_180 : i32 to index
            %swap3A_189 = arith.constant 0 : index
            %swap3A_190 = tpu.vector_load %arg19[%swap3A_188, %swap3A_189] {strides = array<i32>} : memref<80x64xf32, #tpu.memory_space<vmem>>, vector<16xf32>,
            tpu.vector_store %arg19[%swap3A_188, %swap3A_189], %mul3A_187 {strides = array<i32>} : memref<80x64xf32, #tpu.memory_space<vmem>>, vector<16xf32>,
            %get3A_191 = arith.index_cast %add3A_180 : i32 to index
            %get3A_192 = arith.constant 16 : index
            %get3A_193 = tpu.vector_load %arg19[%get3A_191, %get3A_192] {strides = array<i32>} : memref<80x64xf32, #tpu.memory_space<vmem>>, vector<16xf32>,
            %mul3A_194 = arith.mulf %get3A_193, %gather3A_183 : vector<16xf32>
            %swap3A_195 = arith.index_cast %add3A_180 : i32 to index
            %swap3A_196 = arith.constant 16 : index
            %swap3A_197 = tpu.vector_load %arg19[%swap3A_195, %swap3A_196] {strides = array<i32>} : memref<80x64xf32, #tpu.memory_space<vmem>>, vector<16xf32>,
            tpu.vector_store %arg19[%swap3A_195, %swap3A_196], %mul3A_194 {strides = array<i32>} : memref<80x64xf32, #tpu.memory_space<vmem>>, vector<16xf32>,
            %get3A_198 = arith.index_cast %add3A_180 : i32 to index
            %get3A_199 = arith.constant 32 : index
            %get3A_200 = tpu.vector_load %arg19[%get3A_198, %get3A_199] {strides = array<i32>} : memref<80x64xf32, #tpu.memory_space<vmem>>, vector<16xf32>,
            %mul3A_201 = arith.mulf %get3A_200, %gather3A_183 : vector<16xf32>
            %swap3A_202 = arith.index_cast %add3A_180 : i32 to index
            %swap3A_203 = arith.constant 32 : index
            %swap3A_204 = tpu.vector_load %arg19[%swap3A_202, %swap3A_203] {strides = array<i32>} : memref<80x64xf32, #tpu.memory_space<vmem>>, vector<16xf32>,
            tpu.vector_store %arg19[%swap3A_202, %swap3A_203], %mul3A_201 {strides = array<i32>} : memref<80x64xf32, #tpu.memory_space<vmem>>, vector<16xf32>,
            %get3A_205 = arith.index_cast %add3A_180 : i32 to index
            %get3A_206 = arith.constant 48 : index
            %get3A_207 = tpu.vector_load %arg19[%get3A_205, %get3A_206] {strides = array<i32>} : memref<80x64xf32, #tpu.memory_space<vmem>>, vector<16xf32>,
            %mul3A_208 = arith.mulf %get3A_207, %gather3A_183 : vector<16xf32>
            %swap3A_209 = arith.index_cast %add3A_180 : i32 to index
            %swap3A_210 = arith.constant 48 : index
            %swap3A_211 = tpu.vector_load %arg19[%swap3A_209, %swap3A_210] {strides = array<i32>} : memref<80x64xf32, #tpu.memory_space<vmem>>, vector<16xf32>,
            tpu.vector_store %arg19[%swap3A_209, %swap3A_210], %mul3A_208 {strides = array<i32>} : memref<80x64xf32, #tpu.memory_space<vmem>>, vector<16xf32>,
            %mul3A_212 = arith.constant 4 : i32
            %mul3A_213 = arith.muli %scan3A_144, %mul3A_212 : i32
            %add3A_214 = arith.constant 2 : i32
            %add3A_215 = arith.addi %mul3A_213, %add3A_214 : i32
            %add3A_216 = arith.addi %mul3A_134, %add3A_215 : i32
            %broadcast_in_dim3A_217 = vector.broadcast %add3A_216 : i32 to vector<16xi32>
            %gather3A_218 = tpu.vector_load_idx %arg13[%broadcast_in_dim3A_217] : memref<2080xf32, #tpu.memory_space<vmem>>[vector<16xi32>], vector<16xf32>,
            %get3A_219 = arith.index_cast %add3A_215 : i32 to index
            %get3A_220 = arith.constant 0 : index
            %get3A_221 = tpu.vector_load %arg19[%get3A_219, %get3A_220] {strides = array<i32>} : memref<80x64xf32, #tpu.memory_space<vmem>>, vector<16xf32>,
            %mul3A_222 = arith.mulf %get3A_221, %gather3A_218 : vector<16xf32>
            %swap3A_223 = arith.index_cast %add3A_215 : i32 to index
            %swap3A_224 = arith.constant 0 : index
            %swap3A_225 = tpu.vector_load %arg19[%swap3A_223, %swap3A_224] {strides = array<i32>} : memref<80x64xf32, #tpu.memory_space<vmem>>, vector<16xf32>,
            tpu.vector_store %arg19[%swap3A_223, %swap3A_224], %mul3A_222 {strides = array<i32>} : memref<80x64xf32, #tpu.memory_space<vmem>>, vector<16xf32>,
            %get3A_226 = arith.index_cast %add3A_215 : i32 to index
            %get3A_227 = arith.constant 16 : index
            %get3A_228 = tpu.vector_load %arg19[%get3A_226, %get3A_227] {strides = array<i32>} : memref<80x64xf32, #tpu.memory_space<vmem>>, vector<16xf32>,
            %mul3A_229 = arith.mulf %get3A_228, %gather3A_218 : vector<16xf32>
            %swap3A_230 = arith.index_cast %add3A_215 : i32 to index
            %swap3A_231 = arith.constant 16 : index
            %swap3A_232 = tpu.vector_load %arg19[%swap3A_230, %swap3A_231] {strides = array<i32>} : memref<80x64xf32, #tpu.memory_space<vmem>>, vector<16xf32>,
            tpu.vector_store %arg19[%swap3A_230, %swap3A_231], %mul3A_229 {strides = array<i32>} : memref<80x64xf32, #tpu.memory_space<vmem>>, vector<16xf32>,
            %get3A_233 = arith.index_cast %add3A_215 : i32 to index
            %get3A_234 = arith.constant 32 : index
            %get3A_235 = tpu.vector_load %arg19[%get3A_233, %get3A_234] {strides = array<i32>} : memref<80x64xf32, #tpu.memory_space<vmem>>, vector<16xf32>,
            %mul3A_236 = arith.mulf %get3A_235, %gather3A_218 : vector<16xf32>
            %swap3A_237 = arith.index_cast %add3A_215 : i32 to index
            %swap3A_238 = arith.constant 32 : index
            %swap3A_239 = tpu.vector_load %arg19[%swap3A_237, %swap3A_238] {strides = array<i32>} : memref<80x64xf32, #tpu.memory_space<vmem>>, vector<16xf32>,
            tpu.vector_store %arg19[%swap3A_237, %swap3A_238], %mul3A_236 {strides = array<i32>} : memref<80x64xf32, #tpu.memory_space<vmem>>, vector<16xf32>,
            %get3A_240 = arith.index_cast %add3A_215 : i32 to index
            %get3A_241 = arith.constant 48 : index
            %get3A_242 = tpu.vector_load %arg19[%get3A_240, %get3A_241] {strides = array<i32>} : memref<80x64xf32, #tpu.memory_space<vmem>>, vector<16xf32>,
            %mul3A_243 = arith.mulf %get3A_242, %gather3A_218 : vector<16xf32>
            %swap3A_244 = arith.index_cast %add3A_215 : i32 to index
            %swap3A_245 = arith.constant 48 : index
            %swap3A_246 = tpu.vector_load %arg19[%swap3A_244, %swap3A_245] {strides = array<i32>} : memref<80x64xf32, #tpu.memory_space<vmem>>, vector<16xf32>,
            tpu.vector_store %arg19[%swap3A_244, %swap3A_245], %mul3A_243 {strides = array<i32>} : memref<80x64xf32, #tpu.memory_space<vmem>>, vector<16xf32>,
            %mul3A_247 = arith.constant 4 : i32
            %mul3A_248 = arith.muli %scan3A_144, %mul3A_247 : i32
            %add3A_249 = arith.constant 3 : i32
            %add3A_250 = arith.addi %mul3A_248, %add3A_249 : i32
            %add3A_251 = arith.addi %mul3A_134, %add3A_250 : i32
            %broadcast_in_dim3A_252 = vector.broadcast %add3A_251 : i32 to vector<16xi32>
            %gather3A_253 = tpu.vector_load_idx %arg13[%broadcast_in_dim3A_252] : memref<2080xf32, #tpu.memory_space<vmem>>[vector<16xi32>], vector<16xf32>,
            %get3A_254 = arith.index_cast %add3A_250 : i32 to index
            %get3A_255 = arith.constant 0 : index
            %get3A_256 = tpu.vector_load %arg19[%get3A_254, %get3A_255] {strides = array<i32>} : memref<80x64xf32, #tpu.memory_space<vmem>>, vector<16xf32>,
            %mul3A_257 = arith.mulf %get3A_256, %gather3A_253 : vector<16xf32>
            %swap3A_258 = arith.index_cast %add3A_250 : i32 to index
            %swap3A_259 = arith.constant 0 : index
            %swap3A_260 = tpu.vector_load %arg19[%swap3A_258, %swap3A_259] {strides = array<i32>} : memref<80x64xf32, #tpu.memory_space<vmem>>, vector<16xf32>,
            tpu.vector_store %arg19[%swap3A_258, %swap3A_259], %mul3A_257 {strides = array<i32>} : memref<80x64xf32, #tpu.memory_space<vmem>>, vector<16xf32>,
            %get3A_261 = arith.index_cast %add3A_250 : i32 to index
            %get3A_262 = arith.constant 16 : index
            %get3A_263 = tpu.vector_load %arg19[%get3A_261, %get3A_262] {strides = array<i32>} : memref<80x64xf32, #tpu.memory_space<vmem>>, vector<16xf32>,
            %mul3A_264 = arith.mulf %get3A_263, %gather3A_253 : vector<16xf32>
            %swap3A_265 = arith.index_cast %add3A_250 : i32 to index
            %swap3A_266 = arith.constant 16 : index
            %swap3A_267 = tpu.vector_load %arg19[%swap3A_265, %swap3A_266] {strides = array<i32>} : memref<80x64xf32, #tpu.memory_space<vmem>>, vector<16xf32>,
            tpu.vector_store %arg19[%swap3A_265, %swap3A_266], %mul3A_264 {strides = array<i32>} : memref<80x64xf32, #tpu.memory_space<vmem>>, vector<16xf32>,
            %get3A_268 = arith.index_cast %add3A_250 : i32 to index
            %get3A_269 = arith.constant 32 : index
            %get3A_270 = tpu.vector_load %arg19[%get3A_268, %get3A_269] {strides = array<i32>} : memref<80x64xf32, #tpu.memory_space<vmem>>, vector<16xf32>,
            %mul3A_271 = arith.mulf %get3A_270, %gather3A_253 : vector<16xf32>
            %swap3A_272 = arith.index_cast %add3A_250 : i32 to index
            %swap3A_273 = arith.constant 32 : index
            %swap3A_274 = tpu.vector_load %arg19[%swap3A_272, %swap3A_273] {strides = array<i32>} : memref<80x64xf32, #tpu.memory_space<vmem>>, vector<16xf32>,
            tpu.vector_store %arg19[%swap3A_272, %swap3A_273], %mul3A_271 {strides = array<i32>} : memref<80x64xf32, #tpu.memory_space<vmem>>, vector<16xf32>,
            %get3A_275 = arith.index_cast %add3A_250 : i32 to index
            %get3A_276 = arith.constant 48 : index
            %get3A_277 = tpu.vector_load %arg19[%get3A_275, %get3A_276] {strides = array<i32>} : memref<80x64xf32, #tpu.memory_space<vmem>>, vector<16xf32>,
            %mul3A_278 = arith.mulf %get3A_277, %gather3A_253 : vector<16xf32>
            %swap3A_279 = arith.index_cast %add3A_250 : i32 to index
            %swap3A_280 = arith.constant 48 : index
            %swap3A_281 = tpu.vector_load %arg19[%swap3A_279, %swap3A_280] {strides = array<i32>} : memref<80x64xf32, #tpu.memory_space<vmem>>, vector<16xf32>,
            tpu.vector_store %arg19[%swap3A_279, %swap3A_280], %mul3A_278 {strides = array<i32>} : memref<80x64xf32, #tpu.memory_space<vmem>>, vector<16xf32>,
          }
          %scan3A_140 = arith.constant 20 : i32
          %dma_start3A_141 = arith.constant 0 : i32
          %dma_start3A_142 = arith.constant 0 : i32
          %dma_start3A_143 = tpu.memref_slice %arg20[%dma_start3A_141, %dma_start3A_142] : memref<12800x64xf32, #tpu.memory_space<vmem_shared>> -> memref<12800x64xf32, #tpu.memory_space<vmem_shared>>
          tpu.enqueue_indirect_dma source(%arg19 : memref<80x64xf32, #tpu.memory_space<vmem>>) target(%dma_start3A_143 : memref<12800x64xf32, #tpu.memory_space<vmem_shared>>) offsets(%arg17 : memref<80xi32, #tpu.memory_space<vmem>>) semaphore(%arg24 : memref<!tpu.dma_semaphore, #tpu.memory_space<semaphore_mem>>) {add = true}
        } else {
        }
      }
      %scan3A_91 = arith.constant 13 : i32
      %gt3A_92 = arith.constant 0 : i32
      %gt3A_93 = arith.cmpi sgt, %select_n3A, %gt3A_92 : i32
      %convert_element_type3A_94 = arith.extui %gt3A_93 : i1 to i32
      %cond3A_95 = arith.constant 0 : i32
      %cond3A_96 = arith.cmpi ne, %convert_element_type3A_94, %cond3A_95 : i32
      scf.if %cond3A_96 {
        %jit3A_97 = arith.constant 2 : i32
        %eq3A = arith.constant 0 : i32
        %eq3A_98 = arith.cmpi eq, %jit3A_97, %eq3A : i32
        %jit3A_99 = arith.constant 1 : i32
        %select_n3A_100 = arith.select %eq3A_98, %jit3A_99, %jit3A_97 : i32
        %rem3A_101 = arith.remsi %select_n3A, %select_n3A_100 : i32
        %ne3A_102 = arith.constant 0 : i32
        %ne3A_103 = arith.cmpi ne, %rem3A_101, %ne3A_102 : i32
        %lt3A = arith.constant 0 : i32
        %lt3A_104 = arith.cmpi slt, %rem3A_101, %lt3A : i32
        %lt3A_105 = arith.constant 0 : i32
        %lt3A_106 = arith.cmpi slt, %select_n3A_100, %lt3A_105 : i32
        %ne3A_107 = arith.xori %lt3A_104, %lt3A_106 : i1
        %and3A_108 = arith.andi %ne3A_107, %ne3A_103 : i1
        %add3A_109 = arith.addi %rem3A_101, %select_n3A_100 : i32
        %select_n3A_110 = arith.select %and3A_108, %add3A_109, %rem3A_101 : i32
        %eq3A_111 = arith.constant 0 : i32
        %eq3A_112 = arith.cmpi eq, %select_n3A_110, %eq3A_111 : i32
        %convert_element_type3A_113 = arith.extui %eq3A_112 : i1 to i32
        %cond3A_114 = arith.constant 0 : i32
        %cond3A_115 = arith.cmpi ne, %convert_element_type3A_113, %cond3A_114 : i32
        scf.if %cond3A_115 {
          %dma_wait3A = arith.constant 0 : i32
          %dma_wait3A_137 = arith.constant 0 : i32
          %dma_wait3A_138 = tpu.memref_slice %arg6[%dma_wait3A, %dma_wait3A_137] : memref<20000x64xf32, #tpu.memory_space<hbm>> -> memref<20000x64xf32, #tpu.memory_space<hbm>>
          tpu.wait_indirect_dma semaphore(%arg21 : memref<!tpu.dma_semaphore, #tpu.memory_space<semaphore_mem>>) src(%dma_wait3A_138 : memref<20000x64xf32, #tpu.memory_space<hbm>>) dst(%arg18 : memref<80x64xf32, #tpu.memory_space<vmem>>)
          %dma_wait3A_139 = arith.constant 0 : i32
          %dma_wait3A_140 = arith.constant 0 : i32
          %dma_wait3A_141 = tpu.memref_slice %arg20[%dma_wait3A_139, %dma_wait3A_140] : memref<12800x64xf32, #tpu.memory_space<vmem_shared>> -> memref<12800x64xf32, #tpu.memory_space<vmem_shared>>
          tpu.wait_indirect_dma semaphore(%arg24 : memref<!tpu.dma_semaphore, #tpu.memory_space<semaphore_mem>>) src(%arg19 : memref<80x64xf32, #tpu.memory_space<vmem>>) dst(%dma_wait3A_141 : memref<12800x64xf32, #tpu.memory_space<vmem_shared>>)
        } else {
        }
        %jit3A_116 = arith.constant 2 : i32
        %eq3A_117 = arith.constant 0 : i32
        %eq3A_118 = arith.cmpi eq, %jit3A_116, %eq3A_117 : i32
        %jit3A_119 = arith.constant 1 : i32
        %select_n3A_120 = arith.select %eq3A_118, %jit3A_119, %jit3A_116 : i32
        %rem3A_121 = arith.remsi %select_n3A, %select_n3A_120 : i32
        %ne3A_122 = arith.constant 0 : i32
        %ne3A_123 = arith.cmpi ne, %rem3A_121, %ne3A_122 : i32
        %lt3A_124 = arith.constant 0 : i32
        %lt3A_125 = arith.cmpi slt, %rem3A_121, %lt3A_124 : i32
        %lt3A_126 = arith.constant 0 : i32
        %lt3A_127 = arith.cmpi slt, %select_n3A_120, %lt3A_126 : i32
        %ne3A_128 = arith.xori %lt3A_125, %lt3A_127 : i1
        %and3A_129 = arith.andi %ne3A_128, %ne3A_123 : i1
        %add3A_130 = arith.addi %rem3A_121, %select_n3A_120 : i32
        %select_n3A_131 = arith.select %and3A_129, %add3A_130, %rem3A_121 : i32
        %eq3A_132 = arith.constant 1 : i32
        %eq3A_133 = arith.cmpi eq, %select_n3A_131, %eq3A_132 : i32
        %convert_element_type3A_134 = arith.extui %eq3A_133 : i1 to i32
        %cond3A_135 = arith.constant 0 : i32
        %cond3A_136 = arith.cmpi ne, %convert_element_type3A_134, %cond3A_135 : i32
        scf.if %cond3A_136 {
          %dma_wait3A = arith.constant 0 : i32
          %dma_wait3A_137 = arith.constant 0 : i32
          %dma_wait3A_138 = tpu.memref_slice %arg6[%dma_wait3A, %dma_wait3A_137] : memref<20000x64xf32, #tpu.memory_space<hbm>> -> memref<20000x64xf32, #tpu.memory_space<hbm>>
          tpu.wait_indirect_dma semaphore(%arg22 : memref<!tpu.dma_semaphore, #tpu.memory_space<semaphore_mem>>) src(%dma_wait3A_138 : memref<20000x64xf32, #tpu.memory_space<hbm>>) dst(%arg19 : memref<80x64xf32, #tpu.memory_space<vmem>>)
          %dma_wait3A_139 = arith.constant 0 : i32
          %dma_wait3A_140 = arith.constant 0 : i32
          %dma_wait3A_141 = tpu.memref_slice %arg20[%dma_wait3A_139, %dma_wait3A_140] : memref<12800x64xf32, #tpu.memory_space<vmem_shared>> -> memref<12800x64xf32, #tpu.memory_space<vmem_shared>>
          tpu.wait_indirect_dma semaphore(%arg23 : memref<!tpu.dma_semaphore, #tpu.memory_space<semaphore_mem>>) src(%arg18 : memref<80x64xf32, #tpu.memory_space<vmem>>) dst(%dma_wait3A_141 : memref<12800x64xf32, #tpu.memory_space<vmem_shared>>)
        } else {
        }
      } else {
      }
    }
    %scan3A_26 = arith.constant 10 : i32
    %barrier3A_27 = arith.constant 0 : index
    tpu.barrier barrier_id(%barrier3A_27)
    %mul3A_28 = arith.constant 12800 : i32
    %mul3A_29 = arith.muli %arg0, %mul3A_28 : i32
    %add3A = arith.addi %mul3A_29, %mul3A_7 : i32
    "tpu.region"() ({
      %run_scoped3A = tpu.sem_alloc : memref<!tpu.dma_semaphore, #tpu.memory_space<semaphore_mem>>
      %dma_start3A = arith.constant 0 : i32
      %dma_start3A_30 = tpu.memref_slice %arg7[%add3A, %dma_start3A] : memref<25600x64xf32, #tpu.memory_space<hbm>> -> memref<800x64xf32, #tpu.memory_space<hbm>>
      %dma_start3A_31 = arith.constant 0 : i32
      %dma_start3A_32 = tpu.memref_slice %arg20[%mul3A_7, %dma_start3A_31] : memref<12800x64xf32, #tpu.memory_space<vmem_shared>> -> memref<800x64xf32, #tpu.memory_space<vmem_shared>>
      tpu.enqueue_dma source(%dma_start3A_32 : memref<800x64xf32, #tpu.memory_space<vmem_shared>>) target(%dma_start3A_30 : memref<800x64xf32, #tpu.memory_space<hbm>>) target_semaphore(%run_scoped3A : memref<!tpu.dma_semaphore, #tpu.memory_space<semaphore_mem>>)
      %dma_wait3A = arith.constant 0 : i32
      %dma_wait3A_33 = tpu.memref_slice %arg7[%add3A, %dma_wait3A] : memref<25600x64xf32, #tpu.memory_space<hbm>> -> memref<800x64xf32, #tpu.memory_space<hbm>>
      %dma_wait3A_34 = arith.constant 0 : i32
      %dma_wait3A_35 = tpu.memref_slice %arg20[%mul3A_7, %dma_wait3A_34] : memref<12800x64xf32, #tpu.memory_space<vmem_shared>> -> memref<800x64xf32, #tpu.memory_space<vmem_shared>>
      tpu.wait_dma2 semaphore(%run_scoped3A : memref<!tpu.dma_semaphore, #tpu.memory_space<semaphore_mem>>) src(%dma_wait3A_35 : memref<800x64xf32, #tpu.memory_space<vmem_shared>>) dst(%dma_wait3A_33 : memref<800x64xf32, #tpu.memory_space<hbm>>)
      tpu.yield
    }) : () -> ()
    return
  }
}

module attributes {stable_mosaic.version = 14 : i64} {
  func.func @_node_body(%arg0: i32, %arg1: memref<400x1xi32, #tpu.memory_space<vmem>>, %arg2: memref<400x1xi32, #tpu.memory_space<vmem>>, %arg3: memref<400x3xf32, #tpu.memory_space<vmem>>, %arg4: memref<100x128xf32, #tpu.memory_space<vmem>>, %arg5: memref<128x128xf32, #tpu.memory_space<vmem>>, %arg6: memref<1x128xf32, #tpu.memory_space<vmem>>, %arg7: memref<32x9xf32, #tpu.memory_space<vmem>>, %arg8: memref<160x80xi32, #tpu.memory_space<vmem>>, %arg9: memref<160x80xi32, #tpu.memory_space<vmem>>, %arg10: memref<400x128xf32, #tpu.memory_space<vmem>>, %arg11: memref<2x400x64xf32, #tpu.memory_space<vmem>>, %arg12: memref<400x1xi32, #tpu.memory_space<vmem>>, %arg13: memref<400x1xi32, #tpu.memory_space<vmem>>, %arg14: memref<160x80xi32, #tpu.memory_space<vmem>>) attributes {dimension_semantics = [#tpu.dimension_semantics<arbitrary>], iteration_bounds = array<i64: 25>, scalar_prefetch = 0 : i64, scratch_operands = 0 : i64, tpu.core_type = #tpu.core_type<tc>, window_params = [{transform_indices = @transform_0, window_bounds = array<i64: 400, 1>}, {transform_indices = @transform_1, window_bounds = array<i64: 400, 1>}, {transform_indices = @transform_2, window_bounds = array<i64: 400, 3>}, {pipeline_mode = #tpu.pipeline_mode<synchronous>, transform_indices = @transform_3, window_bounds = array<i64: 100, 128>}, {pipeline_mode = #tpu.pipeline_mode<synchronous>, transform_indices = @transform_4, window_bounds = array<i64: 128, 128>}, {pipeline_mode = #tpu.pipeline_mode<synchronous>, transform_indices = @transform_5, window_bounds = array<i64: 1, 128>}, {pipeline_mode = #tpu.pipeline_mode<synchronous>, transform_indices = @transform_6, window_bounds = array<i64: 32, 9>}, {transform_indices = @transform_7, window_bounds = array<i64: 160, 80>}, {transform_indices = @transform_8, window_bounds = array<i64: 160, 80>}, {transform_indices = @transform_9, window_bounds = array<i64: 400, 128>}, {transform_indices = @transform_10, window_bounds = array<i64: 2, 400, 64>}, {transform_indices = @transform_11, window_bounds = array<i64: 400, 1>}, {transform_indices = @transform_12, window_bounds = array<i64: 400, 1>}, {transform_indices = @transform_13, window_bounds = array<i64: 160, 80>}]} {
    %get3A = arith.constant 0 : index
    %get3A_0 = arith.constant 0 : index
    %get3A_1 = vector.load %arg7[%get3A, %get3A_0] : memref<32x9xf32, #tpu.memory_space<vmem>>, vector<32x9xf32>
    %slice3A = vector.extract_strided_slice %get3A_1 {offsets = [0, 0], sizes = [32, 1], strides = [1, 1]} : vector<32x9xf32> to vector<32x1xf32>
    %slice3A_2 = vector.extract_strided_slice %get3A_1 {offsets = [0, 1], sizes = [32, 1], strides = [1, 1]} : vector<32x9xf32> to vector<32x1xf32>
    %slice3A_3 = vector.extract_strided_slice %get3A_1 {offsets = [0, 2], sizes = [32, 1], strides = [1, 1]} : vector<32x9xf32> to vector<32x1xf32>
    %slice3A_4 = vector.extract_strided_slice %get3A_1 {offsets = [0, 3], sizes = [32, 1], strides = [1, 1]} : vector<32x9xf32> to vector<32x1xf32>
    %slice3A_5 = vector.extract_strided_slice %get3A_1 {offsets = [0, 4], sizes = [32, 1], strides = [1, 1]} : vector<32x9xf32> to vector<32x1xf32>
    %slice3A_6 = vector.extract_strided_slice %get3A_1 {offsets = [0, 5], sizes = [32, 1], strides = [1, 1]} : vector<32x9xf32> to vector<32x1xf32>
    %slice3A_7 = vector.extract_strided_slice %get3A_1 {offsets = [0, 6], sizes = [32, 1], strides = [1, 1]} : vector<32x9xf32> to vector<32x1xf32>
    %slice3A_8 = vector.extract_strided_slice %get3A_1 {offsets = [0, 7], sizes = [32, 1], strides = [1, 1]} : vector<32x9xf32> to vector<32x1xf32>
    %slice3A_9 = vector.extract_strided_slice %get3A_1 {offsets = [0, 8], sizes = [32, 1], strides = [1, 1]} : vector<32x9xf32> to vector<32x1xf32>
    %mul3A = arith.mulf %slice3A_5, %slice3A_9 : vector<32x1xf32>
    %mul3A_10 = arith.mulf %slice3A_6, %slice3A_8 : vector<32x1xf32>
    %sub3A = arith.subf %mul3A, %mul3A_10 : vector<32x1xf32>
    %mul3A_11 = arith.mulf %slice3A_4, %slice3A_9 : vector<32x1xf32>
    %mul3A_12 = arith.mulf %slice3A_6, %slice3A_7 : vector<32x1xf32>
    %sub3A_13 = arith.subf %mul3A_11, %mul3A_12 : vector<32x1xf32>
    %neg3A = arith.constant 0.000000e+00 : f32
    %neg3A_14 = vector.broadcast %neg3A : f32 to vector<32x1xf32>
    %neg3A_15 = arith.subf %neg3A_14, %sub3A_13 : vector<32x1xf32>
    %mul3A_16 = arith.mulf %slice3A_4, %slice3A_8 : vector<32x1xf32>
    %mul3A_17 = arith.mulf %slice3A_5, %slice3A_7 : vector<32x1xf32>
    %sub3A_18 = arith.subf %mul3A_16, %mul3A_17 : vector<32x1xf32>
    %mul3A_19 = arith.mulf %slice3A, %sub3A : vector<32x1xf32>
    %mul3A_20 = arith.mulf %slice3A_2, %neg3A_15 : vector<32x1xf32>
    %add3A = arith.addf %mul3A_19, %mul3A_20 : vector<32x1xf32>
    %mul3A_21 = arith.mulf %slice3A_3, %sub3A_18 : vector<32x1xf32>
    %add3A_22 = arith.addf %add3A, %mul3A_21 : vector<32x1xf32>
    %mul3A_23 = arith.mulf %slice3A_2, %slice3A_9 : vector<32x1xf32>
    %mul3A_24 = arith.mulf %slice3A_3, %slice3A_8 : vector<32x1xf32>
    %sub3A_25 = arith.subf %mul3A_23, %mul3A_24 : vector<32x1xf32>
    %neg3A_26 = arith.constant 0.000000e+00 : f32
    %neg3A_27 = vector.broadcast %neg3A_26 : f32 to vector<32x1xf32>
    %neg3A_28 = arith.subf %neg3A_27, %sub3A_25 : vector<32x1xf32>
    %mul3A_29 = arith.mulf %slice3A_2, %slice3A_6 : vector<32x1xf32>
    %mul3A_30 = arith.mulf %slice3A_3, %slice3A_5 : vector<32x1xf32>
    %sub3A_31 = arith.subf %mul3A_29, %mul3A_30 : vector<32x1xf32>
    %mul3A_32 = arith.mulf %slice3A, %slice3A_9 : vector<32x1xf32>
    %mul3A_33 = arith.mulf %slice3A_3, %slice3A_7 : vector<32x1xf32>
    %sub3A_34 = arith.subf %mul3A_32, %mul3A_33 : vector<32x1xf32>
    %mul3A_35 = arith.mulf %slice3A, %slice3A_6 : vector<32x1xf32>
    %mul3A_36 = arith.mulf %slice3A_3, %slice3A_4 : vector<32x1xf32>
    %sub3A_37 = arith.subf %mul3A_35, %mul3A_36 : vector<32x1xf32>
    %neg3A_38 = arith.constant 0.000000e+00 : f32
    %neg3A_39 = vector.broadcast %neg3A_38 : f32 to vector<32x1xf32>
    %neg3A_40 = arith.subf %neg3A_39, %sub3A_37 : vector<32x1xf32>
    %mul3A_41 = arith.mulf %slice3A, %slice3A_8 : vector<32x1xf32>
    %mul3A_42 = arith.mulf %slice3A_2, %slice3A_7 : vector<32x1xf32>
    %sub3A_43 = arith.subf %mul3A_41, %mul3A_42 : vector<32x1xf32>
    %neg3A_44 = arith.constant 0.000000e+00 : f32
    %neg3A_45 = vector.broadcast %neg3A_44 : f32 to vector<32x1xf32>
    %neg3A_46 = arith.subf %neg3A_45, %sub3A_43 : vector<32x1xf32>
    %mul3A_47 = arith.mulf %slice3A, %slice3A_5 : vector<32x1xf32>
    %mul3A_48 = arith.mulf %slice3A_2, %slice3A_4 : vector<32x1xf32>
    %sub3A_49 = arith.subf %mul3A_47, %mul3A_48 : vector<32x1xf32>
    %concatenate3A = tpu.concatenate %sub3A, %neg3A_28, %sub3A_31, %neg3A_15, %sub3A_34, %neg3A_40, %sub3A_18, %neg3A_46, %sub3A_49 in 1 : vector<32x1xf32>, vector<32x1xf32>, vector<32x1xf32>, vector<32x1xf32>, vector<32x1xf32>, vector<32x1xf32>, vector<32x1xf32>, vector<32x1xf32>, vector<32x1xf32> -> vector<32x9xf32>
    %div3A = vector.broadcast %add3A_22 : vector<32x1xf32> to vector<32x9xf32>
    %div3A_50 = arith.divf %concatenate3A, %div3A : vector<32x9xf32>
    %get3A_51 = arith.constant 0 : index
    %get3A_52 = arith.constant 0 : index
    %get3A_53 = vector.load %arg1[%get3A_51, %get3A_52] : memref<400x1xi32, #tpu.memory_space<vmem>>, vector<400x1xi32>
    %iota3A = tpu.iota {dimensions = array<i32: 1>} : vector<400x100xi32>
    %eq3A = vector.broadcast %get3A_53 : vector<400x1xi32> to vector<400x100xi32>
    %eq3A_54 = arith.cmpi eq, %eq3A, %iota3A : vector<400x100xi32>
    %convert_element_type3A = arith.extui %eq3A_54 : vector<400x100xi1> to vector<400x100xi32>
    %convert_element_type3A_55 = arith.sitofp %convert_element_type3A : vector<400x100xi32> to vector<400x100xf32>
    %get3A_56 = arith.constant 0 : index
    %get3A_57 = arith.constant 0 : index
    %get3A_58 = vector.load %arg4[%get3A_56, %get3A_57] : memref<100x128xf32, #tpu.memory_space<vmem>>, vector<100x128xf32>
    %dot_general3A = arith.constant dense<0.000000e+00> : vector<400x128xf32>
    %dot_general3A_59 = tpu.matmul %convert_element_type3A_55, %get3A_58, %dot_general3A {dimension_numbers = #tpu.dot_dimension_numbers<[1], [0], [0], [1], [0, 0, 1, 1], [], []>, transpose_lhs_hint = false} : vector<400x100xf32>, vector<100x128xf32>, vector<400x128xf32> -> vector<400x128xf32>
    %swap3A = arith.constant 0 : index
    %swap3A_60 = arith.constant 0 : index
    %swap3A_61 = vector.load %arg10[%swap3A, %swap3A_60] : memref<400x128xf32, #tpu.memory_space<vmem>>, vector<400x128xf32>
    tpu.vector_store %arg10[%swap3A, %swap3A_60], %dot_general3A_59 {strides = array<i32>} : memref<400x128xf32, #tpu.memory_space<vmem>>, vector<400x128xf32>,
    %get3A_62 = arith.constant 0 : index
    %get3A_63 = arith.constant 0 : index
    %get3A_64 = vector.load %arg5[%get3A_62, %get3A_63] : memref<128x128xf32, #tpu.memory_space<vmem>>, vector<128x128xf32>
    %dot_general3A_65 = arith.constant dense<0.000000e+00> : vector<400x128xf32>
    %dot_general3A_66 = tpu.matmul %dot_general3A_59, %get3A_64, %dot_general3A_65 {dimension_numbers = #tpu.dot_dimension_numbers<[1], [0], [0], [1], [0, 0, 1, 1], [], []>, transpose_lhs_hint = false} : vector<400x128xf32>, vector<128x128xf32>, vector<400x128xf32> -> vector<400x128xf32>
    %get3A_67 = arith.constant 0 : index
    %get3A_68 = arith.constant 0 : index
    %get3A_69 = vector.load %arg6[%get3A_67, %get3A_68] : memref<1x128xf32, #tpu.memory_space<vmem>>, vector<1x128xf32>
    %add3A_70 = vector.broadcast %get3A_69 : vector<1x128xf32> to vector<400x128xf32>
    %add3A_71 = arith.addf %dot_general3A_66, %add3A_70 : vector<400x128xf32>
    %logistic3A = arith.negf %add3A_71 : vector<400x128xf32>
    %logistic3A_72 = math.exp %logistic3A : vector<400x128xf32>
    %logistic3A_73 = arith.constant 1.000000e+00 : f32
    %logistic3A_74 = vector.broadcast %logistic3A_73 : f32 to vector<400x128xf32>
    %logistic3A_75 = arith.addf %logistic3A_74, %logistic3A_72 : vector<400x128xf32>
    %logistic3A_76 = arith.divf %logistic3A_74, %logistic3A_75 : vector<400x128xf32>
    %mul3A_77 = arith.mulf %add3A_71, %logistic3A_76 : vector<400x128xf32>
    %mul3A_78 = arith.constant 1.66666663 : f32
    %mul3A_79 = vector.broadcast %mul3A_78 : f32 to vector<400x128xf32>
    %mul3A_80 = arith.mulf %mul3A_77, %mul3A_79 : vector<400x128xf32>
    %slice3A_81 = vector.extract_strided_slice %mul3A_80 {offsets = [0, 0], sizes = [400, 64], strides = [1, 1]} : vector<400x128xf32> to vector<400x64xf32>
    %swap3A_82 = arith.constant 0 : index
    %swap3A_83 = arith.constant 0 : index
    %swap3A_84 = arith.constant 0 : index
    %swap3A_85 = vector.load %arg11[%swap3A_82, %swap3A_83, %swap3A_84] : memref<2x400x64xf32, #tpu.memory_space<vmem>>, vector<1x400x64xf32>
    %swap3A_86 = vector.shape_cast %swap3A_85 : vector<1x400x64xf32> to vector<400x64xf32>
    %swap3A_87 = vector.shape_cast %slice3A_81 : vector<400x64xf32> to vector<1x400x64xf32>
    tpu.vector_store %arg11[%swap3A_82, %swap3A_83, %swap3A_84], %swap3A_87 {strides = array<i32>} : memref<2x400x64xf32, #tpu.memory_space<vmem>>, vector<1x400x64xf32>,
    %slice3A_88 = vector.extract_strided_slice %mul3A_80 {offsets = [0, 64], sizes = [400, 64], strides = [1, 1]} : vector<400x128xf32> to vector<400x64xf32>
    %swap3A_89 = arith.constant 1 : index
    %swap3A_90 = arith.constant 0 : index
    %swap3A_91 = arith.constant 0 : index
    %swap3A_92 = vector.load %arg11[%swap3A_89, %swap3A_90, %swap3A_91] : memref<2x400x64xf32, #tpu.memory_space<vmem>>, vector<1x400x64xf32>
    %swap3A_93 = vector.shape_cast %swap3A_92 : vector<1x400x64xf32> to vector<400x64xf32>
    %swap3A_94 = vector.shape_cast %slice3A_88 : vector<400x64xf32> to vector<1x400x64xf32>
    tpu.vector_store %arg11[%swap3A_89, %swap3A_90, %swap3A_91], %swap3A_94 {strides = array<i32>} : memref<2x400x64xf32, #tpu.memory_space<vmem>>, vector<1x400x64xf32>,
    %get3A_95 = arith.constant 0 : index
    %get3A_96 = arith.constant 0 : index
    %get3A_97 = vector.load %arg2[%get3A_95, %get3A_96] : memref<400x1xi32, #tpu.memory_space<vmem>>, vector<400x1xi32>
    %iota3A_98 = tpu.iota {dimensions = array<i32: 1>} : vector<400x32xi32>
    %eq3A_99 = vector.broadcast %get3A_97 : vector<400x1xi32> to vector<400x32xi32>
    %eq3A_100 = arith.cmpi eq, %eq3A_99, %iota3A_98 : vector<400x32xi32>
    %convert_element_type3A_101 = arith.extui %eq3A_100 : vector<400x32xi1> to vector<400x32xi32>
    %convert_element_type3A_102 = arith.sitofp %convert_element_type3A_101 : vector<400x32xi32> to vector<400x32xf32>
    %dot_general3A_103 = arith.constant dense<0.000000e+00> : vector<400x9xf32>
    %dot_general3A_104 = tpu.matmul %convert_element_type3A_102, %div3A_50, %dot_general3A_103 {dimension_numbers = #tpu.dot_dimension_numbers<[1], [0], [0], [1], [0, 0, 1, 1], [], []>, transpose_lhs_hint = false} : vector<400x32xf32>, vector<32x9xf32>, vector<400x9xf32> -> vector<400x9xf32>
    %get3A_105 = arith.constant 0 : index
    %get3A_106 = arith.constant 0 : index
    %get3A_107 = vector.load %arg3[%get3A_105, %get3A_106] : memref<400x3xf32, #tpu.memory_space<vmem>>, vector<400x3xf32>
    %slice3A_108 = vector.extract_strided_slice %get3A_107 {offsets = [0, 0], sizes = [400, 1], strides = [1, 1]} : vector<400x3xf32> to vector<400x1xf32>
    %slice3A_109 = vector.extract_strided_slice %dot_general3A_104 {offsets = [0, 0], sizes = [400, 1], strides = [1, 1]} : vector<400x9xf32> to vector<400x1xf32>
    %mul3A_110 = arith.mulf %slice3A_108, %slice3A_109 : vector<400x1xf32>
    %slice3A_111 = vector.extract_strided_slice %get3A_107 {offsets = [0, 1], sizes = [400, 1], strides = [1, 1]} : vector<400x3xf32> to vector<400x1xf32>
    %slice3A_112 = vector.extract_strided_slice %dot_general3A_104 {offsets = [0, 3], sizes = [400, 1], strides = [1, 1]} : vector<400x9xf32> to vector<400x1xf32>
    %mul3A_113 = arith.mulf %slice3A_111, %slice3A_112 : vector<400x1xf32>
    %add3A_114 = arith.addf %mul3A_110, %mul3A_113 : vector<400x1xf32>
    %slice3A_115 = vector.extract_strided_slice %get3A_107 {offsets = [0, 2], sizes = [400, 1], strides = [1, 1]} : vector<400x3xf32> to vector<400x1xf32>
    %slice3A_116 = vector.extract_strided_slice %dot_general3A_104 {offsets = [0, 6], sizes = [400, 1], strides = [1, 1]} : vector<400x9xf32> to vector<400x1xf32>
    %mul3A_117 = arith.mulf %slice3A_115, %slice3A_116 : vector<400x1xf32>
    %add3A_118 = arith.addf %add3A_114, %mul3A_117 : vector<400x1xf32>
    %floor3A = math.floor %add3A_118 : vector<400x1xf32>
    %sub3A_119 = arith.subf %add3A_118, %floor3A : vector<400x1xf32>
    %mul3A_120 = arith.constant 6.553600e+04 : f32
    %mul3A_121 = vector.broadcast %mul3A_120 : f32 to vector<400x1xf32>
    %mul3A_122 = arith.mulf %sub3A_119, %mul3A_121 : vector<400x1xf32>
    %floor3A_123 = math.floor %mul3A_122 : vector<400x1xf32>
    %min3A = arith.constant 6.553500e+04 : f32
    %min3A_124 = vector.broadcast %min3A : f32 to vector<400x1xf32>
    %min3A_125 = arith.minimumf %floor3A_123, %min3A_124 : vector<400x1xf32>
    %convert_element_type3A_126 = arith.fptosi %min3A_125 : vector<400x1xf32> to vector<400x1xi32>
    %slice3A_127 = vector.extract_strided_slice %get3A_107 {offsets = [0, 0], sizes = [400, 1], strides = [1, 1]} : vector<400x3xf32> to vector<400x1xf32>
    %slice3A_128 = vector.extract_strided_slice %dot_general3A_104 {offsets = [0, 1], sizes = [400, 1], strides = [1, 1]} : vector<400x9xf32> to vector<400x1xf32>
    %mul3A_129 = arith.mulf %slice3A_127, %slice3A_128 : vector<400x1xf32>
    %slice3A_130 = vector.extract_strided_slice %get3A_107 {offsets = [0, 1], sizes = [400, 1], strides = [1, 1]} : vector<400x3xf32> to vector<400x1xf32>
    %slice3A_131 = vector.extract_strided_slice %dot_general3A_104 {offsets = [0, 4], sizes = [400, 1], strides = [1, 1]} : vector<400x9xf32> to vector<400x1xf32>
    %mul3A_132 = arith.mulf %slice3A_130, %slice3A_131 : vector<400x1xf32>
    %add3A_133 = arith.addf %mul3A_129, %mul3A_132 : vector<400x1xf32>
    %slice3A_134 = vector.extract_strided_slice %get3A_107 {offsets = [0, 2], sizes = [400, 1], strides = [1, 1]} : vector<400x3xf32> to vector<400x1xf32>
    %slice3A_135 = vector.extract_strided_slice %dot_general3A_104 {offsets = [0, 7], sizes = [400, 1], strides = [1, 1]} : vector<400x9xf32> to vector<400x1xf32>
    %mul3A_136 = arith.mulf %slice3A_134, %slice3A_135 : vector<400x1xf32>
    %add3A_137 = arith.addf %add3A_133, %mul3A_136 : vector<400x1xf32>
    %floor3A_138 = math.floor %add3A_137 : vector<400x1xf32>
    %sub3A_139 = arith.subf %add3A_137, %floor3A_138 : vector<400x1xf32>
    %mul3A_140 = arith.constant 6.553600e+04 : f32
    %mul3A_141 = vector.broadcast %mul3A_140 : f32 to vector<400x1xf32>
    %mul3A_142 = arith.mulf %sub3A_139, %mul3A_141 : vector<400x1xf32>
    %floor3A_143 = math.floor %mul3A_142 : vector<400x1xf32>
    %min3A_144 = arith.constant 6.553500e+04 : f32
    %min3A_145 = vector.broadcast %min3A_144 : f32 to vector<400x1xf32>
    %min3A_146 = arith.minimumf %floor3A_143, %min3A_145 : vector<400x1xf32>
    %convert_element_type3A_147 = arith.fptosi %min3A_146 : vector<400x1xf32> to vector<400x1xi32>
    %slice3A_148 = vector.extract_strided_slice %get3A_107 {offsets = [0, 0], sizes = [400, 1], strides = [1, 1]} : vector<400x3xf32> to vector<400x1xf32>
    %slice3A_149 = vector.extract_strided_slice %dot_general3A_104 {offsets = [0, 2], sizes = [400, 1], strides = [1, 1]} : vector<400x9xf32> to vector<400x1xf32>
    %mul3A_150 = arith.mulf %slice3A_148, %slice3A_149 : vector<400x1xf32>
    %slice3A_151 = vector.extract_strided_slice %get3A_107 {offsets = [0, 1], sizes = [400, 1], strides = [1, 1]} : vector<400x3xf32> to vector<400x1xf32>
    %slice3A_152 = vector.extract_strided_slice %dot_general3A_104 {offsets = [0, 5], sizes = [400, 1], strides = [1, 1]} : vector<400x9xf32> to vector<400x1xf32>
    %mul3A_153 = arith.mulf %slice3A_151, %slice3A_152 : vector<400x1xf32>
    %add3A_154 = arith.addf %mul3A_150, %mul3A_153 : vector<400x1xf32>
    %slice3A_155 = vector.extract_strided_slice %get3A_107 {offsets = [0, 2], sizes = [400, 1], strides = [1, 1]} : vector<400x3xf32> to vector<400x1xf32>
    %slice3A_156 = vector.extract_strided_slice %dot_general3A_104 {offsets = [0, 8], sizes = [400, 1], strides = [1, 1]} : vector<400x9xf32> to vector<400x1xf32>
    %mul3A_157 = arith.mulf %slice3A_155, %slice3A_156 : vector<400x1xf32>
    %add3A_158 = arith.addf %add3A_154, %mul3A_157 : vector<400x1xf32>
    %floor3A_159 = math.floor %add3A_158 : vector<400x1xf32>
    %sub3A_160 = arith.subf %add3A_158, %floor3A_159 : vector<400x1xf32>
    %mul3A_161 = arith.constant 6.553600e+04 : f32
    %mul3A_162 = vector.broadcast %mul3A_161 : f32 to vector<400x1xf32>
    %mul3A_163 = arith.mulf %sub3A_160, %mul3A_162 : vector<400x1xf32>
    %floor3A_164 = math.floor %mul3A_163 : vector<400x1xf32>
    %min3A_165 = arith.constant 6.553500e+04 : f32
    %min3A_166 = vector.broadcast %min3A_165 : f32 to vector<400x1xf32>
    %min3A_167 = arith.minimumf %floor3A_164, %min3A_166 : vector<400x1xf32>
    %convert_element_type3A_168 = arith.fptosi %min3A_167 : vector<400x1xf32> to vector<400x1xi32>
    %mul3A_169 = arith.constant 65536 : i32
    %mul3A_170 = vector.broadcast %mul3A_169 : i32 to vector<400x1xi32>
    %mul3A_171 = arith.muli %convert_element_type3A_147, %mul3A_170 : vector<400x1xi32>
    %add3A_172 = arith.addi %convert_element_type3A_126, %mul3A_171 : vector<400x1xi32>
    %swap3A_173 = arith.constant 0 : index
    %swap3A_174 = arith.constant 0 : index
    %swap3A_175 = vector.load %arg12[%swap3A_173, %swap3A_174] : memref<400x1xi32, #tpu.memory_space<vmem>>, vector<400x1xi32>
    tpu.vector_store %arg12[%swap3A_173, %swap3A_174], %add3A_172 {strides = array<i32>} : memref<400x1xi32, #tpu.memory_space<vmem>>, vector<400x1xi32>,
    %mul3A_176 = arith.constant 65536 : i32
    %mul3A_177 = vector.broadcast %mul3A_176 : i32 to vector<400x1xi32>
    %mul3A_178 = arith.muli %get3A_97, %mul3A_177 : vector<400x1xi32>
    %add3A_179 = arith.addi %convert_element_type3A_168, %mul3A_178 : vector<400x1xi32>
    %swap3A_180 = arith.constant 0 : index
    %swap3A_181 = arith.constant 0 : index
    %swap3A_182 = vector.load %arg13[%swap3A_180, %swap3A_181] : memref<400x1xi32, #tpu.memory_space<vmem>>, vector<400x1xi32>
    tpu.vector_store %arg13[%swap3A_180, %swap3A_181], %add3A_179 {strides = array<i32>} : memref<400x1xi32, #tpu.memory_space<vmem>>, vector<400x1xi32>,
    %get3A_183 = arith.constant 0 : index
    %get3A_184 = arith.constant 0 : index
    %get3A_185 = vector.load %arg9[%get3A_183, %get3A_184] : memref<160x80xi32, #tpu.memory_space<vmem>>, vector<160x80xi32>
    %mul3A_186 = arith.constant 16384 : i32
    %mul3A_187 = vector.broadcast %mul3A_186 : i32 to vector<160x80xi32>
    %mul3A_188 = arith.muli %get3A_185, %mul3A_187 : vector<160x80xi32>
    %get3A_189 = arith.constant 0 : index
    %get3A_190 = arith.constant 0 : index
    %get3A_191 = vector.load %arg8[%get3A_189, %get3A_190] : memref<160x80xi32, #tpu.memory_space<vmem>>, vector<160x80xi32>
    %add3A_192 = arith.addi %mul3A_188, %get3A_191 : vector<160x80xi32>
    %swap3A_193 = arith.constant 0 : index
    %swap3A_194 = arith.constant 0 : index
    %swap3A_195 = vector.load %arg14[%swap3A_193, %swap3A_194] : memref<160x80xi32, #tpu.memory_space<vmem>>, vector<160x80xi32>
    tpu.vector_store %arg14[%swap3A_193, %swap3A_194], %add3A_192 {strides = array<i32>} : memref<160x80xi32, #tpu.memory_space<vmem>>, vector<160x80xi32>,
    return
  }
  func.func @transform_0(%arg0: i32) -> (i32, i32) {
    %c0_i32 = arith.constant 0 : i32
    %c0_i32_0 = arith.constant 0 : i32
    return %arg0, %c0_i32 : i32, i32
  }
  func.func @transform_1(%arg0: i32) -> (i32, i32) {
    %c0_i32 = arith.constant 0 : i32
    %c0_i32_0 = arith.constant 0 : i32
    return %arg0, %c0_i32 : i32, i32
  }
  func.func @transform_2(%arg0: i32) -> (i32, i32) {
    %c0_i32 = arith.constant 0 : i32
    %c0_i32_0 = arith.constant 0 : i32
    return %arg0, %c0_i32 : i32, i32
  }
  func.func @transform_3(%arg0: i32) -> (i32, i32) {
    %c0_i32 = arith.constant 0 : i32
    %c0_i32_0 = arith.constant 0 : i32
    %c0_i32_1 = arith.constant 0 : i32
    return %c0_i32, %c0_i32_0 : i32, i32
  }
  func.func @transform_4(%arg0: i32) -> (i32, i32) {
    %c0_i32 = arith.constant 0 : i32
    %c0_i32_0 = arith.constant 0 : i32
    %c0_i32_1 = arith.constant 0 : i32
    return %c0_i32, %c0_i32_0 : i32, i32
  }
  func.func @transform_5(%arg0: i32) -> (i32, i32) {
    %c0_i32 = arith.constant 0 : i32
    %c0_i32_0 = arith.constant 0 : i32
    %c0_i32_1 = arith.constant 0 : i32
    return %c0_i32, %c0_i32_0 : i32, i32
  }
  func.func @transform_6(%arg0: i32) -> (i32, i32) {
    %c0_i32 = arith.constant 0 : i32
    %c0_i32_0 = arith.constant 0 : i32
    %c0_i32_1 = arith.constant 0 : i32
    return %c0_i32, %c0_i32_0 : i32, i32
  }
  func.func @transform_7(%arg0: i32) -> (i32, i32) {
    %c0_i32 = arith.constant 0 : i32
    %c0_i32_0 = arith.constant 0 : i32
    return %arg0, %c0_i32 : i32, i32
  }
  func.func @transform_8(%arg0: i32) -> (i32, i32) {
    %add3A = arith.constant 25 : i32
    %add3A_0 = arith.addi %arg0, %add3A : i32
    %c0_i32 = arith.constant 0 : i32
    %c0_i32_1 = arith.constant 0 : i32
    return %add3A_0, %c0_i32 : i32, i32
  }
  func.func @transform_9(%arg0: i32) -> (i32, i32) {
    %c0_i32 = arith.constant 0 : i32
    %c0_i32_0 = arith.constant 0 : i32
    return %arg0, %c0_i32 : i32, i32
  }
  func.func @transform_10(%arg0: i32) -> (i32, i32, i32) {
    %c0_i32 = arith.constant 0 : i32
    %c0_i32_0 = arith.constant 0 : i32
    %c0_i32_1 = arith.constant 0 : i32
    return %c0_i32, %arg0, %c0_i32_0 : i32, i32, i32
  }
  func.func @transform_11(%arg0: i32) -> (i32, i32) {
    %c0_i32 = arith.constant 0 : i32
    %c0_i32_0 = arith.constant 0 : i32
    return %arg0, %c0_i32 : i32, i32
  }
  func.func @transform_12(%arg0: i32) -> (i32, i32) {
    %c0_i32 = arith.constant 0 : i32
    %c0_i32_0 = arith.constant 0 : i32
    return %arg0, %c0_i32 : i32, i32
  }
  func.func @transform_13(%arg0: i32) -> (i32, i32) {
    %c0_i32 = arith.constant 0 : i32
    %c0_i32_0 = arith.constant 0 : i32
    return %arg0, %c0_i32 : i32, i32
  }
}

module attributes {stable_mosaic.version = 14 : i64} {
  func.func @_head_body(%arg0: i32, %arg1: memref<400x128xf32, #tpu.memory_space<vmem>>, %arg2: memref<400x64xf32, #tpu.memory_space<vmem>>, %arg3: memref<400x64xf32, #tpu.memory_space<vmem>>, %arg4: memref<400x1xi32, #tpu.memory_space<vmem>>, %arg5: memref<400x1xi32, #tpu.memory_space<vmem>>, %arg6: memref<400x1xi32, #tpu.memory_space<vmem>>, %arg7: memref<128x64xf32, #tpu.memory_space<vmem>>, %arg8: memref<1x64xf32, #tpu.memory_space<vmem>>, %arg9: memref<64x1xf32, #tpu.memory_space<vmem>>, %arg10: memref<1x1xf32, #tpu.memory_space<vmem>>, %arg11: memref<32x1xf32, #tpu.memory_space<vmem>>, %arg12: memref<1x1xf32, #tpu.memory_space<vmem>>, %arg13: memref<32x1xf32, #tpu.memory_space<vmem>>, %arg14: memref<32x1xf32, #tpu.memory_space<vmem>>, %arg15: memref<32x1xf32, #tpu.memory_space<vmem>>) attributes {dimension_semantics = [#tpu.dimension_semantics<arbitrary>], iteration_bounds = array<i64: 25>, scalar_prefetch = 0 : i64, scratch_operands = 2 : i64, tpu.core_type = #tpu.core_type<tc>, window_params = [{transform_indices = @transform_0, window_bounds = array<i64: 400, 128>}, {transform_indices = @transform_1, window_bounds = array<i64: 400, 64>}, {transform_indices = @transform_2, window_bounds = array<i64: 400, 64>}, {transform_indices = @transform_3, window_bounds = array<i64: 400, 1>}, {transform_indices = @transform_4, window_bounds = array<i64: 400, 1>}, {transform_indices = @transform_5, window_bounds = array<i64: 400, 1>}, {pipeline_mode = #tpu.pipeline_mode<synchronous>, transform_indices = @transform_6, window_bounds = array<i64: 128, 64>}, {pipeline_mode = #tpu.pipeline_mode<synchronous>, transform_indices = @transform_7, window_bounds = array<i64: 1, 64>}, {pipeline_mode = #tpu.pipeline_mode<synchronous>, transform_indices = @transform_8, window_bounds = array<i64: 64, 1>}, {pipeline_mode = #tpu.pipeline_mode<synchronous>, transform_indices = @transform_9, window_bounds = array<i64: 1, 1>}, {pipeline_mode = #tpu.pipeline_mode<synchronous>, transform_indices = @transform_10, window_bounds = array<i64: 32, 1>}, {pipeline_mode = #tpu.pipeline_mode<synchronous>, transform_indices = @transform_11, window_bounds = array<i64: 1, 1>}, {pipeline_mode = #tpu.pipeline_mode<synchronous>, transform_indices = @transform_12, window_bounds = array<i64: 32, 1>}]} {
    %eq3A = arith.constant 0 : i32
    %eq3A_0 = arith.cmpi eq, %arg0, %eq3A : i32
    %convert_element_type3A = arith.extui %eq3A_0 : i1 to i32
    %cond3A = arith.constant 0 : i32
    %cond3A_1 = arith.cmpi ne, %convert_element_type3A, %cond3A : i32
    scf.if %cond3A_1 {
      %broadcast_in_dim3A_95 = arith.constant 0.000000e+00 : f32
      %broadcast_in_dim3A_96 = vector.broadcast %broadcast_in_dim3A_95 : f32 to vector<32x1xf32>
      %swap3A_97 = arith.constant 0 : index
      %swap3A_98 = arith.constant 0 : index
      %swap3A_99 = vector.load %arg14[%swap3A_97, %swap3A_98] : memref<32x1xf32, #tpu.memory_space<vmem>>, vector<32x1xf32>
      tpu.vector_store %arg14[%swap3A_97, %swap3A_98], %broadcast_in_dim3A_96 {strides = array<i32>} : memref<32x1xf32, #tpu.memory_space<vmem>>, vector<32x1xf32>,
      %broadcast_in_dim3A_100 = arith.constant 0.000000e+00 : f32
      %broadcast_in_dim3A_101 = vector.broadcast %broadcast_in_dim3A_100 : f32 to vector<32x1xf32>
      %swap3A_102 = arith.constant 0 : index
      %swap3A_103 = arith.constant 0 : index
      %swap3A_104 = vector.load %arg15[%swap3A_102, %swap3A_103] : memref<32x1xf32, #tpu.memory_space<vmem>>, vector<32x1xf32>
      tpu.vector_store %arg15[%swap3A_102, %swap3A_103], %broadcast_in_dim3A_101 {strides = array<i32>} : memref<32x1xf32, #tpu.memory_space<vmem>>, vector<32x1xf32>,
    } else {
    }
    %get3A = arith.constant 0 : index
    %get3A_2 = arith.constant 0 : index
    %get3A_3 = vector.load %arg4[%get3A, %get3A_2] : memref<400x1xi32, #tpu.memory_space<vmem>>, vector<400x1xi32>
    %gt3A = arith.constant 0 : i32
    %gt3A_4 = vector.broadcast %gt3A : i32 to vector<400x1xi32>
    %gt3A_5 = arith.cmpi sgt, %get3A_3, %gt3A_4 : vector<400x1xi32>
    %jit3A = arith.constant 0.000000e+00 : f32
    %jit3A_6 = arith.constant 1.000000e+00 : f32
    %broadcast_in_dim3A = vector.broadcast %jit3A : f32 to vector<400x1xf32>
    %broadcast_in_dim3A_7 = vector.broadcast %jit3A_6 : f32 to vector<400x1xf32>
    %select_n3A = arith.select %gt3A_5, %broadcast_in_dim3A, %broadcast_in_dim3A_7 : vector<400x1xi1>, vector<400x1xf32>
    %get3A_8 = arith.constant 0 : index
    %get3A_9 = arith.constant 0 : index
    %get3A_10 = vector.load %arg5[%get3A_8, %get3A_9] : memref<400x1xi32, #tpu.memory_space<vmem>>, vector<400x1xi32>
    %gt3A_11 = arith.constant 0 : i32
    %gt3A_12 = vector.broadcast %gt3A_11 : i32 to vector<400x1xi32>
    %gt3A_13 = arith.cmpi sgt, %get3A_10, %gt3A_12 : vector<400x1xi32>
    %jit3A_14 = arith.constant 1.500000e+00 : f32
    %jit3A_15 = arith.constant 1.000000e+00 : f32
    %broadcast_in_dim3A_16 = vector.broadcast %jit3A_14 : f32 to vector<400x1xf32>
    %broadcast_in_dim3A_17 = vector.broadcast %jit3A_15 : f32 to vector<400x1xf32>
    %select_n3A_18 = arith.select %gt3A_13, %broadcast_in_dim3A_16, %broadcast_in_dim3A_17 : vector<400x1xi1>, vector<400x1xf32>
    %mul3A = arith.mulf %select_n3A, %select_n3A_18 : vector<400x1xf32>
    %get3A_19 = arith.constant 0 : index
    %get3A_20 = arith.constant 0 : index
    %get3A_21 = vector.load %arg2[%get3A_19, %get3A_20] : memref<400x64xf32, #tpu.memory_space<vmem>>, vector<400x64xf32>
    %get3A_22 = arith.constant 0 : index
    %get3A_23 = arith.constant 0 : index
    %get3A_24 = vector.load %arg3[%get3A_22, %get3A_23] : memref<400x64xf32, #tpu.memory_space<vmem>>, vector<400x64xf32>
    %concatenate3A = tpu.concatenate %get3A_21, %get3A_24 in 1 : vector<400x64xf32>, vector<400x64xf32> -> vector<400x128xf32>
    %get3A_25 = arith.constant 0 : index
    %get3A_26 = arith.constant 0 : index
    %get3A_27 = vector.load %arg1[%get3A_25, %get3A_26] : memref<400x128xf32, #tpu.memory_space<vmem>>, vector<400x128xf32>
    %add3A = arith.addf %get3A_27, %concatenate3A : vector<400x128xf32>
    %mul3A_28 = vector.broadcast %mul3A : vector<400x1xf32> to vector<400x128xf32>
    %mul3A_29 = arith.mulf %add3A, %mul3A_28 : vector<400x128xf32>
    %get3A_30 = arith.constant 0 : index
    %get3A_31 = arith.constant 0 : index
    %get3A_32 = vector.load %arg7[%get3A_30, %get3A_31] : memref<128x64xf32, #tpu.memory_space<vmem>>, vector<128x64xf32>
    %dot_general3A = arith.constant dense<0.000000e+00> : vector<400x64xf32>
    %dot_general3A_33 = tpu.matmul %mul3A_29, %get3A_32, %dot_general3A {dimension_numbers = #tpu.dot_dimension_numbers<[1], [0], [0], [1], [0, 0, 1, 1], [], []>, transpose_lhs_hint = false} : vector<400x128xf32>, vector<128x64xf32>, vector<400x64xf32> -> vector<400x64xf32>
    %get3A_34 = arith.constant 0 : index
    %get3A_35 = arith.constant 0 : index
    %get3A_36 = vector.load %arg8[%get3A_34, %get3A_35] : memref<1x64xf32, #tpu.memory_space<vmem>>, vector<1x64xf32>
    %add3A_37 = vector.broadcast %get3A_36 : vector<1x64xf32> to vector<400x64xf32>
    %add3A_38 = arith.addf %dot_general3A_33, %add3A_37 : vector<400x64xf32>
    %logistic3A = arith.negf %add3A_38 : vector<400x64xf32>
    %logistic3A_39 = math.exp %logistic3A : vector<400x64xf32>
    %logistic3A_40 = arith.constant 1.000000e+00 : f32
    %logistic3A_41 = vector.broadcast %logistic3A_40 : f32 to vector<400x64xf32>
    %logistic3A_42 = arith.addf %logistic3A_41, %logistic3A_39 : vector<400x64xf32>
    %logistic3A_43 = arith.divf %logistic3A_41, %logistic3A_42 : vector<400x64xf32>
    %mul3A_44 = arith.mulf %add3A_38, %logistic3A_43 : vector<400x64xf32>
    %mul3A_45 = arith.constant 1.66666663 : f32
    %mul3A_46 = vector.broadcast %mul3A_45 : f32 to vector<400x64xf32>
    %mul3A_47 = arith.mulf %mul3A_44, %mul3A_46 : vector<400x64xf32>
    %get3A_48 = arith.constant 0 : index
    %get3A_49 = arith.constant 0 : index
    %get3A_50 = vector.load %arg9[%get3A_48, %get3A_49] : memref<64x1xf32, #tpu.memory_space<vmem>>, vector<64x1xf32>
    %dot_general3A_51 = arith.constant dense<0.000000e+00> : vector<400x1xf32>
    %dot_general3A_52 = tpu.matmul %mul3A_47, %get3A_50, %dot_general3A_51 {dimension_numbers = #tpu.dot_dimension_numbers<[1], [0], [0], [1], [0, 0, 1, 1], [], []>, transpose_lhs_hint = false} : vector<400x64xf32>, vector<64x1xf32>, vector<400x1xf32> -> vector<400x1xf32>
    %get3A_53 = arith.constant 0 : index
    %get3A_54 = arith.constant 0 : index
    %get3A_55 = vector.load %arg10[%get3A_53, %get3A_54] : memref<1x1xf32, #tpu.memory_space<vmem>>, vector<1x1xf32>
    %add3A_56 = vector.broadcast %get3A_55 : vector<1x1xf32> to vector<400x1xf32>
    %add3A_57 = arith.addf %dot_general3A_52, %add3A_56 : vector<400x1xf32>
    %logistic3A_58 = arith.negf %add3A_57 : vector<400x1xf32>
    %logistic3A_59 = math.exp %logistic3A_58 : vector<400x1xf32>
    %logistic3A_60 = arith.constant 1.000000e+00 : f32
    %logistic3A_61 = vector.broadcast %logistic3A_60 : f32 to vector<400x1xf32>
    %logistic3A_62 = arith.addf %logistic3A_61, %logistic3A_59 : vector<400x1xf32>
    %logistic3A_63 = arith.divf %logistic3A_61, %logistic3A_62 : vector<400x1xf32>
    %get3A_64 = arith.constant 0 : index
    %get3A_65 = arith.constant 0 : index
    %get3A_66 = vector.load %arg6[%get3A_64, %get3A_65] : memref<400x1xi32, #tpu.memory_space<vmem>>, vector<400x1xi32>
    %iota3A = tpu.iota {dimensions = array<i32: 1>} : vector<400x32xi32>
    %eq3A_67 = vector.broadcast %get3A_66 : vector<400x1xi32> to vector<400x32xi32>
    %eq3A_68 = arith.cmpi eq, %eq3A_67, %iota3A : vector<400x32xi32>
    %convert_element_type3A_69 = arith.extui %eq3A_68 : vector<400x32xi1> to vector<400x32xi32>
    %convert_element_type3A_70 = arith.sitofp %convert_element_type3A_69 : vector<400x32xi32> to vector<400x32xf32>
    %get3A_71 = arith.constant 0 : index
    %get3A_72 = arith.constant 0 : index
    %get3A_73 = vector.load %arg14[%get3A_71, %get3A_72] : memref<32x1xf32, #tpu.memory_space<vmem>>, vector<32x1xf32>
    %dot_general3A_74 = arith.constant dense<0.000000e+00> : vector<32x1xf32>
    %dot_general3A_75 = tpu.matmul %convert_element_type3A_70, %logistic3A_63, %dot_general3A_74 {dimension_numbers = #tpu.dot_dimension_numbers<[0], [0], [1], [1], [0, 1, 1, 1], [], []>, transpose_lhs_hint = false} : vector<400x32xf32>, vector<400x1xf32>, vector<32x1xf32> -> vector<32x1xf32>
    %add3A_76 = arith.addf %get3A_73, %dot_general3A_75 : vector<32x1xf32>
    %swap3A = arith.constant 0 : index
    %swap3A_77 = arith.constant 0 : index
    %swap3A_78 = vector.load %arg14[%swap3A, %swap3A_77] : memref<32x1xf32, #tpu.memory_space<vmem>>, vector<32x1xf32>
    tpu.vector_store %arg14[%swap3A, %swap3A_77], %add3A_76 {strides = array<i32>} : memref<32x1xf32, #tpu.memory_space<vmem>>, vector<32x1xf32>,
    %get3A_79 = arith.constant 0 : index
    %get3A_80 = arith.constant 0 : index
    %get3A_81 = vector.load %arg15[%get3A_79, %get3A_80] : memref<32x1xf32, #tpu.memory_space<vmem>>, vector<32x1xf32>
    %broadcast_in_dim3A_82 = arith.constant 1.000000e+00 : f32
    %broadcast_in_dim3A_83 = vector.broadcast %broadcast_in_dim3A_82 : f32 to vector<400x1xf32>
    %dot_general3A_84 = arith.constant dense<0.000000e+00> : vector<32x1xf32>
    %dot_general3A_85 = tpu.matmul %convert_element_type3A_70, %broadcast_in_dim3A_83, %dot_general3A_84 {dimension_numbers = #tpu.dot_dimension_numbers<[0], [0], [1], [1], [0, 1, 1, 1], [], []>, transpose_lhs_hint = false} : vector<400x32xf32>, vector<400x1xf32>, vector<32x1xf32> -> vector<32x1xf32>
    %add3A_86 = arith.addf %get3A_81, %dot_general3A_85 : vector<32x1xf32>
    %swap3A_87 = arith.constant 0 : index
    %swap3A_88 = arith.constant 0 : index
    %swap3A_89 = vector.load %arg15[%swap3A_87, %swap3A_88] : memref<32x1xf32, #tpu.memory_space<vmem>>, vector<32x1xf32>
    tpu.vector_store %arg15[%swap3A_87, %swap3A_88], %add3A_86 {strides = array<i32>} : memref<32x1xf32, #tpu.memory_space<vmem>>, vector<32x1xf32>,
    %eq3A_90 = arith.constant 24 : i32
    %eq3A_91 = arith.cmpi eq, %arg0, %eq3A_90 : i32
    %convert_element_type3A_92 = arith.extui %eq3A_91 : i1 to i32
    %cond3A_93 = arith.constant 0 : i32
    %cond3A_94 = arith.cmpi ne, %convert_element_type3A_92, %cond3A_93 : i32
    scf.if %cond3A_94 {
      %get3A_95 = arith.constant 0 : index
      %get3A_96 = arith.constant 0 : index
      %get3A_97 = vector.load %arg14[%get3A_95, %get3A_96] : memref<32x1xf32, #tpu.memory_space<vmem>>, vector<32x1xf32>
      %get3A_98 = arith.constant 0 : index
      %get3A_99 = arith.constant 0 : index
      %get3A_100 = vector.load %arg15[%get3A_98, %get3A_99] : memref<32x1xf32, #tpu.memory_space<vmem>>, vector<32x1xf32>
      %max3A = arith.constant 1.000000e+00 : f32
      %max3A_101 = vector.broadcast %max3A : f32 to vector<32x1xf32>
      %max3A_102 = arith.maximumf %get3A_100, %max3A_101 : vector<32x1xf32>
      %div3A = arith.divf %get3A_97, %max3A_102 : vector<32x1xf32>
      %swap3A_103 = arith.constant 0 : index
      %swap3A_104 = arith.constant 0 : index
      %swap3A_105 = vector.load %arg13[%swap3A_103, %swap3A_104] : memref<32x1xf32, #tpu.memory_space<vmem>>, vector<32x1xf32>
      tpu.vector_store %arg13[%swap3A_103, %swap3A_104], %div3A {strides = array<i32>} : memref<32x1xf32, #tpu.memory_space<vmem>>, vector<32x1xf32>,
      %jit3A_106 = arith.constant 1.000000e-07 : f32
      %jit3A_107 = arith.constant 0.99999988 : f32
      %max3A_108 = vector.broadcast %jit3A_106 : f32 to vector<32x1xf32>
      %max3A_109 = arith.maximumf %max3A_108, %div3A : vector<32x1xf32>
      %min3A = vector.broadcast %jit3A_107 : f32 to vector<32x1xf32>
      %min3A_110 = arith.minimumf %min3A, %max3A_109 : vector<32x1xf32>
      %get3A_111 = arith.constant 0 : index
      %get3A_112 = arith.constant 0 : index
      %get3A_113 = vector.load %arg11[%get3A_111, %get3A_112] : memref<32x1xf32, #tpu.memory_space<vmem>>, vector<32x1xf32>
      %log3A = math.log %min3A_110 : vector<32x1xf32>
      %mul3A_114 = arith.mulf %get3A_113, %log3A : vector<32x1xf32>
      %sub3A = arith.constant 1.000000e+00 : f32
      %sub3A_115 = vector.broadcast %sub3A : f32 to vector<32x1xf32>
      %sub3A_116 = arith.subf %sub3A_115, %get3A_113 : vector<32x1xf32>
      %sub3A_117 = arith.constant 1.000000e+00 : f32
      %sub3A_118 = vector.broadcast %sub3A_117 : f32 to vector<32x1xf32>
      %sub3A_119 = arith.subf %sub3A_118, %min3A_110 : vector<32x1xf32>
      %log3A_120 = math.log %sub3A_119 : vector<32x1xf32>
      %mul3A_121 = arith.mulf %sub3A_116, %log3A_120 : vector<32x1xf32>
      %add3A_122 = arith.addf %mul3A_114, %mul3A_121 : vector<32x1xf32>
      %reduce_sum3A = vector.shape_cast %add3A_122 : vector<32x1xf32> to vector<1x32x1xf32>
      %reduce_sum3A_123 = arith.constant dense<0.000000e+00> : vector<1xf32>
      %reduce_sum3A_124 = vector.multi_reduction <add>, %reduce_sum3A, %reduce_sum3A_123 [1, 2] : vector<1x32x1xf32> to vector<1xf32>
      %reduce_sum3A_125 = vector.shape_cast %reduce_sum3A_124 : vector<1xf32> to vector<1x1x1xf32>
      %reduce_sum3A_126 = vector.extract %reduce_sum3A_125[0, 0, 0] : f32 from vector<1x1x1xf32>
      %div3A_127 = arith.constant 3.200000e+01 : f32
      %div3A_128 = arith.divf %reduce_sum3A_126, %div3A_127 : f32
      %neg3A = arith.constant 0.000000e+00 : f32
      %neg3A_129 = arith.subf %neg3A, %div3A_128 : f32
      %broadcast_in_dim3A_130 = vector.broadcast %neg3A_129 : f32 to vector<1x1xf32>
      %swap3A_131 = arith.constant 0 : index
      %swap3A_132 = arith.constant 0 : index
      %swap3A_133 = vector.load %arg12[%swap3A_131, %swap3A_132] : memref<1x1xf32, #tpu.memory_space<vmem>>, vector<1x1xf32>
      tpu.vector_store %arg12[%swap3A_131, %swap3A_132], %broadcast_in_dim3A_130 {strides = array<i32>} : memref<1x1xf32, #tpu.memory_space<vmem>>, vector<1x1xf32>,
    } else {
    }
    return
  }
  func.func @transform_0(%arg0: i32) -> (i32, i32) {
    %c0_i32 = arith.constant 0 : i32
    %c0_i32_0 = arith.constant 0 : i32
    return %arg0, %c0_i32 : i32, i32
  }
  func.func @transform_1(%arg0: i32) -> (i32, i32) {
    %c0_i32 = arith.constant 0 : i32
    %c0_i32_0 = arith.constant 0 : i32
    return %arg0, %c0_i32 : i32, i32
  }
  func.func @transform_2(%arg0: i32) -> (i32, i32) {
    %add3A = arith.constant 32 : i32
    %add3A_0 = arith.addi %arg0, %add3A : i32
    %c0_i32 = arith.constant 0 : i32
    %c0_i32_1 = arith.constant 0 : i32
    return %add3A_0, %c0_i32 : i32, i32
  }
  func.func @transform_3(%arg0: i32) -> (i32, i32) {
    %c0_i32 = arith.constant 0 : i32
    %c0_i32_0 = arith.constant 0 : i32
    return %arg0, %c0_i32 : i32, i32
  }
  func.func @transform_4(%arg0: i32) -> (i32, i32) {
    %c0_i32 = arith.constant 0 : i32
    %c0_i32_0 = arith.constant 0 : i32
    return %arg0, %c0_i32 : i32, i32
  }
  func.func @transform_5(%arg0: i32) -> (i32, i32) {
    %c0_i32 = arith.constant 0 : i32
    %c0_i32_0 = arith.constant 0 : i32
    return %arg0, %c0_i32 : i32, i32
  }
  func.func @transform_6(%arg0: i32) -> (i32, i32) {
    %c0_i32 = arith.constant 0 : i32
    %c0_i32_0 = arith.constant 0 : i32
    %c0_i32_1 = arith.constant 0 : i32
    return %c0_i32, %c0_i32_0 : i32, i32
  }
  func.func @transform_7(%arg0: i32) -> (i32, i32) {
    %c0_i32 = arith.constant 0 : i32
    %c0_i32_0 = arith.constant 0 : i32
    %c0_i32_1 = arith.constant 0 : i32
    return %c0_i32, %c0_i32_0 : i32, i32
  }
  func.func @transform_8(%arg0: i32) -> (i32, i32) {
    %c0_i32 = arith.constant 0 : i32
    %c0_i32_0 = arith.constant 0 : i32
    %c0_i32_1 = arith.constant 0 : i32
    return %c0_i32, %c0_i32_0 : i32, i32
  }
  func.func @transform_9(%arg0: i32) -> (i32, i32) {
    %c0_i32 = arith.constant 0 : i32
    %c0_i32_0 = arith.constant 0 : i32
    %c0_i32_1 = arith.constant 0 : i32
    return %c0_i32, %c0_i32_0 : i32, i32
  }
  func.func @transform_10(%arg0: i32) -> (i32, i32) {
    %c0_i32 = arith.constant 0 : i32
    %c0_i32_0 = arith.constant 0 : i32
    %c0_i32_1 = arith.constant 0 : i32
    return %c0_i32, %c0_i32_0 : i32, i32
  }
  func.func @transform_11(%arg0: i32) -> (i32, i32) {
    %c0_i32 = arith.constant 0 : i32
    %c0_i32_0 = arith.constant 0 : i32
    %c0_i32_1 = arith.constant 0 : i32
    return %c0_i32, %c0_i32_0 : i32, i32
  }
  func.func @transform_12(%arg0: i32) -> (i32, i32) {
    %c0_i32 = arith.constant 0 : i32
    %c0_i32_0 = arith.constant 0 : i32
    %c0_i32_1 = arith.constant 0 : i32
    return %c0_i32, %c0_i32_0 : i32, i32
  }
}

</mosaic_0001>

<sc_bundles>
// kernel: kernel.5.cloned.1.call-start
scs
__scs_entry_jumppad:
0x0: {  	(pc) =	sbr.rel $0x88, $3  }
0x1: {  	(tag) =	ssettag $0x0;
	lr =	simm.s32 $0x1  }
0x2: {  	[smem:$0x3F92] =	sst lr;
	_ =	strace $0xD0000000  }
0x3: {  	_ = 	snop  }
0x4: {  	_ = 	snop  }
0x5: {  	_ = 	snop  }
0x6: {  	_ = 	snop  }
0x7: {  	_ = 	snop  }
__scs_overlays_trampoline_lowered:
0x8: {  	[smem:$0x3FA1] =	sst s0  }
0x9: {  	[smem:$0x3FA2] =	sst s1  }
0xa: {  	[smem:$0x3FA3] =	sst s2  }
0xb: {  	[smem:$0x3FA4] =	sst s3  }
0xc: {  	[smem:$0x3FA5] =	sst s4  }
0xd: {  	[smem:$0x3FA6] =	sst s5  }
0xe: {  	[smem:$0x3FA7] =	sst s6  }
0xf: {  	[smem:$0x3FA8] =	sst s7  }
0x10: {  	[smem:$0x3FA9] =	sst s8  }
0x11: {  	[smem:$0x3FAA] =	sst s9;
	s0 =	simm.s32 @!p0 $0x0  }
0x12: {  	s1 =	sld [smem:$0x3F90];
	s0 =	simm.s32 @p0 $0x1  }
0x13: {  	[smem:$0x3FAB] =	sst s0;
	s0 =	simm.s32 @!p1 $0x0  }
0x14: {  	s2 =	sld [smem:$0x3F8F];
	s0 =	simm.s32 @p1 $0x1  }
0x15: {  	[smem:$0x3FAC] =	sst s0;
	s0 =	simm.s32 @!p2 $0x0  }
0x16: {  	s3 =	sld [smem:$0x3FDB];
	s0 =	simm.s32 @p2 $0x1  }
0x17: {  	s4 =	simm.s32 $0x1BF5;
	[smem:$0x3FAE] =	sst s0  }
0x18: {  	s0 =	sld [smem:$0x3F91];
	_ =	swait.ge [sflag:s4], $0x0  }
0x19: {  	s7 =	sld [smem:$0x3F92]  }
0x1a: {  	s8 =	sadd.s32 $0xFFFFE003, lr  }
0x1b: {  	s9 =	sadd.s32 $0xFFFFFEF7, lr;
	s5 =	simm.s32 $0xFFFFFFFF;
	p2 =	slt.u32 s8, $0xFFFFF086  }
0x1c: {  	p1 =	slt.u32 s9, $0xF7A;
	s5 =	simm.s32 @!p2 $0x0  }
0x1d: {  	s5 =	simm.s32 @p1 $0x1;
	p0 =	seq.s32 s7, s2  }
0x1e: {  	s7 =	smul.u32 @!p0 $0xF7A, s2;
	p2 =	seq.s32 @!p0 s5, $0x0  }
0x1f: {  	s9 =	smul.u32 $0xF7A, s1;
	s8 =	simm.s32 @!p0 $0x1BF5;
	p2 =	por !p2, p0  }
0x20: {  	[sflag:s8] =	ssyncset.s32 @!p0 $0xFFFFF086;
	s6 =	sadd.s32 @!p0 s3, s7;
	s7 =	simm.s32 @!p0 $0x108  }
0x21: {  	s3 =	sadd.s32 s3, s9;
	s6 =	sadd.s32 @!p0 $0x88, s6;
	s7 =	simm.s32 @p2 $0x1082  }
0x22: {  	[simem:s7], [sflag:s8] =	dma.local @!p0 [hbm:s6], $0xF7A  }
0x23: {  	s9 =	sor.u32 $0xD0000000, s2;
	s6 =	simm.s32 $0x108;
	_ =	swait.ge @!p0 [sflag:s8], $0x0  }
0x24: {  	s3 =	sadd.s32 $0x88, s3;
	s6 =	simm.s32 @!p1 $0x1082;
	[sflag:s4] =	ssyncset.s32 $0xFFFFF086  }
0x25: {  	[simem:s6], [sflag:s4] =	dma.local [hbm:s3], $0xF7A  }
0x26: {  	[smem:$0x3F92] =	sst s1;
	(tag) =	ssettag s2;
	_ =	strace s9  }
0x27: {  	s1 =	sld [smem:$0x3FA2]  }
0x28: {  	s2 =	sld [smem:$0x3FA3]  }
0x29: {  	s4 =	sld [smem:$0x3FA5]  }
0x2a: {  	p0 =	seq.s32 s5, $0x0;
	s5 =	sld [smem:$0x3FA6]  }
0x2b: {  	s6 =	sld [smem:$0x3FA7]  }
0x2c: {  	s7 =	sld [smem:$0x3FA8]  }
0x2d: {  	s3 =	simm.s32 $0x108;
	s8 =	sld [smem:$0x3FA9]  }
0x2e: {  	s3 =	simm.s32 @!p0 $0x1082;
	s9 =	sld [smem:$0x3FAA]  }
0x2f: {  	lr =	sadd.s32 s0, s3;
	s0 =	sld [smem:$0x3FA1]  }
0x30: {  	s3 =	sld [smem:$0x3FA4]  }
0x31: {  	[smem:$0x3FAD] =	sst s10  }
0x32: {  	s10 =	sld [smem:$0x3FAB];
	_ =	sdelay $0x3  }
0x33: {  	p0 =	seq.s32 s10, $0x1;
	s10 =	sld [smem:$0x3FAD];
	_ =	sdelay $0x3  }
0x34: {  	[smem:$0x3FAD] =	sst s10  }
0x35: {  	s10 =	sld [smem:$0x3FAC];
	_ =	sdelay $0x3  }
0x36: {  	p1 =	seq.s32 s10, $0x1;
	s10 =	sld [smem:$0x3FAD];
	_ =	sdelay $0x3  }
0x37: {  	[smem:$0x3FAD] =	sst s10  }
0x38: {  	s10 =	sld [smem:$0x3FAE]  }
0x39: {  	_ = 	snop;
	(pc) =	sbr.ind lr, $3  }
0x3a: {  	_ = 	snop  }
0x3b: {  	_ = 	snop  }
0x3c: {  	p2 =	seq.s32 s10, $0x1;
	s10 =	sld [smem:$0x3FAD]  }
0x3d: {  	_ =	shalt  }
0x3e: {  	_ =	shalt  }
0x3f: {  	_ =	shalt  }
0x40: {  	_ =	shalt  }
0x41: {  	_ =	shalt  }
0x42: {  	_ =	shalt  }
0x43: {  	_ =	shalt  }
0x44: {  	_ =	shalt  }
0x45: {  	_ =	shalt  }
0x46: {  	_ =	shalt  }
0x47: {  	_ =	shalt  }
0x48: {  	_ =	shalt  }
0x49: {  	_ =	shalt  }
0x4a: {  	_ =	shalt  }
0x4b: {  	_ =	shalt  }
0x4c: {  	_ =	shalt  }
0x4d: {  	_ =	shalt  }
0x4e: {  	_ =	shalt  }
0x4f: {  	_ =	shalt  }
0x50: {  	_ =	shalt  }
0x51: {  	_ =	shalt  }
0x52: {  	_ =	shalt  }
0x53: {  	_ =	shalt  }
0x54: {  	_ =	shalt  }
0x55: {  	_ =	shalt  }
0x56: {  	_ =	shalt  }
0x57: {  	_ =	shalt  }
0x58: {  	_ =	shalt  }
0x59: {  	_ =	shalt  }
0x5a: {  	_ =	shalt  }
0x5b: {  	_ =	shalt  }
0x5c: {  	_ =	shalt  }
0x5d: {  	_ =	shalt  }
0x5e: {  	_ =	shalt  }
0x5f: {  	_ =	shalt  }
0x60: {  	_ =	shalt  }
0x61: {  	_ =	shalt  }
0x62: {  	_ =	shalt  }
0x63: {  	_ =	shalt  }
0x64: {  	_ =	shalt  }
0x65: {  	_ =	shalt  }
0x66: {  	_ =	shalt  }
0x67: {  	_ =	shalt  }
0x68: {  	_ =	shalt  }
0x69: {  	_ =	shalt  }
0x6a: {  	_ =	shalt  }
0x6b: {  	_ =	shalt  }
0x6c: {  	_ =	shalt  }
0x6d: {  	_ =	shalt  }
0x6e: {  	_ =	shalt  }
0x6f: {  	_ =	shalt  }
0x70: {  	_ =	shalt  }
0x71: {  	_ =	shalt  }
0x72: {  	_ =	shalt  }
0x73: {  	_ =	shalt  }
0x74: {  	_ =	shalt  }
0x75: {  	_ =	shalt  }
0x76: {  	_ =	shalt  }
0x77: {  	_ =	shalt  }
0x78: {  	_ =	shalt  }
0x79: {  	_ =	shalt  }
0x7a: {  	_ =	shalt  }
0x7b: {  	_ =	shalt  }
0x7c: {  	_ =	shalt  }
0x7d: {  	_ =	shalt  }
0x7e: {  	_ =	shalt  }
0x7f: {  	_ =	shalt  }
0x80: {  	_ =	shalt  }
0x81: {  	_ =	shalt  }
0x82: {  	_ =	shalt  }
0x83: {  	_ =	shalt  }
0x84: {  	_ =	shalt  }
0x85: {  	_ =	shalt  }
0x86: {  	_ =	shalt  }
0x87: {  	_ =	shalt  }
.Lfunc_end0:
.L_simem_size_0:
called_computation_lowered:
.L_overlay_start_0:
0x88: {  	s2 =	sld [smem:$0x3FD9]  }
0x89: {  	s3 =	sld [smem:$0x3FFE];
	_ =	sdelay $0x1  }
0x8a: {  	s1 =	srdreg.scid  }
0x8b: {  	s0 =	sand.u32 $0x1, s1  }
0x8c: {  	s16 =	sshll.u32 s0, $0xA;
	s2 =	sadd.s32 s3, s2  }
0x8d: {  	s2 =	sadd.s32 s2, s16  }
0x8e: {  	[smem:$0x3FB9] =	sst s2  }
0x8f: {  	_ = 	snop  }
0x90: {  	(tm) =	ssettm $0x1  }
0x91: {  	s17 =	sld [smem:$0x3FFB];
	_ =	sdelay $0x3  }
0x92: {  	_ =	strace s17  }
0x93: {  	s2 =	sld [smem:$0x3FFC];
	_ =	sdelay $0x3  }
0x94: {  	_ =	strace s2  }
0x95: {  	s2 =	sld [smem:$0x3FFD];
	_ =	sdelay $0x3  }
0x96: {  	_ =	strace s2  }
0x97: {  	_ =	strace $0x8FFFFFFF  }
0x98: {  	s18 =	sld [smem:$0x3FDB];
	_ =	sdelay $0x1  }
0x99: {  	s19 =	simm.s32 $_scs_section_size  }
0x9a: {  	s4 =	simm.s32 $_size__tile_overlayer_lowered;
	s5 =	simm.s32 $_tile_overlayer_lowered  }
0x9b: {  	s22 =	simm.s32 $0x1BFF;
	s21 =	sshll.u32 s5, $0x1;
	s2 =	sadd.s32 s19, s18  }
0x9c: {  	s6 =	simm.s32 $0x0;
	s20 =	sshll.u32 s4, $0x1;
	s4 =	sadd.s32 s21, s2  }
0x9d: {  	[timem:s6], [sflag:s22] =	dma.local [hbm:s4], s20  }
0x9e: {  	_ =	swait.ge [sflag:s22], s20  }
0x9f: {  	s3 =	ssub.s32 $0x0, s20;
	[sflag:s22] =	ssyncset.done $0x0  }
0xa0: {  	[sflag:s22] =	ssyncadd.s32 s3;
	_ =	sdelay $0x1  }
0xa1: {  	s23 =	simm.s32 $0x1B8B  }
0xa2: {  	_ =	swait.ge [sflag:s23], $0x1  }
0xa3: {  	[sflag:s23] =	ssyncset.done $0x0  }
0xa4: {  	s25 =	simm.s32 $0x1B8E;
	s24 =	sld [smem:$0x3FFE];
	[sflag:s23] =	ssyncadd.s32 $0xFFFFFFFF  }
0xa5: {  	s26 =	simm.s32 $execute0_lowered;
	[smem:$0x3FD2] =	sst s25  }
0xa6: {  	s4 =	sshll.u32 s26, $0x1;
	_ =	strace $0x80000046;
	[dreg:$0x1] =	wrdreg $0xFFFFFFFF  }
0xa7: {  	s28 =	simm.s32 $_size_execute0_lowered;
	s2 =	sadd.s32 s2, s4;
	[dreg:$0x0] =	wrdreg $0x0  }
0xa8: {  	s4 =	sshll.u32 s28, $0x1;
	[dreg:$0x2] =	wrdreg s2  }
0xa9: {  	[dreg:$0x3] =	wrdreg s4  }
0xaa: {  	[dreg:$0x4] =	wrdreg $0xC0  }
0xab: {  	_ =	task [dreg:s6], $0x5FFFF  }
0xac: {  	[dreg:$0x1] =	wrdreg $0xFFFFFFFF  }
0xad: {  	[dreg:$0x0] =	wrdreg $0x60  }
0xae: {  	[dreg:$0x2] =	wrdreg s24  }
0xaf: {  	[dreg:$0x3] =	wrdreg $0xD6E00  }
0xb0: {  	[dreg:$0x4] =	wrdreg $0x9  }
0xb1: {  	_ =	task.clear_ibuf [dreg:s6], $0x5FFFF;
	_ =	strace $0x90000046  }
0xb2: {  	s29 =	simm.s32 $0x9;
	_ =	strace $0x80000048  }
0xb3: {  	_ =	swait.ge [sflag:s29], $0x1  }
0xb4: {  	[sflag:s29] =	ssyncadd.s32 $0xFFFFFFFF  }
0xb5: {  	_ =	strace $0x90000048  }
0xb6: {  	_ =	sfence  }
0xb7: {  	s30 =	sld [smem:$0x0];
	_ =	sdelay $0x2  }
0xb8: {  	s31 =	sshll.u32 s1, $0xD;
	s1 =	sshrl.u32 s1, $0x2  }
0xb9: {  	s3 =	sand.u32 $0x4000, s31;
	s1 =	sadd.s32 s1, s30  }
0xba: {  	s0 =	sor.u32 s3, s0;
	s1 =	sshll.u32 s1, $0x11  }
0xbb: {  	s0 =	sor.u32 s1, s0  }
0xbc: {  	s0 =	sadd.s32 $0x8F2B, s0  }
0xbd: {  	[sflag:s0] =	ssyncadd.remote.s32 $0x1  }
0xbe: {  	_ =	sfence.sel $0xFFFF  }
0xbf: {  	[dreg:$0x0] =	wrdreg $0xFFFFFFFF;
	(pc) =	sbr.abs _section_cstart, $3  }
0xc0: {  	[dreg:$0x1] =	wrdreg $0xFFFFFFFF  }
0xc1: {  	_ =	task.clear_ibuf [dreg:s6], $0x2FFFF;
	_ =	strace $0x9FFFFFFF  }
0xc2: {  	(tm) =	ssettm $0x7FFFFFFF  }
0xc3: {  	_ =	shalt  }
tec
execute0_lowered:
.L_overlay_start_1:
0x0: {  	(tag) =	ssettag $0x1  }
0x1: {  	s0 =	rddreg [dreg:$0x0]  }
0x2: {  	s2 =	rddreg [dreg:$0x1]  }
0x3: {  	s7 =	stileid.u32;
	s4 =	srdreg.scid;
	s3 =	simm.s32 $0x0  }
0x4: {  	s28 =	simm.s32 $0xA580;
	s29 =	simm.s32 $0x1;
	s30 =	simm.s32 $0x50  }
0x5: {  	s31 =	simm.s32 $0xADF0;
	s9 =	simm.s32 $0x0;
	s1 =	smul.u32 $0x9C4, s7  }
0x6: {  	s4 =	sand.u32 $0x1, s4;
	s5 =	smul.u32 $0x320, s7;
	[smem:$0x7FF] =	sst s3  }
0x7: {  	s8 =	sadd.s32 $0x5A600, s0;
	s11 =	sadd.s32 $0x5A000, s0;
	s12 =	sadd.s32 $0x5AC00, s0  }
0x8: {  	s14 =	smul.u32 $0x32000, s7;
	_ =	strace $0x80000047;
	[dreg:$0x3] =	wrdreg s8  }
0x9: {  	s7 =	sadd.s32 $0x29000, s0;
	[dreg:$0x4] =	wrdreg s11;
	s1 =	sadd.s32 s1, s0  }
0xa: {  	[dreg:$0x5] =	wrdreg s12;
	s16 =	sshrl.u32 s14, $0x2;
	s1 =	sadd.s32 $0x50200, s1  }
0xb: {  	s6 =	smul.u32 $0x3200, s4;
	s12 =	sadd.s32 s16, s2;
	[dreg:$0x6] =	wrdreg s1  }
0xc: {  	s13 =	ssub.s32 $0x2, s4;
	s18 =	sadd.s32 $0x1400, s12;
	[dreg:$0x8] =	wrdreg s12  }
0xd: {  	s4 =	smul.u32 $0x2710, s4;
	s19 =	sadd.s32 $0x2800, s12;
	[dreg:$0xa] =	wrdreg s18  }
0xe: {  	s15 =	sshrl.u32 s13, $0x1;
	s20 =	sadd.s32 $0x3C00, s12;
	[dreg:$0xb] =	wrdreg s19  }
0xf: {  	s5 =	sadd.s32 s5, s6;
	s21 =	sadd.s32 $0x5000, s12;
	[dreg:$0xc] =	wrdreg s20  }
0x10: {  	v0 =	vmov s4;
	s4 =	simm.s32 $0xADA0;
	s22 =	sadd.s32 $0x6400, s12;
	[dreg:$0xd] =	wrdreg s21  }
0x11: {  	s6 =	simm.s32 $0xAE90;
	s23 =	sadd.s32 $0x7800, s12;
	[dreg:$0xe] =	wrdreg s22  }
0x12: {  	s5 =	sshll.u32 s5, $0x3;
	s24 =	sadd.s32 $0x8C00, s12;
	[dreg:$0xf] =	wrdreg s23  }
0x13: {  	s25 =	sadd.s32 $0xA000, s12;
	s26 =	sadd.s32 $0xB400, s12;
	[dreg:$0x10] =	wrdreg s24  }
0x14: {  	s1 =	simm.s32 $0x3;
	s0 =	sadd.s32 s5, s0;
	[dreg:$0x11] =	wrdreg s25  }
.Ltmp0:
0x15: {  	s5 =	ssub.s32 s13, s15;
	[dreg:$0x12] =	wrdreg s26;
	(pc) =	sbr.rel .LBB2_1-.Ltmp0, $4  }
0x16: {  	s13 =	simm.s32 $0x5;
	s22 =	simm.s32 $0x2710;
	s23 =	simm.s32 $0x4E20  }
0x17: {  	s25 =	simm.s32 $0xAEE0;
	s26 =	simm.s32 $0x9D60;
	s0 =	sadd.s32 $0x5AE00, s0  }
0x18: {  	s24 =	simm.s32 $0xAE40;
	s17 =	smax.u32 s5, $0x1;
	[dreg:$0x7] =	wrdreg s0  }
0x19: {  	v1 =	vimm.f32 $0.0e+00;
	v2 =	vimm.s32 $0x0;
	v3 =	vlaneseq.u32;
	s5 =	simm.s32 $0x2;
	[dreg:$0x9] =	wrdreg s17;
	s0 =	simm.s32 $0xC2E0  }
.LBB2_17:
0x1a: {  	s8 =	stileid.u32;
	[bflag:$0x0] =	sbarrier.arrive $0xFFFF  }
0x1b: {  	s13 =	simm.s32 $0x5;
	s8 =	sshll.u32 s8, $0x6;
	s12 =	rddreg [dreg:$0x8]  }
0x1c: {  	s10 =	rddreg [dreg:$0x7];
	s8 =	sor.u32 $0x1C05, s8;
	s9 =	sshrl.u32 s12, $0x3  }
0x1d: {  	[hbm:s10], [sflag:s8] =	dma.local [spmem:s9], $0x1900  }
0x1e: {  	_ =	swait.ge [sflag:s13], $0x1900  }
0x1f: {  	s20 =	rddreg [dreg:$0x13]  }
0x20: {  	s21 =	rddreg [dreg:$0x9];
	s9 =	sadd.s32 $0x1, s20  }
0x21: {  	p0 =	sne.s32 s9, s21  }
.Ltmp1:
0x22: {  	_ = 	snop;
	(pc) =	sbr.rel @!p0 .LBB2_18-.Ltmp1, $3  }
0x23: {  	_ =	sdelay $0x1  }
0x24: {  	[sflag:s13] =	ssyncset.done $0x0  }
0x25: {  	[sflag:s13] =	ssyncadd.s32 $0xFFFFE700  }
.LBB2_1:
0x26: {  	[dreg:$0x13] =	wrdreg s9  }
0x27: {  	s8 =	rddreg [dreg:$0x3]  }
0x28: {  	[tilespmem:s3], [sflag:$0x5] =	stream.linear.gather [hbm4b:s8+s3], $0x2710, $0x38;
	[tilespmem:$0x19EE0] =	vst v63  }
0x29: {  	_ =	swait.ge [sflag:s13], $0x2710  }
0x2a: {  	[sflag:s13] =	ssyncset.done $0x0  }
0x2b: {  	s18 =	rddreg [dreg:$0x4];
	[sflag:s13] =	ssyncadd.s32 $0xFFFFD8F0  }
0x2c: {  	[tilespmem:s22], [sflag:$0x5] =	stream.linear.gather [hbm4b:s18+s3], $0x2710, $0x38;
	[tilespmem:$0x19EE0] =	vst v63  }
0x2d: {  	_ =	swait.ge [sflag:s13], $0x2710  }
0x2e: {  	[sflag:s13] =	ssyncset.done $0x0  }
0x2f: {  	s19 =	rddreg [dreg:$0x5];
	[sflag:s13] =	ssyncadd.s32 $0xFFFFD8F0  }
0x30: {  	[tilespmem:s23], [sflag:$0x5] =	stream.linear.gather [hbm4b:s19+s3], $0x120, $0x38;
	[tilespmem:$0x19EE0] =	vst v63  }
0x31: {  	_ =	swait.ge [sflag:s13], $0x120  }
0x32: {  	[sflag:s13] =	ssyncset.done $0x0  }
0x33: {  	s21 =	simm.s32 $0x4F40;
	s20 =	rddreg [dreg:$0x6];
	[sflag:s13] =	ssyncadd.s32 $0xFFFFFEE0  }
0x34: {  	[tilespmem:s21], [sflag:$0x5] =	stream.linear.gather [hbm4b:s20+s3], $0x4E20, $0x38;
	[tilespmem:$0x19EE0] =	vst v63  }
0x35: {  	_ =	swait.ge [sflag:s13], $0x4E20  }
0x36: {  	[sflag:s13] =	ssyncset.done $0x0  }
0x37: {  	s10 =	simm.s32 $0x100;
	s9 =	simm.s32 $0x0;
	[sflag:s13] =	ssyncadd.s32 $0xFFFFB1E0  }
.LBB2_2:
0x38: {  	p0 =	sne.s32 s10, $0x4F00;
	[tilespmem:s9+$0xAF10] =	vst v1;
	s11 =	smov.u32 s10;
	s10 =	sadd.s32 $0x100, s10  }
.Ltmp2:
0x39: {  	[tilespmem:s9+$0xAF00] =	vst v1;
	(pc) =	sbr.rel @p0 .LBB2_2-.Ltmp2, $3  }
0x3a: {  	[tilespmem:s9+$0xAEE0] =	vst v1  }
0x3b: {  	[tilespmem:s9+$0xAEF0] =	vst v1;
	_ =	sdelay $0x1  }
0x3c: {  	s9 =	sshra.s32 s11, $0x2  }
0x3d: {  	[tilespmem:s9+$0xAF10] =	vst v1  }
0x3e: {  	[tilespmem:s9+$0xAF00] =	vst v1  }
0x3f: {  	[tilespmem:s9+$0xAEE0] =	vst v1  }
0x40: {  	[tilespmem:s9+$0xAEF0] =	vst v1  }
0x41: {  	[spmem:s12] =	stream.linear.scatter [tilespmem:s25], [sflag:$0x5], $0x1400, $0x38;
	[tilespmem:$0x19EE0] =	vst v63  }
0x42: {  	_ =	swait.ge [sflag:s13], $0x1400  }
0x43: {  	[sflag:s13] =	ssyncset.done $0x0  }
0x44: {  	s8 =	rddreg [dreg:$0xa];
	[sflag:s13] =	ssyncadd.s32 $0xFFFFEC00  }
0x45: {  	[spmem:s8] =	stream.linear.scatter [tilespmem:s25], [sflag:$0x5], $0x1400, $0x38;
	[tilespmem:$0x19EE0] =	vst v63  }
0x46: {  	_ =	swait.ge [sflag:s13], $0x1400  }
0x47: {  	[sflag:s13] =	ssyncset.done $0x0  }
0x48: {  	s14 =	rddreg [dreg:$0xb];
	[sflag:s13] =	ssyncadd.s32 $0xFFFFEC00  }
0x49: {  	[spmem:s14] =	stream.linear.scatter [tilespmem:s25], [sflag:$0x5], $0x1400, $0x38;
	[tilespmem:$0x19EE0] =	vst v63  }
0x4a: {  	_ =	swait.ge [sflag:s13], $0x1400  }
0x4b: {  	[sflag:s13] =	ssyncset.done $0x0  }
0x4c: {  	s15 =	rddreg [dreg:$0xc];
	[sflag:s13] =	ssyncadd.s32 $0xFFFFEC00  }
0x4d: {  	[spmem:s15] =	stream.linear.scatter [tilespmem:s25], [sflag:$0x5], $0x1400, $0x38;
	[tilespmem:$0x19EE0] =	vst v63  }
0x4e: {  	_ =	swait.ge [sflag:s13], $0x1400  }
0x4f: {  	[sflag:s13] =	ssyncset.done $0x0  }
0x50: {  	s16 =	rddreg [dreg:$0xd];
	[sflag:s13] =	ssyncadd.s32 $0xFFFFEC00  }
0x51: {  	[spmem:s16] =	stream.linear.scatter [tilespmem:s25], [sflag:$0x5], $0x1400, $0x38;
	[tilespmem:$0x19EE0] =	vst v63  }
0x52: {  	_ =	swait.ge [sflag:s13], $0x1400  }
0x53: {  	[sflag:s13] =	ssyncset.done $0x0  }
0x54: {  	s17 =	rddreg [dreg:$0xe];
	[sflag:s13] =	ssyncadd.s32 $0xFFFFEC00  }
0x55: {  	[spmem:s17] =	stream.linear.scatter [tilespmem:s25], [sflag:$0x5], $0x1400, $0x38;
	[tilespmem:$0x19EE0] =	vst v63  }
0x56: {  	_ =	swait.ge [sflag:s13], $0x1400  }
0x57: {  	[sflag:s13] =	ssyncset.done $0x0  }
0x58: {  	s18 =	rddreg [dreg:$0xf];
	[sflag:s13] =	ssyncadd.s32 $0xFFFFEC00  }
0x59: {  	[spmem:s18] =	stream.linear.scatter [tilespmem:s25], [sflag:$0x5], $0x1400, $0x38;
	[tilespmem:$0x19EE0] =	vst v63  }
0x5a: {  	_ =	swait.ge [sflag:s13], $0x1400  }
0x5b: {  	[sflag:s13] =	ssyncset.done $0x0  }
0x5c: {  	s19 =	rddreg [dreg:$0x10];
	[sflag:s13] =	ssyncadd.s32 $0xFFFFEC00  }
0x5d: {  	[spmem:s19] =	stream.linear.scatter [tilespmem:s25], [sflag:$0x5], $0x1400, $0x38;
	[tilespmem:$0x19EE0] =	vst v63  }
0x5e: {  	_ =	swait.ge [sflag:s13], $0x1400  }
0x5f: {  	[sflag:s13] =	ssyncset.done $0x0  }
0x60: {  	s20 =	rddreg [dreg:$0x11];
	[sflag:s13] =	ssyncadd.s32 $0xFFFFEC00  }
0x61: {  	[spmem:s20] =	stream.linear.scatter [tilespmem:s25], [sflag:$0x5], $0x1400, $0x38;
	[tilespmem:$0x19EE0] =	vst v63  }
0x62: {  	_ =	swait.ge [sflag:s13], $0x1400  }
0x63: {  	[sflag:s13] =	ssyncset.done $0x0  }
0x64: {  	s21 =	rddreg [dreg:$0x12];
	[sflag:s13] =	ssyncadd.s32 $0xFFFFEC00  }
0x65: {  	[spmem:s21] =	stream.linear.scatter [tilespmem:s25], [sflag:$0x5], $0x1400, $0x38;
	[tilespmem:$0x19EE0] =	vst v63  }
.Ltmp3:
0x66: {  	_ =	swait.ge [sflag:s13], $0x1400;
	(pc) =	sbr.rel .LBB2_4-.Ltmp3, $4  }
0x67: {  	[sflag:s13] =	ssyncset.done $0x0  }
0x68: {  	[sflag:s13] =	ssyncadd.s32 $0xFFFFEC00  }
0x69: {  	[bflag:$0x0] =	sbarrier.arrive $0xFFFF  }
0x6a: {  	s9 =	simm.s32 $0x0;
	s11 =	simm.s32 $0x4F60  }
.LBB2_16:
0x6b: {  	s8 =	sand.u32 @!p0 $0x1, s12  }
0x6c: {  	p1 =	seq.s32 @!p0 s8, $0x1  }
0x6d: {  	s8 =	simm.s32 @!p0 $0x2;
	p1 =	por !p1, p0  }
0x6e: {  	s10 =	simm.s32 @!p0 $0x3;
	s9 =	sadd.s32 $0x1, s9;
	s8 =	simm.s32 @p1 $0x1  }
0x6f: {  	s10 =	simm.s32 @p1 $0x4;
	p1 =	sne.s32 s9, $0xA;
	_ =	swait.ge @!p0 [sflag:s8], $0x1400  }
.Ltmp4:
0x70: {  	[sflag:s8] =	ssyncset.done @!p0 $0x0;
	(pc) =	sbr.rel @!p1 .LBB2_17-.Ltmp4, $4  }
0x71: {  	[sflag:s8] =	ssyncadd.s32 @!p0 $0xFFFFEC00  }
0x72: {  	_ =	swait.ge @!p0 [sflag:s10], $0x1400  }
0x73: {  	[sflag:s10] =	ssyncset.done @!p0 $0x0  }
0x74: {  	s11 =	sadd.s32 $0x7D0, s11;
	[sflag:s10] =	ssyncadd.s32 @!p0 $0xFFFFEC00  }
.LBB2_4:
0x75: {  	v4 =	vmov s11;
	_ =	sdelay $0x2  }
0x76: {  	v5 =	vimm.s32 $0x0;
	s12 =	simm.s32 $0x0  }
.LBB2_5:
0x77: {  	s13 =	sshra.s32 s12, $0x2  }
0x78: {  	v6 =	vld.idx.msk [tilespmem:v4+s13+$0xFFFFFFE0 ss:$0x1], $0xffff;
	_ =	sdelay $0x4  }
0x79: {  	v7 =	vand.u32 $0x3FFF, v6  }
0x7a: {  	v8 =	vshrl.u32 v6, $0xE;
	_ =	sdelay $0x3  }
0x7b: {  	v9 =	vld.idx.msk [tilespmem:v7+s3+$0x0], $0xffff  }
0x7c: {  	v10 =	vld.idx.msk [tilespmem:v8+s3+$0x0], $0xffff  }
0x7d: {  	v7 =	vld.idx.msk [tilespmem:v7+s22+$0x0], $0xffff;
	_ =	sdelay $0x1  }
0x7e: {  	v8 =	vld.idx.msk [tilespmem:v8+s22+$0x0], $0xffff;
	_ =	sdelay $0x1  }
0x7f: {  	v11 =	vand.u32 $0xFFFF, v9;
	v12 =	vand.u32 $0xFFFF, v10;
	v9 =	vshrl.u32 v9, $0x10  }
0x80: {  	v10 =	vshrl.u32 v10, $0x10;
	v25 =	vshrl.u32 v7, $0x10;
	v11 =	vcvt.s32.f32 v11  }
0x81: {  	v7 =	vand.u32 $0xFFFF, v7;
	v12 =	vcvt.s32.f32 v12;
	v9 =	vcvt.s32.f32 v9  }
0x82: {  	v8 =	vand.u32 $0xFFFF, v8;
	v10 =	vcvt.s32.f32 v10;
	v7 =	vcvt.s32.f32 v7  }
0x83: {  	v8 =	vcvt.s32.f32 v8;
	v11 =	vsub.f32 v12, v11;
	v12 =	vmul.u32 $0x9, v25  }
0x84: {  	v9 =	vsub.f32 v10, v9  }
0x85: {  	v7 =	vsub.f32 v8, v7;
	v27 =	vadd.s32 $0x3, v12  }
0x86: {  	v11 =	vmul.f32 $1.525878910e-05, v11;
	v9 =	vmul.f32 $1.525878910e-05, v9;
	v28 =	vadd.s32 $0x1, v12  }
0x87: {  	v29 =	vadd.s32 $0x6, v12;
	v16 =	vadd.s32 $0x4, v12;
	v19 =	vadd.s32 $0x2, v12  }
0x88: {  	v31 =	vadd.s32 $0x7, v12;
	v20 =	vadd.s32 $0x5, v12;
	v21 =	vadd.s32 $0x8, v12  }
0x89: {  	v7 =	vmul.f32 $1.525878910e-05, v7;
	v21 =	vand.u32 $0x1FFFF8, v21;
	v13 =	vadd.f32 $1.000000000e+00, v11;
	v15 =	vld.idx.msk [tilespmem:v12+s23+$0x0], $0xffff  }
0x8a: {  	v14 =	vadd.f32 $-1.000000000e+00, v11;
	vm0 =	vlt.f32 v11, $-5.000000000e-01;
	vm1 =	vgt.f32 v11, $5.000000000e-01;
	v30 =	vld.idx.msk [tilespmem:v27+s23+$0x0], $0xffff  }
0x8b: {  	v17 =	vadd.f32 $-1.000000000e+00, v9;
	v18 =	vadd.f32 $1.000000000e+00, v9;
	v26 =	vsel vm0, v13, v11;
	v13 =	vld.idx.msk [tilespmem:v28+s23+$0x0], $0xffff  }
0x8c: {  	vm7 =	vlt.f32 v9, $-5.000000000e-01;
	v12 =	vand.u32 $0x7, v12;
	v10 =	vsel vm1, v14, v26;
	v14 =	vld.idx.msk [tilespmem:v29+s23+$0x0], $0xffff  }
0x8d: {  	vm8 =	vgt.f32 v9, $5.000000000e-01;
	v36 =	vadd.f32 $1.000000000e+00, v7;
	v12 =	vor.u32 v12, v21;
	v19 =	vld.idx.msk [tilespmem:v19+s23+$0x0], $0xffff  }
0x8e: {  	v35 =	vadd.f32 $-1.000000000e+00, v7;
	vm9 =	vlt.f32 v7, $-5.000000000e-01;
	vm10 =	vgt.f32 v7, $5.000000000e-01;
	v33 =	vld.idx.msk [tilespmem:v16+s23+$0x0], $0xffff  }
0x8f: {  	v18 =	vsel vm7, v18, v9;
	v7 =	vsel vm9, v36, v7;
	v37 =	vld.idx.msk [tilespmem:v20+s23+$0x0], $0xffff;
	v32 =	vmul.f32 v10, v15  }
0x90: {  	v34 =	vsel vm8, v17, v18;
	v11 =	vld.idx.msk [tilespmem:v31+s23+$0x0], $0xffff;
	v7 =	vsel vm10, v35, v7  }
0x91: {  	v8 =	vmul.f32 v34, v30;
	v13 =	vmul.f32 v10, v13;
	v9 =	vadd.f32 $0.0e+00, v32  }
0x92: {  	v38 =	vmul.f32 v7, v14;
	v12 =	vld.idx.msk [tilespmem:v12+s23+$0x0], $0xffff;
	v10 =	vmul.f32 v19, v10  }
0x93: {  	v39 =	vmul.f32 v33, v34;
	v13 =	vadd.f32 $0.0e+00, v13;
	v8 =	vadd.f32 v9, v8  }
0x94: {  	v41 =	vmul.f32 v37, v34;
	v10 =	vadd.f32 $0.0e+00, v10  }
0x95: {  	v11 =	vmul.f32 v7, v11;
	v40 =	vadd.f32 v13, v39;
	v8 =	vadd.f32 v38, v8  }
0x96: {  	v10 =	vadd.f32 v41, v10  }
0x97: {  	v7 =	vmul.f32 v12, v7;
	v9 =	vadd.f32 v11, v40;
	v8 =	vmul.f32 v8, v8;
	_ =	sdelay $0x1  }
0x98: {  	v7 =	vadd.f32 v7, v10;
	v9 =	vmul.f32 v9, v9;
	v8 =	vadd.f32 $9.999999960e-13, v8;
	_ =	sdelay $0x1  }
0x99: {  	v7 =	vmul.f32 v7, v7;
	v8 =	vadd.f32 v8, v9;
	_ =	sdelay $0x1  }
0x9a: {  	v7 =	vadd.f32 v7, v8;
	_ =	sdelay $0x1  }
0x9b: {  	vm11 =	vlt.f32 v7, $1.600000000e+01  }
0x9c: {  	v42 =	vsel vm11, $0x1, v2  }
0x9d: {  	v7 =	vmul.f32 $-6.250000000e-02, v7;
	(xrf0) =	vadd.scan.msk.s32 $0xffff, v42;
	_ =	sdelay $0x1  }
0x9e: {  	v7 =	vmul.f32 $1.442695020e+00, v7;
	_ =	sdelay $0x1  }
0x9f: {  	(erf) = vpow2.f32 v7;
	_ =	sdelay $0x1  }
0xa0: {  	v7, _, _ =	vpop (xrf0)  }
0xa1: {  	v7 =	vadd.s32 v7, v5  }
0xa2: {  	v7 =	vadd.s32 $0xFFFFFFFF, v7;
	_ =	sdelay $0x4  }
0xa3: {  	v43 =	vpop (erf);
	[tilespmem:v7+s26+$0x0] =	vst.idx.msk vm11, v6  }
0xa4: {  	[tilespmem:v7+s28+$0x0] =	vst.idx.msk vm11, v43  }
0xa5: {  	v6 =	vld.idx.msk [tilespmem:v4+s13+$0xFFFFFFF0 ss:$0x1], $0xffff;
	_ =	sdelay $0x4  }
0xa6: {  	v7 =	vand.u32 $0x3FFF, v6  }
0xa7: {  	v44 =	vshrl.u32 v6, $0xE;
	_ =	sdelay $0x3  }
0xa8: {  	v45 =	vld.idx.msk [tilespmem:v7+s3+$0x0], $0xffff  }
0xa9: {  	v46 =	vld.idx.msk [tilespmem:v44+s3+$0x0], $0xffff  }
0xaa: {  	v7 =	vld.idx.msk [tilespmem:v7+s22+$0x0], $0xffff;
	_ =	sdelay $0x1  }
0xab: {  	v8 =	vld.idx.msk [tilespmem:v44+s22+$0x0], $0xffff;
	_ =	sdelay $0x1  }
0xac: {  	v47 =	vand.u32 $0xFFFF, v45;
	v48 =	vand.u32 $0xFFFF, v46;
	v9 =	vshrl.u32 v45, $0x10  }
0xad: {  	v10 =	vshrl.u32 v46, $0x10;
	v49 =	vshrl.u32 v7, $0x10;
	v11 =	vcvt.s32.f32 v47  }
0xae: {  	v7 =	vand.u32 $0xFFFF, v7;
	v12 =	vcvt.s32.f32 v48;
	v9 =	vcvt.s32.f32 v9  }
0xaf: {  	v8 =	vand.u32 $0xFFFF, v8;
	v10 =	vcvt.s32.f32 v10;
	v7 =	vcvt.s32.f32 v7  }
0xb0: {  	v8 =	vcvt.s32.f32 v8;
	v11 =	vsub.f32 v12, v11;
	v12 =	vmul.u32 $0x9, v49  }
0xb1: {  	v9 =	vsub.f32 v10, v9  }
0xb2: {  	v7 =	vsub.f32 v8, v7;
	v11 =	vmul.f32 $1.525878910e-05, v11;
	v53 =	vadd.s32 $0x3, v12  }
0xb3: {  	v9 =	vmul.f32 $1.525878910e-05, v9;
	v54 =	vadd.s32 $0x1, v12;
	v55 =	vadd.s32 $0x6, v12  }
0xb4: {  	v57 =	vadd.s32 $0x4, v12;
	v60 =	vadd.s32 $0x2, v12;
	v62 =	vadd.s32 $0x7, v12  }
0xb5: {  	v63 =	vadd.s32 $0x5, v12;
	v24 =	vadd.s32 $0x8, v12;
	v7 =	vmul.f32 $1.525878910e-05, v7  }
0xb6: {  	v21 =	vand.u32 $0x1FFFF8, v24;
	v50 =	vadd.f32 $1.000000000e+00, v11;
	v51 =	vadd.f32 $-1.000000000e+00, v11;
	v56 =	vld.idx.msk [tilespmem:v12+s23+$0x0], $0xffff  }
0xb7: {  	vm12 =	vlt.f32 v11, $-5.000000000e-01;
	vm13 =	vgt.f32 v11, $5.000000000e-01;
	v58 =	vadd.f32 $-1.000000000e+00, v9;
	v61 =	vld.idx.msk [tilespmem:v53+s23+$0x0], $0xffff  }
0xb8: {  	v59 =	vadd.f32 $1.000000000e+00, v9;
	vm14 =	vlt.f32 v9, $-5.000000000e-01;
	vm15 =	vgt.f32 v9, $5.000000000e-01;
	v13 =	vld.idx.msk [tilespmem:v54+s23+$0x0], $0xffff  }
0xb9: {  	v28 =	vadd.f32 $-1.000000000e+00, v7;
	v29 =	vadd.f32 $1.000000000e+00, v7;
	v12 =	vand.u32 $0x7, v12;
	v14 =	vld.idx.msk [tilespmem:v55+s23+$0x0], $0xffff  }
0xba: {  	vm4 =	vlt.f32 v7, $-5.000000000e-01;
	v52 =	vsel vm12, v50, v11;
	v12 =	vor.u32 v12, v21;
	v19 =	vld.idx.msk [tilespmem:v60+s23+$0x0], $0xffff  }
0xbb: {  	vm5 =	vgt.f32 v7, $5.000000000e-01;
	v18 =	vsel vm14, v59, v9;
	v10 =	vsel vm13, v51, v52;
	v26 =	vld.idx.msk [tilespmem:v57+s23+$0x0], $0xffff  }
0xbc: {  	v27 =	vsel vm15, v58, v18;
	v18 =	vsel vm4, v29, v7;
	v30 =	vld.idx.msk [tilespmem:v63+s23+$0x0], $0xffff;
	v25 =	vmul.f32 v10, v56  }
0xbd: {  	v11 =	vld.idx.msk [tilespmem:v62+s23+$0x0], $0xffff;
	v17 =	vsel vm5, v28, v18  }
0xbe: {  	v8 =	vmul.f32 v27, v61;
	v7 =	vmul.f32 v10, v13;
	v9 =	vadd.f32 $0.0e+00, v25  }
0xbf: {  	v31 =	vmul.f32 v17, v14;
	v12 =	vld.idx.msk [tilespmem:v12+s23+$0x0], $0xffff;
	v10 =	vmul.f32 v19, v10  }
0xc0: {  	v32 =	vmul.f32 v26, v27;
	v7 =	vadd.f32 $0.0e+00, v7;
	v8 =	vadd.f32 v9, v8  }
0xc1: {  	v34 =	vmul.f32 v30, v27;
	v10 =	vadd.f32 $0.0e+00, v10  }
0xc2: {  	v33 =	vmul.f32 v17, v11;
	v7 =	vadd.f32 v7, v32;
	v8 =	vadd.f32 v31, v8  }
0xc3: {  	v35 =	vadd.f32 v34, v10  }
0xc4: {  	v36 =	vmul.f32 v12, v17;
	v7 =	vadd.f32 v33, v7;
	v8 =	vmul.f32 v8, v8;
	_ =	sdelay $0x1  }
0xc5: {  	v9 =	vadd.f32 v36, v35;
	v7 =	vmul.f32 v7, v7;
	v8 =	vadd.f32 $9.999999960e-13, v8;
	_ =	sdelay $0x1  }
0xc6: {  	v37 =	vmul.f32 v9, v9;
	v7 =	vadd.f32 v8, v7;
	_ =	sdelay $0x1  }
0xc7: {  	v7 =	vadd.f32 v37, v7;
	_ =	sdelay $0x1  }
0xc8: {  	vm6 =	vlt.f32 v7, $1.600000000e+01  }
0xc9: {  	v38 =	vsel vm6, $0x1, v2  }
0xca: {  	v7 =	vmul.f32 $-6.250000000e-02, v7;
	(xrf0) =	vadd.scan.msk.s32 $0xffff, v38;
	_ =	sdelay $0x1  }
0xcb: {  	v7 =	vmul.f32 $1.442695020e+00, v7;
	_ =	sdelay $0x1  }
0xcc: {  	v39 =	vmpcnt.ones.xlane vm11;
	(erf) = vpow2.f32 v7;
	_ =	sdelay $0x1  }
0xcd: {  	v5 =	vadd.s32 v5, v39;
	v7, _, _ =	vpop (xrf0)  }
0xce: {  	v7 =	vadd.s32 v7, v5  }
0xcf: {  	v7 =	vadd.s32 $0xFFFFFFFF, v7;
	_ =	sdelay $0x4  }
0xd0: {  	v40 =	vpop (erf);
	[tilespmem:v7+s26+$0x0] =	vst.idx.msk vm6, v6  }
0xd1: {  	[tilespmem:v7+s28+$0x0] =	vst.idx.msk vm6, v40  }
0xd2: {  	v6 =	vld.idx.msk [tilespmem:v4+s13+$0x0 ss:$0x1], $0xffff;
	_ =	sdelay $0x4  }
0xd3: {  	v7 =	vand.u32 $0x3FFF, v6  }
0xd4: {  	v41 =	vshrl.u32 v6, $0xE;
	_ =	sdelay $0x3  }
0xd5: {  	v42 =	vld.idx.msk [tilespmem:v7+s3+$0x0], $0xffff  }
0xd6: {  	v43 =	vld.idx.msk [tilespmem:v41+s3+$0x0], $0xffff  }
0xd7: {  	v7 =	vld.idx.msk [tilespmem:v7+s22+$0x0], $0xffff;
	_ =	sdelay $0x1  }
0xd8: {  	v8 =	vld.idx.msk [tilespmem:v41+s22+$0x0], $0xffff;
	_ =	sdelay $0x1  }
0xd9: {  	v44 =	vand.u32 $0xFFFF, v42;
	v45 =	vand.u32 $0xFFFF, v43;
	v9 =	vshrl.u32 v42, $0x10  }
0xda: {  	v10 =	vshrl.u32 v43, $0x10;
	v46 =	vshrl.u32 v7, $0x10;
	v11 =	vcvt.s32.f32 v44  }
0xdb: {  	v7 =	vand.u32 $0xFFFF, v7;
	v12 =	vcvt.s32.f32 v45;
	v9 =	vcvt.s32.f32 v9  }
0xdc: {  	v8 =	vand.u32 $0xFFFF, v8;
	v10 =	vcvt.s32.f32 v10;
	v7 =	vcvt.s32.f32 v7  }
0xdd: {  	v8 =	vcvt.s32.f32 v8;
	v11 =	vsub.f32 v12, v11;
	v12 =	vmul.u32 $0x9, v46  }
0xde: {  	v9 =	vsub.f32 v10, v9  }
0xdf: {  	v7 =	vsub.f32 v8, v7;
	v11 =	vmul.f32 $1.525878910e-05, v11;
	v50 =	vadd.s32 $0x3, v12  }
0xe0: {  	v9 =	vmul.f32 $1.525878910e-05, v9;
	v51 =	vadd.s32 $0x1, v12;
	v52 =	vadd.s32 $0x6, v12  }
0xe1: {  	v54 =	vadd.s32 $0x4, v12;
	v57 =	vadd.s32 $0x2, v12;
	v59 =	vadd.s32 $0x7, v12  }
0xe2: {  	v60 =	vadd.s32 $0x5, v12;
	v61 =	vadd.s32 $0x8, v12;
	v7 =	vmul.f32 $1.525878910e-05, v7  }
0xe3: {  	v21 =	vand.u32 $0x1FFFF8, v61;
	v47 =	vadd.f32 $1.000000000e+00, v11;
	v48 =	vadd.f32 $-1.000000000e+00, v11;
	v53 =	vld.idx.msk [tilespmem:v12+s23+$0x0], $0xffff  }
0xe4: {  	vm7 =	vlt.f32 v11, $-5.000000000e-01;
	vm8 =	vgt.f32 v11, $5.000000000e-01;
	v55 =	vadd.f32 $-1.000000000e+00, v9;
	v58 =	vld.idx.msk [tilespmem:v50+s23+$0x0], $0xffff  }
0xe5: {  	v56 =	vadd.f32 $1.000000000e+00, v9;
	vm9 =	vlt.f32 v9, $-5.000000000e-01;
	vm10 =	vgt.f32 v9, $5.000000000e-01;
	v13 =	vld.idx.msk [tilespmem:v51+s23+$0x0], $0xffff  }
0xe6: {  	v23 =	vadd.f32 $-1.000000000e+00, v7;
	v24 =	vadd.f32 $1.000000000e+00, v7;
	v12 =	vand.u32 $0x7, v12;
	v14 =	vld.idx.msk [tilespmem:v52+s23+$0x0], $0xffff  }
0xe7: {  	vm11 =	vlt.f32 v7, $-5.000000000e-01;
	v49 =	vsel vm7, v47, v11;
	v12 =	vor.u32 v12, v21;
	v19 =	vld.idx.msk [tilespmem:v57+s23+$0x0], $0xffff  }
0xe8: {  	vm12 =	vgt.f32 v7, $5.000000000e-01;
	v18 =	vsel vm9, v56, v9;
	v10 =	vsel vm8, v48, v49;
	v63 =	vld.idx.msk [tilespmem:v54+s23+$0x0], $0xffff  }
0xe9: {  	v22 =	vsel vm10, v55, v18;
	v18 =	vsel vm11, v24, v7;
	v25 =	vld.idx.msk [tilespmem:v60+s23+$0x0], $0xffff;
	v62 =	vmul.f32 v10, v53  }
0xea: {  	v11 =	vld.idx.msk [tilespmem:v59+s23+$0x0], $0xffff;
	v17 =	vsel vm12, v23, v18  }
0xeb: {  	v8 =	vmul.f32 v22, v58;
	v7 =	vmul.f32 v10, v13;
	v9 =	vadd.f32 $0.0e+00, v62  }
0xec: {  	v26 =	vmul.f32 v17, v14;
	v12 =	vld.idx.msk [tilespmem:v12+s23+$0x0], $0xffff;
	v10 =	vmul.f32 v19, v10  }
0xed: {  	v27 =	vmul.f32 v63, v22;
	v7 =	vadd.f32 $0.0e+00, v7;
	v8 =	vadd.f32 v9, v8  }
0xee: {  	v29 =	vmul.f32 v25, v22;
	v10 =	vadd.f32 $0.0e+00, v10  }
0xef: {  	v28 =	vmul.f32 v17, v11;
	v7 =	vadd.f32 v7, v27;
	v8 =	vadd.f32 v26, v8  }
0xf0: {  	v30 =	vadd.f32 v29, v10  }
0xf1: {  	v31 =	vmul.f32 v12, v17;
	v7 =	vadd.f32 v28, v7;
	v8 =	vmul.f32 v8, v8;
	_ =	sdelay $0x1  }
0xf2: {  	v9 =	vadd.f32 v31, v30;
	v7 =	vmul.f32 v7, v7;
	v8 =	vadd.f32 $9.999999960e-13, v8;
	_ =	sdelay $0x1  }
0xf3: {  	v32 =	vmul.f32 v9, v9;
	v7 =	vadd.f32 v8, v7;
	_ =	sdelay $0x1  }
0xf4: {  	v7 =	vadd.f32 v32, v7;
	_ =	sdelay $0x1  }
0xf5: {  	vm13 =	vlt.f32 v7, $1.600000000e+01  }
0xf6: {  	v33 =	vsel vm13, $0x1, v2  }
0xf7: {  	v7 =	vmul.f32 $-6.250000000e-02, v7;
	(xrf0) =	vadd.scan.msk.s32 $0xffff, v33;
	_ =	sdelay $0x1  }
0xf8: {  	v7 =	vmul.f32 $1.442695020e+00, v7;
	_ =	sdelay $0x1  }
0xf9: {  	v34 =	vmpcnt.ones.xlane vm6;
	(erf) = vpow2.f32 v7;
	_ =	sdelay $0x1  }
0xfa: {  	v5 =	vadd.s32 v5, v34;
	v7, _, _ =	vpop (xrf0)  }
0xfb: {  	v7 =	vadd.s32 v7, v5  }
0xfc: {  	v7 =	vadd.s32 $0xFFFFFFFF, v7;
	_ =	sdelay $0x4  }
0xfd: {  	v35 =	vpop (erf);
	[tilespmem:v7+s26+$0x0] =	vst.idx.msk vm13, v6  }
0xfe: {  	[tilespmem:v7+s28+$0x0] =	vst.idx.msk vm13, v35  }
0xff: {  	v6 =	vld.idx.msk [tilespmem:v4+s13+$0x10 ss:$0x1], $0xffff;
	_ =	sdelay $0x4  }
0x100: {  	v7 =	vand.u32 $0x3FFF, v6  }
0x101: {  	v36 =	vshrl.u32 v6, $0xE;
	_ =	sdelay $0x3  }
0x102: {  	v37 =	vld.idx.msk [tilespmem:v7+s3+$0x0], $0xffff  }
0x103: {  	v38 =	vld.idx.msk [tilespmem:v36+s3+$0x0], $0xffff  }
0x104: {  	v7 =	vld.idx.msk [tilespmem:v7+s22+$0x0], $0xffff;
	_ =	sdelay $0x1  }
0x105: {  	v8 =	vld.idx.msk [tilespmem:v36+s22+$0x0], $0xffff;
	_ =	sdelay $0x1  }
0x106: {  	v39 =	vand.u32 $0xFFFF, v37;
	v40 =	vand.u32 $0xFFFF, v38;
	v9 =	vshrl.u32 v37, $0x10  }
0x107: {  	v10 =	vshrl.u32 v38, $0x10;
	v41 =	vshrl.u32 v7, $0x10;
	v11 =	vcvt.s32.f32 v39  }
0x108: {  	v7 =	vand.u32 $0xFFFF, v7;
	v12 =	vcvt.s32.f32 v40;
	v9 =	vcvt.s32.f32 v9  }
0x109: {  	v8 =	vand.u32 $0xFFFF, v8;
	v10 =	vcvt.s32.f32 v10;
	v7 =	vcvt.s32.f32 v7  }
0x10a: {  	v8 =	vcvt.s32.f32 v8;
	v11 =	vsub.f32 v12, v11;
	v12 =	vmul.u32 $0x9, v41  }
0x10b: {  	v9 =	vsub.f32 v10, v9  }
0x10c: {  	v7 =	vsub.f32 v8, v7;
	v11 =	vmul.f32 $1.525878910e-05, v11;
	v45 =	vadd.s32 $0x3, v12  }
0x10d: {  	v9 =	vmul.f32 $1.525878910e-05, v9;
	v46 =	vadd.s32 $0x1, v12;
	v47 =	vadd.s32 $0x6, v12  }
0x10e: {  	v49 =	vadd.s32 $0x4, v12;
	v52 =	vadd.s32 $0x2, v12;
	v54 =	vadd.s32 $0x7, v12  }
0x10f: {  	v55 =	vadd.s32 $0x5, v12;
	v56 =	vadd.s32 $0x8, v12;
	v7 =	vmul.f32 $1.525878910e-05, v7  }
0x110: {  	v21 =	vand.u32 $0x1FFFF8, v56;
	v42 =	vadd.f32 $1.000000000e+00, v11;
	v43 =	vadd.f32 $-1.000000000e+00, v11;
	v48 =	vld.idx.msk [tilespmem:v12+s23+$0x0], $0xffff  }
0x111: {  	vm14 =	vlt.f32 v11, $-5.000000000e-01;
	vm15 =	vgt.f32 v11, $5.000000000e-01;
	v50 =	vadd.f32 $-1.000000000e+00, v9;
	v53 =	vld.idx.msk [tilespmem:v45+s23+$0x0], $0xffff  }
0x112: {  	v51 =	vadd.f32 $1.000000000e+00, v9;
	vm4 =	vlt.f32 v9, $-5.000000000e-01;
	vm5 =	vgt.f32 v9, $5.000000000e-01;
	v13 =	vld.idx.msk [tilespmem:v46+s23+$0x0], $0xffff  }
0x113: {  	v60 =	vadd.f32 $-1.000000000e+00, v7;
	v61 =	vadd.f32 $1.000000000e+00, v7;
	v12 =	vand.u32 $0x7, v12;
	v14 =	vld.idx.msk [tilespmem:v47+s23+$0x0], $0xffff  }
0x114: {  	vm6 =	vlt.f32 v7, $-5.000000000e-01;
	v44 =	vsel vm14, v42, v11;
	v12 =	vor.u32 v12, v21;
	v19 =	vld.idx.msk [tilespmem:v52+s23+$0x0], $0xffff  }
0x115: {  	vm7 =	vgt.f32 v7, $5.000000000e-01;
	v18 =	vsel vm4, v51, v9;
	v10 =	vsel vm15, v43, v44;
	v58 =	vld.idx.msk [tilespmem:v49+s23+$0x0], $0xffff  }
0x116: {  	v59 =	vsel vm5, v50, v18;
	v18 =	vsel vm6, v61, v7;
	v62 =	vld.idx.msk [tilespmem:v55+s23+$0x0], $0xffff;
	v57 =	vmul.f32 v10, v48  }
0x117: {  	v11 =	vld.idx.msk [tilespmem:v54+s23+$0x0], $0xffff;
	v17 =	vsel vm7, v60, v18  }
0x118: {  	v8 =	vmul.f32 v59, v53;
	v7 =	vmul.f32 v10, v13;
	v9 =	vadd.f32 $0.0e+00, v57  }
0x119: {  	v63 =	vmul.f32 v17, v14;
	v12 =	vld.idx.msk [tilespmem:v12+s23+$0x0], $0xffff;
	v10 =	vmul.f32 v19, v10  }
0x11a: {  	v18 =	vmul.f32 v58, v59;
	v7 =	vadd.f32 $0.0e+00, v7;
	v8 =	vadd.f32 v9, v8  }
0x11b: {  	v21 =	vmul.f32 v62, v59;
	v10 =	vadd.f32 $0.0e+00, v10  }
0x11c: {  	v20 =	vmul.f32 v17, v11;
	v7 =	vadd.f32 v7, v18;
	v8 =	vadd.f32 v63, v8  }
0x11d: {  	v22 =	vadd.f32 v21, v10  }
0x11e: {  	v23 =	vmul.f32 v12, v17;
	v7 =	vadd.f32 v20, v7;
	v8 =	vmul.f32 v8, v8;
	_ =	sdelay $0x1  }
0x11f: {  	v9 =	vadd.f32 v23, v22;
	v7 =	vmul.f32 v7, v7;
	v8 =	vadd.f32 $9.999999960e-13, v8;
	_ =	sdelay $0x1  }
0x120: {  	v24 =	vmul.f32 v9, v9;
	v7 =	vadd.f32 v8, v7;
	_ =	sdelay $0x1  }
0x121: {  	v7 =	vadd.f32 v24, v7;
	_ =	sdelay $0x1  }
0x122: {  	vm8 =	vlt.f32 v7, $1.600000000e+01  }
0x123: {  	v25 =	vsel vm8, $0x1, v2  }
0x124: {  	v7 =	vmul.f32 $-6.250000000e-02, v7;
	(xrf0) =	vadd.scan.msk.s32 $0xffff, v25;
	_ =	sdelay $0x1  }
0x125: {  	v7 =	vmul.f32 $1.442695020e+00, v7;
	_ =	sdelay $0x1  }
0x126: {  	v26 =	vmpcnt.ones.xlane vm13;
	(erf) = vpow2.f32 v7;
	_ =	sdelay $0x1  }
0x127: {  	v5 =	vadd.s32 v5, v26;
	v7, _, _ =	vpop (xrf0)  }
0x128: {  	v7 =	vadd.s32 v7, v5  }
0x129: {  	v7 =	vadd.s32 $0xFFFFFFFF, v7;
	_ =	sdelay $0x4  }
0x12a: {  	v27 =	vpop (erf);
	[tilespmem:v7+s26+$0x0] =	vst.idx.msk vm8, v6  }
0x12b: {  	[tilespmem:v7+s28+$0x0] =	vst.idx.msk vm8, v27  }
0x12c: {  	v6 =	vld.idx.msk [tilespmem:v4+s13+$0x20 ss:$0x1], $0xffff;
	_ =	sdelay $0x4  }
0x12d: {  	v7 =	vand.u32 $0x3FFF, v6  }
0x12e: {  	v28 =	vshrl.u32 v6, $0xE;
	_ =	sdelay $0x3  }
0x12f: {  	v29 =	vld.idx.msk [tilespmem:v7+s3+$0x0], $0xffff  }
0x130: {  	v30 =	vld.idx.msk [tilespmem:v28+s3+$0x0], $0xffff  }
0x131: {  	v7 =	vld.idx.msk [tilespmem:v7+s22+$0x0], $0xffff;
	_ =	sdelay $0x1  }
0x132: {  	v8 =	vld.idx.msk [tilespmem:v28+s22+$0x0], $0xffff;
	_ =	sdelay $0x1  }
0x133: {  	v31 =	vand.u32 $0xFFFF, v29;
	v32 =	vand.u32 $0xFFFF, v30;
	v9 =	vshrl.u32 v29, $0x10  }
0x134: {  	v10 =	vshrl.u32 v30, $0x10;
	v33 =	vshrl.u32 v7, $0x10;
	v11 =	vcvt.s32.f32 v31  }
0x135: {  	v7 =	vand.u32 $0xFFFF, v7;
	v12 =	vcvt.s32.f32 v32;
	v9 =	vcvt.s32.f32 v9  }
0x136: {  	v8 =	vand.u32 $0xFFFF, v8;
	v10 =	vcvt.s32.f32 v10;
	v7 =	vcvt.s32.f32 v7  }
0x137: {  	v8 =	vcvt.s32.f32 v8;
	v11 =	vsub.f32 v12, v11;
	v12 =	vmul.u32 $0x9, v33  }
0x138: {  	v9 =	vsub.f32 v10, v9  }
0x139: {  	v7 =	vsub.f32 v8, v7;
	v11 =	vmul.f32 $1.525878910e-05, v11;
	v37 =	vadd.s32 $0x3, v12  }
0x13a: {  	v9 =	vmul.f32 $1.525878910e-05, v9;
	v38 =	vadd.s32 $0x1, v12;
	v39 =	vadd.s32 $0x6, v12  }
0x13b: {  	v41 =	vadd.s32 $0x4, v12;
	v44 =	vadd.s32 $0x2, v12;
	v46 =	vadd.s32 $0x7, v12  }
0x13c: {  	v47 =	vadd.s32 $0x5, v12;
	v48 =	vadd.s32 $0x8, v12;
	v7 =	vmul.f32 $1.525878910e-05, v7  }
0x13d: {  	v21 =	vand.u32 $0x1FFFF8, v48;
	v34 =	vadd.f32 $1.000000000e+00, v11;
	v35 =	vadd.f32 $-1.000000000e+00, v11;
	v40 =	vld.idx.msk [tilespmem:v12+s23+$0x0], $0xffff  }
0x13e: {  	vm9 =	vlt.f32 v11, $-5.000000000e-01;
	vm10 =	vgt.f32 v11, $5.000000000e-01;
	v42 =	vadd.f32 $-1.000000000e+00, v9;
	v45 =	vld.idx.msk [tilespmem:v37+s23+$0x0], $0xffff  }
0x13f: {  	v43 =	vadd.f32 $1.000000000e+00, v9;
	vm11 =	vlt.f32 v9, $-5.000000000e-01;
	vm12 =	vgt.f32 v9, $5.000000000e-01;
	v13 =	vld.idx.msk [tilespmem:v38+s23+$0x0], $0xffff  }
0x140: {  	v52 =	vadd.f32 $-1.000000000e+00, v7;
	v53 =	vadd.f32 $1.000000000e+00, v7;
	v12 =	vand.u32 $0x7, v12;
	v14 =	vld.idx.msk [tilespmem:v39+s23+$0x0], $0xffff  }
0x141: {  	vm13 =	vlt.f32 v7, $-5.000000000e-01;
	v36 =	vsel vm9, v34, v11;
	v12 =	vor.u32 v12, v21;
	v19 =	vld.idx.msk [tilespmem:v44+s23+$0x0], $0xffff  }
0x142: {  	vm14 =	vgt.f32 v7, $5.000000000e-01;
	v18 =	vsel vm11, v43, v9;
	v10 =	vsel vm10, v35, v36;
	v50 =	vld.idx.msk [tilespmem:v41+s23+$0x0], $0xffff  }
0x143: {  	v51 =	vsel vm12, v42, v18;
	v18 =	vsel vm13, v53, v7;
	v54 =	vld.idx.msk [tilespmem:v47+s23+$0x0], $0xffff;
	v49 =	vmul.f32 v10, v40  }
0x144: {  	v11 =	vld.idx.msk [tilespmem:v46+s23+$0x0], $0xffff;
	v17 =	vsel vm14, v52, v18  }
0x145: {  	v8 =	vmul.f32 v51, v45;
	v7 =	vmul.f32 v10, v13;
	v9 =	vadd.f32 $0.0e+00, v49  }
0x146: {  	v55 =	vmul.f32 v17, v14;
	v12 =	vld.idx.msk [tilespmem:v12+s23+$0x0], $0xffff;
	v10 =	vmul.f32 v19, v10  }
0x147: {  	v56 =	vmul.f32 v50, v51;
	v7 =	vadd.f32 $0.0e+00, v7;
	v8 =	vadd.f32 v9, v8  }
0x148: {  	v57 =	vmul.f32 v54, v51;
	v10 =	vadd.f32 $0.0e+00, v10  }
0x149: {  	v11 =	vmul.f32 v17, v11;
	v7 =	vadd.f32 v7, v56;
	v8 =	vadd.f32 v55, v8  }
0x14a: {  	v9 =	vadd.f32 v57, v10  }
0x14b: {  	v58 =	vmul.f32 v12, v17;
	v7 =	vadd.f32 v11, v7;
	v8 =	vmul.f32 v8, v8;
	_ =	sdelay $0x1  }
0x14c: {  	v9 =	vadd.f32 v58, v9;
	v7 =	vmul.f32 v7, v7;
	v8 =	vadd.f32 $9.999999960e-13, v8;
	_ =	sdelay $0x1  }
0x14d: {  	v59 =	vmul.f32 v9, v9;
	v7 =	vadd.f32 v8, v7;
	_ =	sdelay $0x1  }
0x14e: {  	v7 =	vadd.f32 v59, v7;
	_ =	sdelay $0x1  }
0x14f: {  	vm15 =	vlt.f32 v7, $1.600000000e+01  }
0x150: {  	v60 =	vsel vm15, $0x1, v2  }
0x151: {  	v7 =	vmul.f32 $-6.250000000e-02, v7;
	(xrf0) =	vadd.scan.msk.s32 $0xffff, v60;
	_ =	sdelay $0x1  }
0x152: {  	v7 =	vmul.f32 $1.442695020e+00, v7;
	_ =	sdelay $0x1  }
0x153: {  	v61 =	vmpcnt.ones.xlane vm8;
	(erf) = vpow2.f32 v7;
	_ =	sdelay $0x1  }
0x154: {  	v5 =	vadd.s32 v5, v61;
	v7, _, _ =	vpop (xrf0)  }
0x155: {  	v7 =	vadd.s32 v7, v5  }
0x156: {  	v7 =	vadd.s32 $0xFFFFFFFF, v7  }
0x157: {  	p0 =	sne.s32 s12, $0x1E00  }
.Ltmp5:
0x158: {  	_ = 	snop;
	(pc) =	sbr.rel @p0 .LBB2_5-.Ltmp5, $4  }
0x159: {  	_ = 	snop  }
0x15a: {  	v62 =	vmpcnt.ones.xlane vm15  }
0x15b: {  	v63 =	vpop (erf);
	[tilespmem:v7+s26+$0x0] =	vst.idx.msk vm15, v6  }
0x15c: {  	s12 =	sadd.s32 $0x140, s12;
	v5 =	vadd.s32 v5, v62;
	[tilespmem:v7+s28+$0x0] =	vst.idx.msk vm15, v63  }
0x15d: {  	v4 =	vxor.u32 $0x80000000, v5  }
0x15e: {  	(xrf0) =	vmax.scan.msk.u32 $0xffff, v4;
	_ =	sdelay $0x5  }
0x15f: {  	v4, _, _ =	vpop (xrf0)  }
0x160: {  	(v2sf) =	vpush v4, $0xF;
	_ =	sdelay $0xe  }
0x161: {  	s10 =	spop (v2sf)  }
0x162: {  	v4 =	vadd.s32 v3, v5;
	s12 =	sadd.s32 $0x8000004F, s10  }
0x163: {  	v6 =	vor.u32 $0x10, v3;
	s13 =	smulhi.u32 $0x66666667, s12;
	s14 =	sshra.s32 s12, $0x1F  }
0x164: {  	v6 =	vadd.s32 v6, v5;
	s14 =	smul.u32 $0x66666667, s14  }
0x165: {  	v7 =	vor.u32 $0x20, v3  }
0x166: {  	v7 =	vadd.s32 v7, v5;
	s13 =	sadd.s32 s14, s13  }
0x167: {  	v8 =	vor.u32 $0x30, v3;
	[tilespmem:v4+s26+$0x0] =	vst.idx.msk $0xffff, v2;
	s14 =	sshrl.u32 s13, $0x1F;
	s13 =	sshra.s32 s13, $0x5  }
0x168: {  	[tilespmem:v4+s28+$0x0] =	vst.idx.msk $0xffff, v1;
	v4 =	vadd.s32 v8, v5;
	s13 =	sadd.s32 s14, s13  }
0x169: {  	v63 =	vor.u32 $0x40, v3;
	[tilespmem:v6+s26+$0x0] =	vst.idx.msk $0xffff, v2;
	s14 =	smul.u32 $0xFFFFFFB0, s13  }
0x16a: {  	v5 =	vadd.s32 v63, v5;
	[tilespmem:v6+s28+$0x0] =	vst.idx.msk $0xffff, v1;
	s10 =	ssub.s32 $0x7FFFFFB1, s10  }
0x16b: {  	[tilespmem:v7+s26+$0x0] =	vst.idx.msk $0xffff, v2;
	p0 =	slt.s32 s12, $0x1;
	p1 =	sne.s32 s14, s10  }
0x16c: {  	[tilespmem:v7+s28+$0x0] =	vst.idx.msk $0xffff, v1;
	p0 =	por !p0, !p1  }
0x16d: {  	[tilespmem:v4+s26+$0x0] =	vst.idx.msk $0xffff, v2;
	s10 =	simm.s32 $0x1;
	p0 =	por !p0, !p0  }
0x16e: {  	[tilespmem:v4+s28+$0x0] =	vst.idx.msk $0xffff, v1;
	s10 =	simm.s32 @!p0 $0x0  }
0x16f: {  	[tilespmem:v5+s26+$0x0] =	vst.idx.msk $0xffff, v2;
	s12 =	ssub.s32 s13, s10  }
0x170: {  	[tilespmem:v5+s28+$0x0] =	vst.idx.msk $0xffff, v1;
	p0 =	slt.s32 s12, $0x1  }
0x171: {  	v4 =	vld @!p0 [tilespmem:$0x9D60];
	_ =	sdelay $0x1  }
0x172: {  	v5 =	vld @!p0 [tilespmem:$0x9D70];
	_ =	sdelay $0x1  }
0x173: {  	v6 =	vld @!p0 [tilespmem:$0x9D80]  }
0x174: {  	v7 =	vand.u32 @!p0 $0x3FFF, v4  }
0x175: {  	v8 =	vld @!p0 [tilespmem:$0x9D90];
	v7 =	vadd.s32 @!p0 v0, v7  }
0x176: {  	v4 =	vshrl.u32 @!p0 v4, $0xE;
	[tilespmem:$0xADA0] =	vst @!p0 v7;
	v7 =	vand.u32 @!p0 $0x3FFF, v5  }
0x177: {  	[tilespmem:$0xAE40] =	vst @!p0 v4;
	v4 =	vadd.s32 @!p0 v0, v7;
	v7 =	vld @!p0 [tilespmem:$0x9DA0]  }
0x178: {  	[tilespmem:$0xADB0] =	vst @!p0 v4;
	v4 =	vshrl.u32 @!p0 v5, $0xE;
	v5 =	vand.u32 @!p0 $0x3FFF, v6  }
0x179: {  	[tilespmem:$0xAE50] =	vst @!p0 v4;
	v4 =	vadd.s32 @!p0 v0, v5  }
0x17a: {  	v5 =	vand.u32 @!p0 $0x3FFF, v8;
	[tilespmem:$0xADC0] =	vst @!p0 v4;
	v4 =	vshrl.u32 @!p0 v6, $0xE  }
0x17b: {  	[tilespmem:$0xAE60] =	vst @!p0 v4;
	v4 =	vadd.s32 @!p0 v0, v5  }
0x17c: {  	[tilespmem:$0xADD0] =	vst @!p0 v4;
	v4 =	vshrl.u32 @!p0 v8, $0xE;
	v5 =	vand.u32 @!p0 $0x3FFF, v7  }
.Ltmp6:
0x17d: {  	[tilespmem:$0xAE70] =	vst @!p0 v4;
	v4 =	vadd.s32 @!p0 v0, v5;
	(pc) =	sbr.rel .LBB2_7-.Ltmp6, $4  }
0x17e: {  	[tilespmem:$0xADE0] =	vst @!p0 v4;
	v4 =	vshrl.u32 @!p0 v7, $0xE  }
0x17f: {  	s10 =	simm.s32 @!p0 $0x50;
	s13 =	simm.s32 @!p0 $0xADA0;
	s14 =	simm.s32 @!p0 $0xAEE0;
	[tilespmem:$0xAE80] =	vst @!p0 v4  }
0x180: {  	[tilespmem:s14], [sflag:$0x1] =	stream.indirect.gather @!p0 [hbm4b:s7+s10], $0x40, s13, s10, $0xb8;
	[tilespmem:$0x19EE0] =	vst v63  }
0x181: {  	s15 =	simm.s32 $0x0;
	s13 =	sadd.s32 $0xFFFFFFFF, s12;
	s14 =	simm.s32 $0x0  }
.LBB2_14:
0x182: {  	_ =	sdelay $0x2  }
0x183: {  	[tilespmem:s16+$0x10] =	vst v5;
	v5 =	vld [tilespmem:s16+$0x40]  }
0x184: {  	v4 =	vld.idx.msk [tilespmem:v4+s28+$0x0], $0xffff  }
0x185: {  	v6 =	vld [tilespmem:s16+$0x70]  }
0x186: {  	v7 =	vld [tilespmem:s16+$0x50]  }
0x187: {  	v8 =	vld [tilespmem:s16+$0x60];
	_ =	sdelay $0x1  }
0x188: {  	v5 =	vmul.f32 v5, v4  }
0x189: {  	v6 =	vmul.f32 v6, v4  }
0x18a: {  	v7 =	vmul.f32 v7, v4;
	[tilespmem:s16+$0x40] =	vst v5  }
0x18b: {  	v4 =	vmul.f32 v8, v4;
	[tilespmem:s16+$0x70] =	vst v6  }
0x18c: {  	[tilespmem:s16+$0x50] =	vst v7  }
0x18d: {  	[tilespmem:s16+$0x60] =	vst v4  }
0x18e: {  	[spmem:s2] =	stream.indirect.scatter.add.f32 [tilespmem:s0], [sflag:$0x4], $0x40, s6, s30, $0xb8;
	[tilespmem:$0x19EE0] =	vst v63  }
.LBB2_15:
0x18f: {  	s15 =	sadd.s32 $0x1, s15  }
0x190: {  	p1 =	sne.s32 s15, $0xD  }
.Ltmp7:
0x191: {  	_ = 	snop;
	(pc) =	sbr.rel @!p1 .LBB2_16-.Ltmp7, $2  }
0x192: {  	_ =	sdelay $0x2  }
0x193: {  	s14 =	sadd.s32 $0xA0, s14  }
.LBB2_7:
0x194: {  	s16 =	sshll.u32 s15, $0x1  }
0x195: {  	p1 =	sge.s32 s16, s12  }
.Ltmp8:
0x196: {  	_ = 	snop;
	(pc) =	sbr.rel @p1 .LBB2_11-.Ltmp8, $2  }
0x197: {  	_ =	sdelay $0x2  }
0x198: {  	s17 =	sshllo.u32 s15, $0x1  }
0x199: {  	p1 =	seq.s32 s15, $0x0  }
0x19a: {  	s10 =	smin.u32 s17, s13;
	s18 =	simm.s32 @!p1 $0x4  }
0x19b: {  	s10 =	smul.u32 $0x140, s10;
	_ =	swait.ge @!p1 [sflag:s18], $0x1400  }
0x19c: {  	[sflag:s18] =	ssyncset.done @!p1 $0x0  }
0x19d: {  	s10 =	sshra.s32 s10, $0x2;
	[sflag:s18] =	ssyncadd.s32 @!p1 $0xFFFFEC00  }
0x19e: {  	v4 =	vld [tilespmem:s10+$0x9D60];
	_ =	sdelay $0x4  }
0x19f: {  	v5 =	vand.u32 $0x3FFF, v4;
	v4 =	vshrl.u32 v4, $0xE  }
0x1a0: {  	v5 =	vadd.s32 v0, v5;
	[tilespmem:$0xAE90] =	vst v4  }
0x1a1: {  	[tilespmem:$0xADF0] =	vst v5  }
0x1a2: {  	v4 =	vld [tilespmem:s10+$0x9D70];
	_ =	sdelay $0x4  }
0x1a3: {  	v5 =	vand.u32 $0x3FFF, v4;
	v4 =	vshrl.u32 v4, $0xE  }
0x1a4: {  	v5 =	vadd.s32 v0, v5;
	[tilespmem:$0xAEA0] =	vst v4  }
0x1a5: {  	[tilespmem:$0xAE00] =	vst v5  }
0x1a6: {  	v4 =	vld [tilespmem:s10+$0x9D80];
	_ =	sdelay $0x4  }
0x1a7: {  	v5 =	vand.u32 $0x3FFF, v4;
	v4 =	vshrl.u32 v4, $0xE  }
0x1a8: {  	v5 =	vadd.s32 v0, v5;
	[tilespmem:$0xAEB0] =	vst v4  }
0x1a9: {  	[tilespmem:$0xAE10] =	vst v5  }
0x1aa: {  	v4 =	vld [tilespmem:s10+$0x9D90];
	_ =	sdelay $0x4  }
0x1ab: {  	v5 =	vand.u32 $0x3FFF, v4;
	v4 =	vshrl.u32 v4, $0xE  }
0x1ac: {  	v5 =	vadd.s32 v0, v5;
	[tilespmem:$0xAEC0] =	vst v4  }
0x1ad: {  	[tilespmem:$0xAE20] =	vst v5  }
0x1ae: {  	v4 =	vld [tilespmem:s10+$0x9DA0];
	_ =	sdelay $0x4  }
0x1af: {  	s20 =	sadd.s32 $0x0, s14;
	v5 =	vand.u32 $0x3FFF, v4  }
0x1b0: {  	v6 =	vmov s20;
	v5 =	vadd.s32 v0, v5  }
0x1b1: {  	v4 =	vshrl.u32 v4, $0xE;
	[tilespmem:$0xAE30] =	vst v5;
	v5 =	vand.u32 $0xFFFFFFFC, v6  }
0x1b2: {  	[tilespmem:$0xAED0] =	vst v4;
	v4 =	vbroadcast v5, $0x0  }
0x1b3: {  	[tilespmem:s0], [sflag:$0x2] =	stream.indirect.gather [hbm4b:s7+s30], $0x40, s31, s30, $0xb8;
	[tilespmem:$0x19EE0] =	vst v63  }
0x1b4: {  	_ =	swait.ge [sflag:s29], $0x1400  }
0x1b5: {  	[sflag:s29] =	ssyncset.done $0x0  }
0x1b6: {  	s18 =	simm.s32 $0xAF60;
	[sflag:s29] =	ssyncadd.s32 $0xFFFFEC00  }
0x1b7: {  	v5 =	vld [tilespmem:s18+$0xFFFFFFB0]  }
0x1b8: {  	v4 =	vld.idx.msk [tilespmem:v4+s28+$0x0], $0xffff  }
0x1b9: {  	v6 =	vld [tilespmem:s18+$0xFFFFFF80]  }
0x1ba: {  	s19 =	sadd.s32 $0x1, s20;
	v7 =	vld [tilespmem:s18+$0xFFFFFF90]  }
0x1bb: {  	v8 =	vmov s19;
	v9 =	vld [tilespmem:s18+$0xFFFFFFA0]  }
0x1bc: {  	v8 =	vand.u32 $0xFFFFFFFD, v8  }
0x1bd: {  	v8 =	vbroadcast v8, $0x0;
	v5 =	vmul.f32 v5, v4  }
0x1be: {  	v6 =	vmul.f32 v6, v4  }
0x1bf: {  	v7 =	vmul.f32 v7, v4;
	[tilespmem:s18+$0xFFFFFFB0] =	vst v5  }
0x1c0: {  	v4 =	vmul.f32 v9, v4;
	[tilespmem:s18+$0xFFFFFF80] =	vst v6  }
0x1c1: {  	[tilespmem:s18+$0xFFFFFF90] =	vst v7  }
0x1c2: {  	[tilespmem:s18+$0xFFFFFFA0] =	vst v4;
	v5 =	vld [tilespmem:s18+$0xFFFFFFC0]  }
0x1c3: {  	v4 =	vld.idx.msk [tilespmem:v8+s28+$0x0], $0xffff  }
0x1c4: {  	v6 =	vld [tilespmem:s18+$0xFFFFFFF0]  }
0x1c5: {  	s21 =	sadd.s32 $0x2, s20;
	v7 =	vld [tilespmem:s18+$0xFFFFFFD0]  }
0x1c6: {  	v62 =	vmov s21;
	v61 =	vld [tilespmem:s18+$0xFFFFFFE0]  }
0x1c7: {  	v9 =	vand.u32 $0xFFFFFFFE, v62  }
0x1c8: {  	v9 =	vbroadcast v9, $0x0;
	v5 =	vmul.f32 v5, v4  }
0x1c9: {  	v6 =	vmul.f32 v6, v4  }
0x1ca: {  	v7 =	vmul.f32 v7, v4;
	[tilespmem:s18+$0xFFFFFFC0] =	vst v5  }
0x1cb: {  	v4 =	vmul.f32 v61, v4;
	[tilespmem:s18+$0xFFFFFFF0] =	vst v6  }
0x1cc: {  	[tilespmem:s18+$0xFFFFFFD0] =	vst v7  }
0x1cd: {  	[tilespmem:s18+$0xFFFFFFE0] =	vst v4;
	v4 =	vld [tilespmem:s18+$0x0]  }
0x1ce: {  	v5 =	vld.idx.msk [tilespmem:v9+s28+$0x0], $0xffff  }
0x1cf: {  	v6 =	vld [tilespmem:s18+$0x30]  }
0x1d0: {  	v7 =	vld [tilespmem:s18+$0x20];
	_ =	sdelay $0x1  }
0x1d1: {  	v63 =	vld [tilespmem:s18+$0x10]  }
0x1d2: {  	v4 =	vmul.f32 v4, v5  }
0x1d3: {  	s10 =	sadd.s32 $0x3, s20;
	v6 =	vmul.f32 v6, v5  }
0x1d4: {  	v7 =	vmul.f32 v7, v5;
	[tilespmem:s18+$0x0] =	vst v4;
	v4 =	vmov s10  }
0x1d5: {  	[tilespmem:s18+$0x30] =	vst v6  }
0x1d6: {  	s19 =	simm.s32 $0x4;
	s20 =	simm.s32 $0xAF60;
	v5 =	vmul.f32 v63, v5;
	[tilespmem:s18+$0x20] =	vst v7  }
.LBB2_9:
0x1d7: {  	p1 =	sne.s32 s19, $0x4C  }
0x1d8: {  	[tilespmem:s18+$0x10] =	vst v5;
	v5 =	vld [tilespmem:s18+$0x70];
	s20 =	sadd.s32 $0x100, s20;
	s10 =	smov.u32 s19;
	s19 =	sadd.s32 $0x4, s19  }
0x1d9: {  	v4 =	vld.idx.msk [tilespmem:v4+s28+$0x0], $0xffff  }
0x1da: {  	v6 =	vld [tilespmem:s18+$0x40]  }
0x1db: {  	v7 =	vld [tilespmem:s18+$0x50]  }
0x1dc: {  	s10 =	sadd.s32 s10, s14;
	v8 =	vld [tilespmem:s18+$0x60]  }
0x1dd: {  	v9 =	vmov s10;
	s8 =	sadd.s32 $0x1, s10;
	s21 =	sadd.s32 $0x2, s10;
	s10 =	sadd.s32 $0x3, s10  }
0x1de: {  	v9 =	vand.u32 $0xFFFFFFFC, v9;
	v10 =	vmov s8;
	v11 =	vmov s21  }
0x1df: {  	v9 =	vbroadcast v9, $0x0;
	v10 =	vand.u32 $0xFFFFFFFD, v10;
	v6 =	vmul.f32 v6, v4  }
0x1e0: {  	v11 =	vand.u32 $0xFFFFFFFE, v11;
	v5 =	vmul.f32 v5, v4;
	v7 =	vmul.f32 v7, v4  }
0x1e1: {  	[tilespmem:s18+$0x40] =	vst v6;
	v4 =	vmul.f32 v8, v4  }
0x1e2: {  	[tilespmem:s18+$0x70] =	vst v5  }
0x1e3: {  	v5 =	vld [tilespmem:s20+$0xFFFFFFA0];
	[tilespmem:s18+$0x50] =	vst v7  }
0x1e4: {  	v6 =	vld [tilespmem:s20+$0xFFFFFFB0];
	[tilespmem:s18+$0x60] =	vst v4;
	s18 =	smov.u32 s20  }
0x1e5: {  	v4 =	vld.idx.msk [tilespmem:v9+s28+$0x0], $0xffff  }
0x1e6: {  	v7 =	vld [tilespmem:s20+$0xFFFFFF80]  }
0x1e7: {  	v8 =	vld [tilespmem:s20+$0xFFFFFF90];
	_ =	sdelay $0x2  }
0x1e8: {  	v9 =	vbroadcast v10, $0x0  }
0x1e9: {  	v6 =	vmul.f32 v6, v4;
	v7 =	vmul.f32 v7, v4  }
0x1ea: {  	v8 =	vmul.f32 v8, v4;
	v4 =	vmul.f32 v5, v4  }
0x1eb: {  	[tilespmem:s20+$0xFFFFFFB0] =	vst v6  }
0x1ec: {  	[tilespmem:s20+$0xFFFFFF80] =	vst v7  }
0x1ed: {  	[tilespmem:s20+$0xFFFFFF90] =	vst v8;
	v5 =	vld [tilespmem:s20+$0xFFFFFFF0]  }
0x1ee: {  	[tilespmem:s20+$0xFFFFFFA0] =	vst v4;
	v4 =	vld [tilespmem:s20+$0xFFFFFFD0]  }
0x1ef: {  	v6 =	vld.idx.msk [tilespmem:v9+s28+$0x0], $0xffff  }
0x1f0: {  	v7 =	vld [tilespmem:s20+$0xFFFFFFC0]  }
0x1f1: {  	v8 =	vld [tilespmem:s20+$0xFFFFFFE0];
	_ =	sdelay $0x2  }
0x1f2: {  	v9 =	vbroadcast v11, $0x0  }
0x1f3: {  	v4 =	vmul.f32 v4, v6;
	v7 =	vmul.f32 v7, v6  }
0x1f4: {  	v5 =	vmul.f32 v5, v6;
	v8 =	vmul.f32 v8, v6  }
0x1f5: {  	[tilespmem:s20+$0xFFFFFFC0] =	vst v7  }
0x1f6: {  	[tilespmem:s20+$0xFFFFFFF0] =	vst v5  }
0x1f7: {  	[tilespmem:s20+$0xFFFFFFD0] =	vst v4;
	v4 =	vld [tilespmem:s20+$0x30]  }
0x1f8: {  	[tilespmem:s20+$0xFFFFFFE0] =	vst v8;
	v5 =	vld [tilespmem:s20+$0x0]  }
0x1f9: {  	v6 =	vld.idx.msk [tilespmem:v9+s28+$0x0], $0xffff  }
0x1fa: {  	v7 =	vld [tilespmem:s20+$0x10]  }
0x1fb: {  	v8 =	vld [tilespmem:s20+$0x20];
	_ =	sdelay $0x3  }
.Ltmp9:
0x1fc: {  	v9 =	vmul.f32 v5, v6;
	v5 =	vmul.f32 v7, v6;
	(pc) =	sbr.rel @p1 .LBB2_9-.Ltmp9, $4  }
0x1fd: {  	v7 =	vmul.f32 v8, v6;
	v6 =	vmul.f32 v4, v6;
	v4 =	vmov s10  }
0x1fe: {  	[tilespmem:s20+$0x0] =	vst v9  }
0x1ff: {  	[tilespmem:s20+$0x30] =	vst v6  }
0x200: {  	[tilespmem:s20+$0x20] =	vst v7  }
0x201: {  	_ =	sdelay $0x2  }
0x202: {  	[tilespmem:s18+$0x10] =	vst v5;
	v5 =	vld [tilespmem:s18+$0x40]  }
0x203: {  	v4 =	vld.idx.msk [tilespmem:v4+s28+$0x0], $0xffff  }
0x204: {  	v6 =	vld [tilespmem:s18+$0x70]  }
0x205: {  	v7 =	vld [tilespmem:s18+$0x50]  }
0x206: {  	v8 =	vld [tilespmem:s18+$0x60];
	_ =	sdelay $0x1  }
0x207: {  	v5 =	vmul.f32 v5, v4  }
0x208: {  	v6 =	vmul.f32 v6, v4  }
0x209: {  	v7 =	vmul.f32 v7, v4;
	[tilespmem:s18+$0x40] =	vst v5  }
0x20a: {  	v4 =	vmul.f32 v8, v4;
	[tilespmem:s18+$0x70] =	vst v6  }
0x20b: {  	[tilespmem:s18+$0x50] =	vst v7  }
0x20c: {  	[tilespmem:s18+$0x60] =	vst v4  }
0x20d: {  	[spmem:s2] =	stream.indirect.scatter.add.f32 [tilespmem:s25], [sflag:$0x3], $0x40, s24, s30, $0xb8;
	[tilespmem:$0x19EE0] =	vst v63  }
.LBB2_11:
0x20e: {  	p1 =	sge.s32 s17, s12  }
.Ltmp10:
0x20f: {  	_ = 	snop;
	(pc) =	sbr.rel @p1 .LBB2_15-.Ltmp10, $1  }
0x210: {  	_ =	sdelay $0x3  }
0x211: {  	s8 =	sadd.s32 $0x2, s16  }
0x212: {  	s10 =	smov.u32 s13;
	p1 =	slt.s32 s8, s13  }
0x213: {  	s10 =	smov.u32 @p1 s8  }
0x214: {  	_ =	swait.ge [sflag:s1], $0x1400;
	s8 =	smul.u32 $0x140, s10  }
0x215: {  	[sflag:s1] =	ssyncset.done $0x0  }
0x216: {  	[sflag:s1] =	ssyncadd.s32 $0xFFFFEC00;
	s8 =	sshra.s32 s8, $0x2  }
0x217: {  	v4 =	vld [tilespmem:s8+$0x9D60];
	_ =	sdelay $0x4  }
0x218: {  	v5 =	vand.u32 $0x3FFF, v4;
	v4 =	vshrl.u32 v4, $0xE  }
0x219: {  	v5 =	vadd.s32 v0, v5;
	[tilespmem:$0xAE40] =	vst v4  }
0x21a: {  	[tilespmem:$0xADA0] =	vst v5  }
0x21b: {  	v4 =	vld [tilespmem:s8+$0x9D70];
	_ =	sdelay $0x4  }
0x21c: {  	v5 =	vand.u32 $0x3FFF, v4;
	v4 =	vshrl.u32 v4, $0xE  }
0x21d: {  	v5 =	vadd.s32 v0, v5;
	[tilespmem:$0xAE50] =	vst v4  }
0x21e: {  	[tilespmem:$0xADB0] =	vst v5  }
0x21f: {  	v4 =	vld [tilespmem:s8+$0x9D80];
	_ =	sdelay $0x4  }
0x220: {  	v5 =	vand.u32 $0x3FFF, v4;
	v4 =	vshrl.u32 v4, $0xE  }
0x221: {  	v5 =	vadd.s32 v0, v5;
	[tilespmem:$0xAE60] =	vst v4  }
0x222: {  	[tilespmem:$0xADC0] =	vst v5  }
0x223: {  	v4 =	vld [tilespmem:s8+$0x9D90];
	_ =	sdelay $0x4  }
0x224: {  	v5 =	vand.u32 $0x3FFF, v4;
	v4 =	vshrl.u32 v4, $0xE  }
0x225: {  	v5 =	vadd.s32 v0, v5;
	[tilespmem:$0xAE70] =	vst v4  }
0x226: {  	[tilespmem:$0xADD0] =	vst v5  }
0x227: {  	v4 =	vld [tilespmem:s8+$0x9DA0];
	_ =	sdelay $0x3  }
0x228: {  	s18 =	sadd.s32 $0xFFFFFFB0, s14  }
0x229: {  	s19 =	sadd.s32 $0xA0, s18;
	v5 =	vand.u32 $0x3FFF, v4  }
0x22a: {  	v6 =	vmov s19;
	v5 =	vadd.s32 v0, v5  }
0x22b: {  	v4 =	vshrl.u32 v4, $0xE;
	[tilespmem:$0xADE0] =	vst v5;
	v5 =	vand.u32 $0xFFFFFFFC, v6  }
0x22c: {  	[tilespmem:$0xAE80] =	vst v4;
	v4 =	vbroadcast v5, $0x0  }
0x22d: {  	[tilespmem:s25], [sflag:$0x1] =	stream.indirect.gather [hbm4b:s7+s30], $0x40, s4, s30, $0xb8;
	[tilespmem:$0x19EE0] =	vst v63  }
0x22e: {  	_ =	swait.ge [sflag:s5], $0x1400  }
0x22f: {  	[sflag:s5] =	ssyncset.done $0x0  }
0x230: {  	s16 =	simm.s32 $0xC360;
	[sflag:s5] =	ssyncadd.s32 $0xFFFFEC00  }
0x231: {  	v5 =	vld [tilespmem:s16+$0xFFFFFFB0]  }
0x232: {  	v4 =	vld.idx.msk [tilespmem:v4+s28+$0x0], $0xffff  }
0x233: {  	v6 =	vld [tilespmem:s16+$0xFFFFFF80]  }
0x234: {  	s20 =	sadd.s32 $0xA1, s18;
	v7 =	vld [tilespmem:s16+$0xFFFFFF90]  }
0x235: {  	v8 =	vmov s20;
	v9 =	vld [tilespmem:s16+$0xFFFFFFA0]  }
0x236: {  	v8 =	vand.u32 $0xFFFFFFFD, v8  }
0x237: {  	v8 =	vbroadcast v8, $0x0;
	v5 =	vmul.f32 v5, v4  }
0x238: {  	v6 =	vmul.f32 v6, v4  }
0x239: {  	v7 =	vmul.f32 v7, v4;
	[tilespmem:s16+$0xFFFFFFB0] =	vst v5  }
0x23a: {  	v4 =	vmul.f32 v9, v4;
	[tilespmem:s16+$0xFFFFFF80] =	vst v6  }
0x23b: {  	[tilespmem:s16+$0xFFFFFF90] =	vst v7  }
0x23c: {  	[tilespmem:s16+$0xFFFFFFA0] =	vst v4;
	v5 =	vld [tilespmem:s16+$0xFFFFFFC0]  }
0x23d: {  	v4 =	vld.idx.msk [tilespmem:v8+s28+$0x0], $0xffff  }
0x23e: {  	v6 =	vld [tilespmem:s16+$0xFFFFFFF0]  }
0x23f: {  	s21 =	sadd.s32 $0xA2, s18;
	v7 =	vld [tilespmem:s16+$0xFFFFFFD0]  }
0x240: {  	v62 =	vmov s21;
	v61 =	vld [tilespmem:s16+$0xFFFFFFE0]  }
0x241: {  	v9 =	vand.u32 $0xFFFFFFFE, v62  }
0x242: {  	v9 =	vbroadcast v9, $0x0;
	v5 =	vmul.f32 v5, v4  }
0x243: {  	v6 =	vmul.f32 v6, v4  }
0x244: {  	v7 =	vmul.f32 v7, v4;
	[tilespmem:s16+$0xFFFFFFC0] =	vst v5  }
0x245: {  	v4 =	vmul.f32 v61, v4;
	[tilespmem:s16+$0xFFFFFFF0] =	vst v6  }
0x246: {  	[tilespmem:s16+$0xFFFFFFD0] =	vst v7  }
0x247: {  	[tilespmem:s16+$0xFFFFFFE0] =	vst v4;
	v4 =	vld [tilespmem:s16+$0x0]  }
0x248: {  	v5 =	vld.idx.msk [tilespmem:v9+s28+$0x0], $0xffff  }
0x249: {  	v6 =	vld [tilespmem:s16+$0x30]  }
0x24a: {  	v7 =	vld [tilespmem:s16+$0x20];
	_ =	sdelay $0x1  }
0x24b: {  	v63 =	vld [tilespmem:s16+$0x10]  }
0x24c: {  	v4 =	vmul.f32 v4, v5  }
0x24d: {  	s8 =	sadd.s32 $0xA3, s18;
	v6 =	vmul.f32 v6, v5  }
0x24e: {  	v7 =	vmul.f32 v7, v5;
	[tilespmem:s16+$0x0] =	vst v4;
	v4 =	vmov s8  }
0x24f: {  	[tilespmem:s16+$0x30] =	vst v6  }
0x250: {  	s17 =	simm.s32 $0xFFFFFFB4;
	s18 =	simm.s32 $0xC360;
	v5 =	vmul.f32 v63, v5;
	[tilespmem:s16+$0x20] =	vst v7  }
.LBB2_13:
0x251: {  	p1 =	sne.s32 s17, $0xFFFFFFFC  }
0x252: {  	[tilespmem:s16+$0x10] =	vst v5;
	v5 =	vld [tilespmem:s16+$0x70];
	s18 =	sadd.s32 $0x100, s18;
	s8 =	smov.u32 s17;
	s17 =	sadd.s32 $0x4, s17  }
0x253: {  	v4 =	vld.idx.msk [tilespmem:v4+s28+$0x0], $0xffff  }
0x254: {  	v6 =	vld [tilespmem:s16+$0x40]  }
0x255: {  	s8 =	sadd.s32 s8, s14;
	v7 =	vld [tilespmem:s16+$0x50]  }
0x256: {  	s10 =	sadd.s32 $0xA0, s8;
	s19 =	sadd.s32 $0xA1, s8;
	s20 =	sadd.s32 $0xA2, s8;
	v8 =	vld [tilespmem:s16+$0x60]  }
0x257: {  	v9 =	vmov s10;
	v10 =	vmov s19;
	v11 =	vmov s20;
	s10 =	sadd.s32 $0xA3, s8  }
0x258: {  	v9 =	vand.u32 $0xFFFFFFFC, v9;
	v10 =	vand.u32 $0xFFFFFFFD, v10;
	v11 =	vand.u32 $0xFFFFFFFE, v11  }
0x259: {  	v9 =	vbroadcast v9, $0x0;
	v6 =	vmul.f32 v6, v4  }
0x25a: {  	v5 =	vmul.f32 v5, v4;
	v7 =	vmul.f32 v7, v4  }
0x25b: {  	[tilespmem:s16+$0x40] =	vst v6;
	v4 =	vmul.f32 v8, v4  }
0x25c: {  	[tilespmem:s16+$0x70] =	vst v5  }
0x25d: {  	v5 =	vld [tilespmem:s18+$0xFFFFFFA0];
	[tilespmem:s16+$0x50] =	vst v7  }
0x25e: {  	v6 =	vld [tilespmem:s18+$0xFFFFFFB0];
	[tilespmem:s16+$0x60] =	vst v4;
	s16 =	smov.u32 s18  }
0x25f: {  	v4 =	vld.idx.msk [tilespmem:v9+s28+$0x0], $0xffff  }
0x260: {  	v7 =	vld [tilespmem:s18+$0xFFFFFF80]  }
0x261: {  	v8 =	vld [tilespmem:s18+$0xFFFFFF90];
	_ =	sdelay $0x2  }
0x262: {  	v9 =	vbroadcast v10, $0x0  }
0x263: {  	v6 =	vmul.f32 v6, v4;
	v7 =	vmul.f32 v7, v4  }
0x264: {  	v8 =	vmul.f32 v8, v4;
	v4 =	vmul.f32 v5, v4  }
0x265: {  	[tilespmem:s18+$0xFFFFFFB0] =	vst v6  }
0x266: {  	[tilespmem:s18+$0xFFFFFF80] =	vst v7  }
0x267: {  	[tilespmem:s18+$0xFFFFFF90] =	vst v8;
	v5 =	vld [tilespmem:s18+$0xFFFFFFF0]  }
0x268: {  	[tilespmem:s18+$0xFFFFFFA0] =	vst v4;
	v4 =	vld [tilespmem:s18+$0xFFFFFFD0]  }
0x269: {  	v6 =	vld.idx.msk [tilespmem:v9+s28+$0x0], $0xffff  }
0x26a: {  	v7 =	vld [tilespmem:s18+$0xFFFFFFC0]  }
0x26b: {  	v8 =	vld [tilespmem:s18+$0xFFFFFFE0];
	_ =	sdelay $0x2  }
0x26c: {  	v9 =	vbroadcast v11, $0x0  }
0x26d: {  	v4 =	vmul.f32 v4, v6;
	v7 =	vmul.f32 v7, v6  }
0x26e: {  	v5 =	vmul.f32 v5, v6;
	v8 =	vmul.f32 v8, v6  }
0x26f: {  	[tilespmem:s18+$0xFFFFFFC0] =	vst v7  }
0x270: {  	[tilespmem:s18+$0xFFFFFFF0] =	vst v5  }
0x271: {  	[tilespmem:s18+$0xFFFFFFD0] =	vst v4;
	v4 =	vld [tilespmem:s18+$0x30]  }
0x272: {  	[tilespmem:s18+$0xFFFFFFE0] =	vst v8;
	v5 =	vld [tilespmem:s18+$0x0]  }
0x273: {  	v6 =	vld.idx.msk [tilespmem:v9+s28+$0x0], $0xffff  }
0x274: {  	v7 =	vld [tilespmem:s18+$0x10]  }
0x275: {  	v8 =	vld [tilespmem:s18+$0x20];
	_ =	sdelay $0x3  }
.Ltmp11:
0x276: {  	v9 =	vmul.f32 v5, v6;
	v5 =	vmul.f32 v7, v6;
	(pc) =	sbr.rel @p1 .LBB2_13-.Ltmp11, $4  }
0x277: {  	v7 =	vmul.f32 v8, v6;
	v6 =	vmul.f32 v4, v6;
	v4 =	vmov s10  }
0x278: {  	[tilespmem:s18+$0x0] =	vst v9  }
0x279: {  	[tilespmem:s18+$0x30] =	vst v6  }
0x27a: {  	[tilespmem:s18+$0x20] =	vst v7  }
.Ltmp12:
0x27b: {  	_ = 	snop;
	(pc) =	sbr.rel .LBB2_14-.Ltmp12, $1  }
0x27c: {  	_ =	sdelay $0x3  }
.LBB2_18:
0x27d: {  	_ =	sfence.sel $0x180000  }
0x27e: {  	[bflag:$0x0] =	sbarrier.arrive $0xFFFF  }
0x27f: {  	_ =	strace $0x90000047  }
0x280: {  	s0 =	stileid.u32;
	[bflag:$0x2] =	sbarrier.arrive $0xFFFF  }
0x281: {  	p0 =	sne.s32 s0, $0x0;
	s0 =	rddreg [dreg:$0x2]  }
0x282: {  	s0 =	sadd.s32 @!p0 $0x100000, s0  }
0x283: {  	[sflag:s0] =	ssyncadd.tile.s32 @!p0 $0x1;
	_ =	shalt  }
.Lfunc_end2:
_tile_overlayer_lowered:
.L_overlay_start_2:
0x284: {  	(tag) =	ssettag $0x2  }
0x285: {  	s0 =	rddreg [dreg:$0x0];
	s2 =	stileid.u32  }
0x286: {  	s1 =	rddreg [dreg:$0x1];
	p0 =	sne.s32 s2, $0x0  }
0x287: {  	s3 =	rddreg [dreg:$0x2];
	[bflag:$0x3] =	sbarrier.arrive $0xFFFF;
	s2 =	simm.s32 @!p0 $0x1C05  }
0x288: {  	[timem:s3], [sflag:s2] =	dma.local @!p0 [hbm:s0], s1  }
0x289: {  	s0 =	simm.s32 @!p0 $0x5  }
0x28a: {  	_ =	swait.ge @!p0 [sflag:s0], s1  }
0x28b: {  	s1 =	ssub.s32 @!p0 $0x0, s1;
	[sflag:s0] =	ssyncset.done @!p0 $0x0  }
0x28c: {  	[sflag:s0] =	ssyncadd.s32 @!p0 s1  }
0x28d: {  	[bflag:$0x3] =	sbarrier.arrive $0xFFFF  }
0x28e: {  	_ =	shalt  }

</sc_bundles>
